<compile_context>
chip_gen: v7x
topology: tpu7x:2x2x1
jax: 0.10.2.dev20260603
libtpu: 0.0.44.dev20260713+nightly
codegen_flags: <defaults>
</compile_context>

<pallas_src>
import functools

import jax
import jax.numpy as jnp
from jax import lax
from jax.experimental import pallas as pl
from jax.experimental.pallas import tpu as pltpu
from jax.experimental.pallas import tpu_sc as plsc

D = 128
L = 50
V = 100000
VP = 102400
M = 1000
MP = 1024
C = 20
P = 5
NW = 32
KSEG = 32
KIDX = KSEG * 64
VTOK = 1664
NROW = 24

_mesh = plsc.VectorSubcoreMesh(core_axis_name="c", subcore_axis_name="s")



@functools.partial(
    pl.kernel,
    out_type=jax.ShapeDtypeStruct((NW, D), jnp.float32),
    mesh=_mesh,
    scratch_types=[
        pltpu.VMEM((56,), jnp.int32),
        pltpu.VMEM((56, D), jnp.float32),
        pltpu.VMEM((1, D), jnp.float32),
        pltpu.SemaphoreType.DMA,
    ],
    compiler_params=pltpu.CompilerParams(needs_layout_passes=False),
)
def _pool_small_sc(emb_hbm, idx_hbm, out_hbm, idx_v, rows_v, out_v, sem):
    cid = lax.axis_index("c")
    sid = lax.axis_index("s")
    wid = sid * 2 + cid
    pltpu.sync_copy(idx_hbm.at[pl.ds(wid * 64, 56)], idx_v)
    pltpu.async_copy(emb_hbm.at[idx_v], rows_v, sem).wait()

    def row_body(r, acc):
        return tuple(acc[k] + rows_v[r, pl.ds(16 * k, 16)]
                     for k in range(8))

    acc = lax.fori_loop(
        0, L, row_body,
        tuple(jnp.zeros((16,), jnp.float32) for _ in range(8)))
    for k in range(8):
        out_v[0, pl.ds(16 * k, 16)] = acc[k] * (1.0 / L)
    pltpu.sync_copy(out_v, out_hbm.at[pl.ds(wid, 1)])



def _qg_tc(pooled_ref, rw_ref, out_ref):
    pooled = pooled_ref[...]
    rw = rw_ref[...]
    enc_cands = pooled[0:C]
    enc_persona = pooled[C:C + P]
    enc_x = pooled[C + P:C + P + 1]
    eps = 1e-6
    dot = jnp.sum(enc_x * enc_persona, axis=1, keepdims=True)
    na = jnp.sqrt(jnp.sum(enc_x * enc_x, axis=1, keepdims=True))
    nb = jnp.sqrt(jnp.sum(enc_persona * enc_persona, axis=1, keepdims=True))
    sim = dot / (jnp.maximum(na, eps) * jnp.maximum(nb, eps))
    m = jnp.max(sim, axis=0, keepdims=True)
    ex = jnp.exp(sim - m)
    ss = ex / jnp.sum(ex, axis=0, keepdims=True)
    test = jnp.dot(ss.T, enc_persona, preferred_element_type=jnp.float32)
    q = jnp.dot(test, rw.T, preferred_element_type=jnp.float32)
    g = jnp.dot(enc_cands, rw, preferred_element_type=jnp.float32)
    out_ref[0:1, :] = q
    out_ref[1:1 + C, :] = g
    out_ref[1 + C:, :] = jnp.zeros((NROW - 1 - C, D), jnp.float32)



_CBLK = 4096

def _table_tc(pooled_ref, rw_ref, emb_ref, y_ref, wall_ref):
    @pl.when(pl.program_id(0) == 0)
    def _():
        _qg_tc(pooled_ref, rw_ref, wall_ref)

    y_ref[...] = jax.lax.dot_general(
        wall_ref[...], emb_ref[...],
        dimension_numbers=(((1,), (1,)), ((), ())),
        preferred_element_type=jnp.float32).astype(jnp.bfloat16)



@functools.partial(
    pl.kernel,
    out_type=(jax.ShapeDtypeStruct((MP,), jnp.float32),
              jax.ShapeDtypeStruct((2, VP), jnp.float32)),
    mesh=_mesh,
    scratch_types=[
        pltpu.VMEM((2048,), jnp.int32),
        pltpu.VMEM((2048,), jnp.float32),
        pltpu.VMEM((48,), jnp.float32),
        pltpu.VMEM((13, 128), jnp.int32),
        pltpu.VMEM((13, 128), jnp.int32),
        pltpu.VMEM((13, 128), jnp.float32),
        pltpu.VMEM_SHARED((VP,), jnp.float32),
        pltpu.VMEM_SHARED((VP,), jnp.float32),
        pltpu.SemaphoreType.DMA,
        pltpu.SemaphoreType.DMA,
    ],
    compiler_params=pltpu.CompilerParams(needs_layout_passes=False),
)
def _kv_sc(yq_hbm, kidx_hbm, vidx_hbm, smap_hbm, zeros_hbm,
           e_hbm, w_hbm, kidx_v, kval_v, e_v, vidx_v, smap_v, u_v,
           yq_sp, w_sp, sem, sem_z):
    cid = lax.axis_index("c")
    sid = lax.axis_index("s")
    wid = sid * 2 + cid
    wslc = VP // 16

    pltpu.async_copy(zeros_hbm.at[pl.ds(sid * wslc, wslc)],
                     w_sp.at[pl.ds(sid * wslc, wslc)], sem_z)

    with jax.named_scope("kv_stage"):
        pltpu.sync_copy(yq_hbm.at[pl.ds(sid * wslc, wslc)],
                        yq_sp.at[pl.ds(sid * wslc, wslc)])
        pltpu.sync_copy(kidx_hbm.at[wid], kidx_v)
        pltpu.sync_copy(vidx_hbm.at[wid], vidx_v)
        pltpu.sync_copy(smap_hbm, smap_v)
        plsc.subcore_barrier()

    with jax.named_scope("kv_keys_gather"):
        pltpu.async_copy(yq_sp.at[kidx_v], kval_v, sem).wait()
    with jax.named_scope("kv_seg_sums"):
        lanes = lax.iota(jnp.int32, 16)
        for g in range(2):
            base = lanes * 64 + g * 1024
            ssum = jnp.zeros((16,), jnp.float32)
            for t in range(L):
                ssum = ssum + plsc.load_gather(kval_v, [base + t])
            seg_global = wid * KSEG + g * 16 + lanes
            e = jnp.exp(ssum * (1.0 / L))
            e = jnp.where(seg_global < M, e, 0.0)
            e_v[pl.ds(g * 16, 16)] = e
        e_v[pl.ds(32, 16)] = jnp.zeros((16,), jnp.float32)
        pltpu.sync_copy(e_v.at[pl.ds(0, KSEG)],
                        e_hbm.at[pl.ds(wid * KSEG, KSEG)])

    with jax.named_scope("kv_u_build"):
        for j in range(13):
            for t in range(8):
                sm = smap_v[j, pl.ds(16 * t, 16)]
                u_v[j, pl.ds(16 * t, 16)] = plsc.load_gather(e_v, [sm])

    with jax.named_scope("kv_w_init"):
        pltpu.make_async_copy(
            zeros_hbm.at[pl.ds(sid * wslc, wslc)],
            w_sp.at[pl.ds(sid * wslc, wslc)], sem_z).wait()
        plsc.subcore_barrier()
    with jax.named_scope("kv_scatter"):
        for j in range(13):
            pltpu.sync_copy(u_v.at[j], w_sp.at[vidx_v.at[j]], add=True)
        plsc.subcore_barrier()
    with jax.named_scope("kv_w_out"):
        pltpu.sync_copy(w_sp.at[pl.ds(sid * wslc, wslc)],
                        w_hbm.at[cid, pl.ds(sid * wslc, wslc)])



_EBLK = 6400

def _logits_tc(y_ref, w_ref, e_ref, out_ref, acc_ref):
    i = pl.program_id(0)

    @pl.when(i == 0)
    def _():
        acc_ref[...] = jnp.zeros((NROW, 1), jnp.float32)

    ws = w_ref[0:1, :] + w_ref[1:2, :]
    col = i * _EBLK + jax.lax.broadcasted_iota(jnp.int32, (1, _EBLK), 1)
    yblk = jnp.where(col < V, y_ref[...].astype(jnp.float32), 0.0)
    acc_ref[...] += jax.lax.dot_general(
        yblk, ws,
        dimension_numbers=(((1,), (1,)), ((), ())),
        preferred_element_type=jnp.float32)

    @pl.when(i == pl.num_programs(0) - 1)
    def _():
        z = jnp.sum(e_ref[...])
        logits = acc_ref[1:1 + C, :] * (1.0 / (L * z))
        mx = jnp.max(logits, axis=0, keepdims=True)
        ex = jnp.exp(logits - mx)
        out_ref[...] = ex / jnp.sum(ex, axis=0, keepdims=True)



def kernel(xs, candidates, persona, label, keys, values, emb_table, R_W):
    del label
    emb = emb_table.astype(jnp.float32)
    rw = R_W.astype(jnp.float32)

    small = jnp.concatenate([
        candidates.reshape(-1), persona.reshape(-1), xs.reshape(-1),
    ]).astype(jnp.int32).reshape(C + P + 1, L)
    idx_small = (jnp.zeros((NW, 64), jnp.int32)
                 .at[:C + P + 1, :L].set(small).reshape(-1))
    pooled_small = _pool_small_sc(emb, idx_small)

    y = pl.pallas_call(
        _table_tc,
        grid=(VP // _CBLK,),
        in_specs=[
            pl.BlockSpec((NW, D), lambda i: (0, 0)),
            pl.BlockSpec((D, D), lambda i: (0, 0)),
            pl.BlockSpec((_CBLK, D), lambda i: (i, 0)),
        ],
        out_specs=pl.BlockSpec((NROW, _CBLK), lambda i: (0, i)),
        out_shape=jax.ShapeDtypeStruct((NROW, VP), jnp.bfloat16),
        scratch_shapes=[pltpu.VMEM((NROW, D), jnp.float32)],
    )(pooled_small, rw, emb)

    yq = y[0].astype(jnp.float32)

    kidx = (jnp.zeros((MP, 64), jnp.int32)
            .at[:M, :L].set(keys.astype(jnp.int32))
            .reshape(NW, 2048))
    vpad = jnp.zeros((MP * L,), jnp.int32).at[:M * L].set(
        values.astype(jnp.int32).reshape(-1))
    vidx = (jnp.zeros((NW, VTOK), jnp.int32)
            .at[:, :KSEG * L].set(vpad.reshape(NW, KSEG * L))
            .reshape(NW, 13, 128))
    i = jnp.arange(VTOK, dtype=jnp.int32)
    smap = jnp.where(i < KSEG * L, i // L, KSEG).astype(
        jnp.int32).reshape(13, 128)
    zeros = jnp.zeros((VP,), jnp.float32)
    e, w2 = _kv_sc(yq, kidx, vidx, smap, zeros)

    preds = pl.pallas_call(
        _logits_tc,
        grid=(VP // _EBLK,),
        in_specs=[
            pl.BlockSpec((NROW, _EBLK), lambda i: (0, i)),
            pl.BlockSpec((2, _EBLK), lambda i: (0, i)),
            pl.BlockSpec((8, 128), lambda i: (0, 0)),
        ],
        out_specs=pl.BlockSpec((C, 1), lambda i: (0, 0)),
        out_shape=jax.ShapeDtypeStruct((C, 1), jnp.float32),
        scratch_shapes=[pltpu.VMEM((NROW, 1), jnp.float32)],
    )(y, w2, e.reshape(8, 128))
    return preds

# --- scband reference (transcript-rebuilt; emitter-appended) ---
"""Pipeline reference for scband-kvmem-nn-58239756533983 (READ-ONLY COPY).

The authoritative reference and input builder live on the scoring server;
editing this copy changes nothing except your own understanding.
"""

import jax, jax.numpy as jnp
import numpy as np

VOCAB, D, M, C, P, L = 100000, 128, 1000, 20, 5, 50

def setup_inputs(seed: int = 0):
    key = jax.random.key(seed)
    ks = jax.random.split(key, 8)
    return {
        "xs": jax.random.randint(ks[0], (1, L), 0, VOCAB),
        "candidates": jax.random.randint(ks[1], (C, L), 0, VOCAB),
        "persona": jax.random.randint(ks[2], (P, L), 0, VOCAB),
        "label": jax.random.randint(ks[3], (1, L), 0, VOCAB),
        "keys": jax.random.randint(ks[4], (M, L), 0, VOCAB),
        "values": jax.random.randint(ks[5], (M, L), 0, VOCAB),
        "emb_table": jax.random.normal(ks[6], (VOCAB, D), dtype=jnp.float32) * 0.02,
        "R_W": jax.random.normal(ks[7], (D, D), dtype=jnp.float32) * 0.02,
    }

def _cosine(a, b, eps=1e-6):
    dot = jnp.sum(a * b, axis=1)
    na = jnp.linalg.norm(a, axis=1)
    nb = jnp.linalg.norm(b, axis=1)
    return dot / (jnp.maximum(na, eps) * jnp.maximum(nb, eps))

def reference(xs, candidates, persona, label, keys, values, emb_table, R_W):
    d = emb_table.shape[1]
    enc_keys = jnp.take(emb_table, keys, axis=0).mean(axis=1)        # [M, D]
    enc_values = jnp.take(emb_table, values, axis=0).mean(axis=1)    # [M, D]
    enc_cands = jnp.take(emb_table, candidates, axis=0).mean(axis=1) # [C, D]
    enc_persona = jnp.take(emb_table, persona, axis=0).mean(axis=1)  # [P, D]
    enc_x = jnp.take(emb_table, xs, axis=0).mean(axis=1).reshape(-1, d)  # [1, D]
    Pn = persona.shape[0]
    encoded_questions = jnp.tile(enc_x, (Pn, 1))                     # [P, D]
    sim = _cosine(encoded_questions, enc_persona)                    # [P]
    softSim = jax.nn.softmax(sim, axis=0)
    test = softSim.reshape(1, -1) @ enc_persona                      # [1, D]
    q = test @ R_W.T
    tmp = enc_keys @ q.reshape(-1, 1)                                # [M, 1]
    ph = jax.nn.softmax(tmp, axis=0)
    test2 = ph.reshape(1, -1) @ enc_values                           # [1, D]
    q2 = test2 @ R_W.T
    preds = enc_cands @ q2.reshape(-1, 1)                            # [C, 1]
    preds = jax.nn.softmax(preds, axis=0)
    return preds

if __name__ == "__main__":
    import jax
    _d = setup_inputs()
    print(jax.jit(kernel)(*tuple(_d.values())))

</pallas_src>

<mosaic_0001>
#map = affine_map<(d0, d1) -> (0)>
#map1 = affine_map<(d0, d1) -> (0, 0)>
#map2 = affine_map<(d0, d1) -> (0, 0, 0)>
module attributes {stable_mosaic.version = 14 : i64} {
  func.func @_kv_sc(%arg0: i32, %arg1: i32, %arg2: memref<102400xf32, #tpu.memory_space<hbm>>, %arg3: memref<32x2048xi32, #tpu.memory_space<hbm>>, %arg4: memref<32x13x128xi32, #tpu.memory_space<hbm>>, %arg5: memref<13x128xi32, #tpu.memory_space<hbm>>, %arg6: memref<102400xf32, #tpu.memory_space<hbm>>, %arg7: memref<1024xf32, #tpu.memory_space<hbm>>, %arg8: memref<2x102400xf32, #tpu.memory_space<hbm>>, %arg9: memref<2048xi32, #tpu.memory_space<vmem>>, %arg10: memref<2048xf32, #tpu.memory_space<vmem>>, %arg11: memref<48xf32, #tpu.memory_space<vmem>>, %arg12: memref<13x128xi32, #tpu.memory_space<vmem>>, %arg13: memref<13x128xi32, #tpu.memory_space<vmem>>, %arg14: memref<13x128xf32, #tpu.memory_space<vmem>>, %arg15: memref<102400xf32, #tpu.memory_space<vmem_shared>>, %arg16: memref<102400xf32, #tpu.memory_space<vmem_shared>>, %arg17: memref<!tpu.dma_semaphore, #tpu.memory_space<semaphore_mem>>, %arg18: memref<!tpu.dma_semaphore, #tpu.memory_space<semaphore_mem>>) attributes {dimension_semantics = [#tpu.dimension_semantics<core_parallel>, #tpu.dimension_semantics<subcore_parallel>], iteration_bounds = array<i64: 2, 16>, scalar_prefetch = 0 : i64, scratch_operands = 10 : i64, tpu.core_type = #tpu.core_type<sc_vector_subcore>, window_params = [{transform_indices = #map}, {transform_indices = #map1}, {transform_indices = #map2}, {transform_indices = #map1}, {transform_indices = #map}, {transform_indices = #map}, {transform_indices = #map1}]} {
    %mul3A = arith.constant 2 : i32
    %mul3A_0 = arith.muli %arg1, %mul3A : i32
    %add3A = arith.addi %mul3A_0, %arg0 : i32
    %mul3A_1 = arith.constant 6400 : i32
    %mul3A_2 = arith.muli %arg1, %mul3A_1 : i32
    %mul3A_3 = arith.constant 6400 : i32
    %mul3A_4 = arith.muli %arg1, %mul3A_3 : i32
    %dma_start3A = tpu.memref_slice %arg16[%mul3A_4] : memref<102400xf32, #tpu.memory_space<vmem_shared>> -> memref<6400xf32, #tpu.memory_space<vmem_shared>>
    %dma_start3A_5 = tpu.memref_slice %arg6[%mul3A_2] : memref<102400xf32, #tpu.memory_space<hbm>> -> memref<6400xf32, #tpu.memory_space<hbm>>
    tpu.enqueue_dma source(%dma_start3A_5 : memref<6400xf32, #tpu.memory_space<hbm>>) target(%dma_start3A : memref<6400xf32, #tpu.memory_space<vmem_shared>>) target_semaphore(%arg18 : memref<!tpu.dma_semaphore, #tpu.memory_space<semaphore_mem>>)
    "tpu.trace_start"() <{level = 10 : i32, message = "kv_stage"}> : () -> ()
    %mul3A_6 = arith.constant 6400 : i32
    %mul3A_7 = arith.muli %arg1, %mul3A_6 : i32
    %mul3A_8 = arith.constant 6400 : i32
    %mul3A_9 = arith.muli %arg1, %mul3A_8 : i32
    "tpu.region"() ({
      %run_scoped3A_1536 = tpu.sem_alloc : memref<!tpu.dma_semaphore, #tpu.memory_space<semaphore_mem>>
      %dma_start3A_1537 = tpu.memref_slice %arg15[%mul3A_9] : memref<102400xf32, #tpu.memory_space<vmem_shared>> -> memref<6400xf32, #tpu.memory_space<vmem_shared>>
      %dma_start3A_1538 = tpu.memref_slice %arg2[%mul3A_7] : memref<102400xf32, #tpu.memory_space<hbm>> -> memref<6400xf32, #tpu.memory_space<hbm>>
      tpu.enqueue_dma source(%dma_start3A_1538 : memref<6400xf32, #tpu.memory_space<hbm>>) target(%dma_start3A_1537 : memref<6400xf32, #tpu.memory_space<vmem_shared>>) target_semaphore(%run_scoped3A_1536 : memref<!tpu.dma_semaphore, #tpu.memory_space<semaphore_mem>>)
      %dma_wait3A_1539 = tpu.memref_slice %arg15[%mul3A_9] : memref<102400xf32, #tpu.memory_space<vmem_shared>> -> memref<6400xf32, #tpu.memory_space<vmem_shared>>
      %dma_wait3A_1540 = tpu.memref_slice %arg2[%mul3A_7] : memref<102400xf32, #tpu.memory_space<hbm>> -> memref<6400xf32, #tpu.memory_space<hbm>>
      tpu.wait_dma2 semaphore(%run_scoped3A_1536 : memref<!tpu.dma_semaphore, #tpu.memory_space<semaphore_mem>>) src(%dma_wait3A_1540 : memref<6400xf32, #tpu.memory_space<hbm>>) dst(%dma_wait3A_1539 : memref<6400xf32, #tpu.memory_space<vmem_shared>>)
      tpu.yield
    }) : () -> ()
    "tpu.region"() ({
      %run_scoped3A_1536 = tpu.sem_alloc : memref<!tpu.dma_semaphore, #tpu.memory_space<semaphore_mem>>
      %dma_start3A_1537 = arith.constant 0 : i32
      %dma_start3A_1538 = tpu.memref_slice %arg3[%add3A, %dma_start3A_1537] : memref<32x2048xi32, #tpu.memory_space<hbm>> -> memref<1x2048xi32, #tpu.memory_space<hbm>>
      %dma_start3A_1539 = tpu.memref_squeeze %dma_start3A_1538 : memref<1x2048xi32, #tpu.memory_space<hbm>> -> memref<2048xi32, #tpu.memory_space<hbm>>
      %dma_start3A_1540 = arith.constant 0 : i32
      %dma_start3A_1541 = tpu.memref_slice %arg3[%add3A, %dma_start3A_1540] : memref<32x2048xi32, #tpu.memory_space<hbm>> -> memref<1x2048xi32, #tpu.memory_space<hbm>>
      %dma_start3A_1542 = tpu.memref_squeeze %dma_start3A_1541 : memref<1x2048xi32, #tpu.memory_space<hbm>> -> memref<2048xi32, #tpu.memory_space<hbm>>
      tpu.enqueue_dma source(%dma_start3A_1542 : memref<2048xi32, #tpu.memory_space<hbm>>) target(%arg9 : memref<2048xi32, #tpu.memory_space<vmem>>) target_semaphore(%run_scoped3A_1536 : memref<!tpu.dma_semaphore, #tpu.memory_space<semaphore_mem>>)
      %dma_wait3A_1543 = arith.constant 0 : i32
      %dma_wait3A_1544 = tpu.memref_slice %arg3[%add3A, %dma_wait3A_1543] : memref<32x2048xi32, #tpu.memory_space<hbm>> -> memref<1x2048xi32, #tpu.memory_space<hbm>>
      %dma_wait3A_1545 = tpu.memref_squeeze %dma_wait3A_1544 : memref<1x2048xi32, #tpu.memory_space<hbm>> -> memref<2048xi32, #tpu.memory_space<hbm>>
      %dma_wait3A_1546 = arith.constant 0 : i32
      %dma_wait3A_1547 = tpu.memref_slice %arg3[%add3A, %dma_wait3A_1546] : memref<32x2048xi32, #tpu.memory_space<hbm>> -> memref<1x2048xi32, #tpu.memory_space<hbm>>
      %dma_wait3A_1548 = tpu.memref_squeeze %dma_wait3A_1547 : memref<1x2048xi32, #tpu.memory_space<hbm>> -> memref<2048xi32, #tpu.memory_space<hbm>>
      tpu.wait_dma2 semaphore(%run_scoped3A_1536 : memref<!tpu.dma_semaphore, #tpu.memory_space<semaphore_mem>>) src(%dma_wait3A_1548 : memref<2048xi32, #tpu.memory_space<hbm>>) dst(%arg9 : memref<2048xi32, #tpu.memory_space<vmem>>)
      tpu.yield
    }) : () -> ()
    "tpu.region"() ({
      %run_scoped3A_1536 = tpu.sem_alloc : memref<!tpu.dma_semaphore, #tpu.memory_space<semaphore_mem>>
      %dma_start3A_1537 = arith.constant 0 : i32
      %dma_start3A_1538 = arith.constant 0 : i32
      %dma_start3A_1539 = tpu.memref_slice %arg4[%add3A, %dma_start3A_1537, %dma_start3A_1538] : memref<32x13x128xi32, #tpu.memory_space<hbm>> -> memref<1x13x128xi32, #tpu.memory_space<hbm>>
      %dma_start3A_1540 = tpu.memref_squeeze %dma_start3A_1539 : memref<1x13x128xi32, #tpu.memory_space<hbm>> -> memref<13x128xi32, #tpu.memory_space<hbm>>
      %dma_start3A_1541 = arith.constant 0 : i32
      %dma_start3A_1542 = arith.constant 0 : i32
      %dma_start3A_1543 = tpu.memref_slice %arg4[%add3A, %dma_start3A_1541, %dma_start3A_1542] : memref<32x13x128xi32, #tpu.memory_space<hbm>> -> memref<1x13x128xi32, #tpu.memory_space<hbm>>
      %dma_start3A_1544 = tpu.memref_squeeze %dma_start3A_1543 : memref<1x13x128xi32, #tpu.memory_space<hbm>> -> memref<13x128xi32, #tpu.memory_space<hbm>>
      tpu.enqueue_dma source(%dma_start3A_1544 : memref<13x128xi32, #tpu.memory_space<hbm>>) target(%arg12 : memref<13x128xi32, #tpu.memory_space<vmem>>) target_semaphore(%run_scoped3A_1536 : memref<!tpu.dma_semaphore, #tpu.memory_space<semaphore_mem>>)
      %dma_wait3A_1545 = arith.constant 0 : i32
      %dma_wait3A_1546 = arith.constant 0 : i32
      %dma_wait3A_1547 = tpu.memref_slice %arg4[%add3A, %dma_wait3A_1545, %dma_wait3A_1546] : memref<32x13x128xi32, #tpu.memory_space<hbm>> -> memref<1x13x128xi32, #tpu.memory_space<hbm>>
      %dma_wait3A_1548 = tpu.memref_squeeze %dma_wait3A_1547 : memref<1x13x128xi32, #tpu.memory_space<hbm>> -> memref<13x128xi32, #tpu.memory_space<hbm>>
      %dma_wait3A_1549 = arith.constant 0 : i32
      %dma_wait3A_1550 = arith.constant 0 : i32
      %dma_wait3A_1551 = tpu.memref_slice %arg4[%add3A, %dma_wait3A_1549, %dma_wait3A_1550] : memref<32x13x128xi32, #tpu.memory_space<hbm>> -> memref<1x13x128xi32, #tpu.memory_space<hbm>>
      %dma_wait3A_1552 = tpu.memref_squeeze %dma_wait3A_1551 : memref<1x13x128xi32, #tpu.memory_space<hbm>> -> memref<13x128xi32, #tpu.memory_space<hbm>>
      tpu.wait_dma2 semaphore(%run_scoped3A_1536 : memref<!tpu.dma_semaphore, #tpu.memory_space<semaphore_mem>>) src(%dma_wait3A_1552 : memref<13x128xi32, #tpu.memory_space<hbm>>) dst(%arg12 : memref<13x128xi32, #tpu.memory_space<vmem>>)
      tpu.yield
    }) : () -> ()
    "tpu.region"() ({
      %run_scoped3A_1536 = tpu.sem_alloc : memref<!tpu.dma_semaphore, #tpu.memory_space<semaphore_mem>>
      tpu.enqueue_dma source(%arg5 : memref<13x128xi32, #tpu.memory_space<hbm>>) target(%arg13 : memref<13x128xi32, #tpu.memory_space<vmem>>) target_semaphore(%run_scoped3A_1536 : memref<!tpu.dma_semaphore, #tpu.memory_space<semaphore_mem>>)
      tpu.wait_dma2 semaphore(%run_scoped3A_1536 : memref<!tpu.dma_semaphore, #tpu.memory_space<semaphore_mem>>) src(%arg5 : memref<13x128xi32, #tpu.memory_space<hbm>>) dst(%arg13 : memref<13x128xi32, #tpu.memory_space<vmem>>)
      tpu.yield
    }) : () -> ()
    %barrier3A = arith.constant 0 : index
    tpu.barrier barrier_id(%barrier3A)
    "tpu.trace_stop"() : () -> ()
    "tpu.trace_start"() <{level = 10 : i32, message = "kv_keys_gather"}> : () -> ()
    %dma_start3A_10 = arith.constant 0 : i32
    %dma_start3A_11 = tpu.memref_slice %arg15[%dma_start3A_10] : memref<102400xf32, #tpu.memory_space<vmem_shared>> -> memref<102400xf32, #tpu.memory_space<vmem_shared>>
    tpu.enqueue_indirect_dma source(%dma_start3A_11 : memref<102400xf32, #tpu.memory_space<vmem_shared>>) target(%arg10 : memref<2048xf32, #tpu.memory_space<vmem>>) offsets(%arg9 : memref<2048xi32, #tpu.memory_space<vmem>>) semaphore(%arg17 : memref<!tpu.dma_semaphore, #tpu.memory_space<semaphore_mem>>)
    %dma_wait3A = arith.constant 0 : i32
    %dma_wait3A_12 = tpu.memref_slice %arg15[%dma_wait3A] : memref<102400xf32, #tpu.memory_space<vmem_shared>> -> memref<102400xf32, #tpu.memory_space<vmem_shared>>
    tpu.wait_indirect_dma semaphore(%arg17 : memref<!tpu.dma_semaphore, #tpu.memory_space<semaphore_mem>>) src(%dma_wait3A_12 : memref<102400xf32, #tpu.memory_space<vmem_shared>>) dst(%arg10 : memref<2048xf32, #tpu.memory_space<vmem>>)
    "tpu.trace_stop"() : () -> ()
    "tpu.trace_start"() <{level = 10 : i32, message = "kv_seg_sums"}> : () -> ()
    %iota3A = tpu.iota {dimensions = array<i32: 0>} : vector<16xi32>
    %mul3A_13 = arith.constant 64 : i32
    %mul3A_14 = vector.broadcast %mul3A_13 : i32 to vector<16xi32>
    %mul3A_15 = arith.muli %iota3A, %mul3A_14 : vector<16xi32>
    %add3A_16 = arith.constant 0 : i32
    %add3A_17 = vector.broadcast %add3A_16 : i32 to vector<16xi32>
    %add3A_18 = arith.addi %mul3A_15, %add3A_17 : vector<16xi32>
    %broadcast_in_dim3A = arith.constant 0.000000e+00 : f32
    %broadcast_in_dim3A_19 = vector.broadcast %broadcast_in_dim3A : f32 to vector<16xf32>
    %add3A_20 = arith.constant 0 : i32
    %add3A_21 = vector.broadcast %add3A_20 : i32 to vector<16xi32>
    %add3A_22 = arith.addi %add3A_18, %add3A_21 : vector<16xi32>
    %gather3A = tpu.vector_load_idx %arg10[%add3A_22] : memref<2048xf32, #tpu.memory_space<vmem>>[vector<16xi32>], vector<16xf32>,
    %add3A_23 = arith.addf %broadcast_in_dim3A_19, %gather3A : vector<16xf32>
    %add3A_24 = arith.constant 1 : i32
    %add3A_25 = vector.broadcast %add3A_24 : i32 to vector<16xi32>
    %add3A_26 = arith.addi %add3A_18, %add3A_25 : vector<16xi32>
    %gather3A_27 = tpu.vector_load_idx %arg10[%add3A_26] : memref<2048xf32, #tpu.memory_space<vmem>>[vector<16xi32>], vector<16xf32>,
    %add3A_28 = arith.addf %add3A_23, %gather3A_27 : vector<16xf32>
    %add3A_29 = arith.constant 2 : i32
    %add3A_30 = vector.broadcast %add3A_29 : i32 to vector<16xi32>
    %add3A_31 = arith.addi %add3A_18, %add3A_30 : vector<16xi32>
    %gather3A_32 = tpu.vector_load_idx %arg10[%add3A_31] : memref<2048xf32, #tpu.memory_space<vmem>>[vector<16xi32>], vector<16xf32>,
    %add3A_33 = arith.addf %add3A_28, %gather3A_32 : vector<16xf32>
    %add3A_34 = arith.constant 3 : i32
    %add3A_35 = vector.broadcast %add3A_34 : i32 to vector<16xi32>
    %add3A_36 = arith.addi %add3A_18, %add3A_35 : vector<16xi32>
    %gather3A_37 = tpu.vector_load_idx %arg10[%add3A_36] : memref<2048xf32, #tpu.memory_space<vmem>>[vector<16xi32>], vector<16xf32>,
    %add3A_38 = arith.addf %add3A_33, %gather3A_37 : vector<16xf32>
    %add3A_39 = arith.constant 4 : i32
    %add3A_40 = vector.broadcast %add3A_39 : i32 to vector<16xi32>
    %add3A_41 = arith.addi %add3A_18, %add3A_40 : vector<16xi32>
    %gather3A_42 = tpu.vector_load_idx %arg10[%add3A_41] : memref<2048xf32, #tpu.memory_space<vmem>>[vector<16xi32>], vector<16xf32>,
    %add3A_43 = arith.addf %add3A_38, %gather3A_42 : vector<16xf32>
    %add3A_44 = arith.constant 5 : i32
    %add3A_45 = vector.broadcast %add3A_44 : i32 to vector<16xi32>
    %add3A_46 = arith.addi %add3A_18, %add3A_45 : vector<16xi32>
    %gather3A_47 = tpu.vector_load_idx %arg10[%add3A_46] : memref<2048xf32, #tpu.memory_space<vmem>>[vector<16xi32>], vector<16xf32>,
    %add3A_48 = arith.addf %add3A_43, %gather3A_47 : vector<16xf32>
    %add3A_49 = arith.constant 6 : i32
    %add3A_50 = vector.broadcast %add3A_49 : i32 to vector<16xi32>
    %add3A_51 = arith.addi %add3A_18, %add3A_50 : vector<16xi32>
    %gather3A_52 = tpu.vector_load_idx %arg10[%add3A_51] : memref<2048xf32, #tpu.memory_space<vmem>>[vector<16xi32>], vector<16xf32>,
    %add3A_53 = arith.addf %add3A_48, %gather3A_52 : vector<16xf32>
    %add3A_54 = arith.constant 7 : i32
    %add3A_55 = vector.broadcast %add3A_54 : i32 to vector<16xi32>
    %add3A_56 = arith.addi %add3A_18, %add3A_55 : vector<16xi32>
    %gather3A_57 = tpu.vector_load_idx %arg10[%add3A_56] : memref<2048xf32, #tpu.memory_space<vmem>>[vector<16xi32>], vector<16xf32>,
    %add3A_58 = arith.addf %add3A_53, %gather3A_57 : vector<16xf32>
    %add3A_59 = arith.constant 8 : i32
    %add3A_60 = vector.broadcast %add3A_59 : i32 to vector<16xi32>
    %add3A_61 = arith.addi %add3A_18, %add3A_60 : vector<16xi32>
    %gather3A_62 = tpu.vector_load_idx %arg10[%add3A_61] : memref<2048xf32, #tpu.memory_space<vmem>>[vector<16xi32>], vector<16xf32>,
    %add3A_63 = arith.addf %add3A_58, %gather3A_62 : vector<16xf32>
    %add3A_64 = arith.constant 9 : i32
    %add3A_65 = vector.broadcast %add3A_64 : i32 to vector<16xi32>
    %add3A_66 = arith.addi %add3A_18, %add3A_65 : vector<16xi32>
    %gather3A_67 = tpu.vector_load_idx %arg10[%add3A_66] : memref<2048xf32, #tpu.memory_space<vmem>>[vector<16xi32>], vector<16xf32>,
    %add3A_68 = arith.addf %add3A_63, %gather3A_67 : vector<16xf32>
    %add3A_69 = arith.constant 10 : i32
    %add3A_70 = vector.broadcast %add3A_69 : i32 to vector<16xi32>
    %add3A_71 = arith.addi %add3A_18, %add3A_70 : vector<16xi32>
    %gather3A_72 = tpu.vector_load_idx %arg10[%add3A_71] : memref<2048xf32, #tpu.memory_space<vmem>>[vector<16xi32>], vector<16xf32>,
    %add3A_73 = arith.addf %add3A_68, %gather3A_72 : vector<16xf32>
    %add3A_74 = arith.constant 11 : i32
    %add3A_75 = vector.broadcast %add3A_74 : i32 to vector<16xi32>
    %add3A_76 = arith.addi %add3A_18, %add3A_75 : vector<16xi32>
    %gather3A_77 = tpu.vector_load_idx %arg10[%add3A_76] : memref<2048xf32, #tpu.memory_space<vmem>>[vector<16xi32>], vector<16xf32>,
    %add3A_78 = arith.addf %add3A_73, %gather3A_77 : vector<16xf32>
    %add3A_79 = arith.constant 12 : i32
    %add3A_80 = vector.broadcast %add3A_79 : i32 to vector<16xi32>
    %add3A_81 = arith.addi %add3A_18, %add3A_80 : vector<16xi32>
    %gather3A_82 = tpu.vector_load_idx %arg10[%add3A_81] : memref<2048xf32, #tpu.memory_space<vmem>>[vector<16xi32>], vector<16xf32>,
    %add3A_83 = arith.addf %add3A_78, %gather3A_82 : vector<16xf32>
    %add3A_84 = arith.constant 13 : i32
    %add3A_85 = vector.broadcast %add3A_84 : i32 to vector<16xi32>
    %add3A_86 = arith.addi %add3A_18, %add3A_85 : vector<16xi32>
    %gather3A_87 = tpu.vector_load_idx %arg10[%add3A_86] : memref<2048xf32, #tpu.memory_space<vmem>>[vector<16xi32>], vector<16xf32>,
    %add3A_88 = arith.addf %add3A_83, %gather3A_87 : vector<16xf32>
    %add3A_89 = arith.constant 14 : i32
    %add3A_90 = vector.broadcast %add3A_89 : i32 to vector<16xi32>
    %add3A_91 = arith.addi %add3A_18, %add3A_90 : vector<16xi32>
    %gather3A_92 = tpu.vector_load_idx %arg10[%add3A_91] : memref<2048xf32, #tpu.memory_space<vmem>>[vector<16xi32>], vector<16xf32>,
    %add3A_93 = arith.addf %add3A_88, %gather3A_92 : vector<16xf32>
    %add3A_94 = arith.constant 15 : i32
    %add3A_95 = vector.broadcast %add3A_94 : i32 to vector<16xi32>
    %add3A_96 = arith.addi %add3A_18, %add3A_95 : vector<16xi32>
    %gather3A_97 = tpu.vector_load_idx %arg10[%add3A_96] : memref<2048xf32, #tpu.memory_space<vmem>>[vector<16xi32>], vector<16xf32>,
    %add3A_98 = arith.addf %add3A_93, %gather3A_97 : vector<16xf32>
    %add3A_99 = arith.constant 16 : i32
    %add3A_100 = vector.broadcast %add3A_99 : i32 to vector<16xi32>
    %add3A_101 = arith.addi %add3A_18, %add3A_100 : vector<16xi32>
    %gather3A_102 = tpu.vector_load_idx %arg10[%add3A_101] : memref<2048xf32, #tpu.memory_space<vmem>>[vector<16xi32>], vector<16xf32>,
    %add3A_103 = arith.addf %add3A_98, %gather3A_102 : vector<16xf32>
    %add3A_104 = arith.constant 17 : i32
    %add3A_105 = vector.broadcast %add3A_104 : i32 to vector<16xi32>
    %add3A_106 = arith.addi %add3A_18, %add3A_105 : vector<16xi32>
    %gather3A_107 = tpu.vector_load_idx %arg10[%add3A_106] : memref<2048xf32, #tpu.memory_space<vmem>>[vector<16xi32>], vector<16xf32>,
    %add3A_108 = arith.addf %add3A_103, %gather3A_107 : vector<16xf32>
    %add3A_109 = arith.constant 18 : i32
    %add3A_110 = vector.broadcast %add3A_109 : i32 to vector<16xi32>
    %add3A_111 = arith.addi %add3A_18, %add3A_110 : vector<16xi32>
    %gather3A_112 = tpu.vector_load_idx %arg10[%add3A_111] : memref<2048xf32, #tpu.memory_space<vmem>>[vector<16xi32>], vector<16xf32>,
    %add3A_113 = arith.addf %add3A_108, %gather3A_112 : vector<16xf32>
    %add3A_114 = arith.constant 19 : i32
    %add3A_115 = vector.broadcast %add3A_114 : i32 to vector<16xi32>
    %add3A_116 = arith.addi %add3A_18, %add3A_115 : vector<16xi32>
    %gather3A_117 = tpu.vector_load_idx %arg10[%add3A_116] : memref<2048xf32, #tpu.memory_space<vmem>>[vector<16xi32>], vector<16xf32>,
    %add3A_118 = arith.addf %add3A_113, %gather3A_117 : vector<16xf32>
    %add3A_119 = arith.constant 20 : i32
    %add3A_120 = vector.broadcast %add3A_119 : i32 to vector<16xi32>
    %add3A_121 = arith.addi %add3A_18, %add3A_120 : vector<16xi32>
    %gather3A_122 = tpu.vector_load_idx %arg10[%add3A_121] : memref<2048xf32, #tpu.memory_space<vmem>>[vector<16xi32>], vector<16xf32>,
    %add3A_123 = arith.addf %add3A_118, %gather3A_122 : vector<16xf32>
    %add3A_124 = arith.constant 21 : i32
    %add3A_125 = vector.broadcast %add3A_124 : i32 to vector<16xi32>
    %add3A_126 = arith.addi %add3A_18, %add3A_125 : vector<16xi32>
    %gather3A_127 = tpu.vector_load_idx %arg10[%add3A_126] : memref<2048xf32, #tpu.memory_space<vmem>>[vector<16xi32>], vector<16xf32>,
    %add3A_128 = arith.addf %add3A_123, %gather3A_127 : vector<16xf32>
    %add3A_129 = arith.constant 22 : i32
    %add3A_130 = vector.broadcast %add3A_129 : i32 to vector<16xi32>
    %add3A_131 = arith.addi %add3A_18, %add3A_130 : vector<16xi32>
    %gather3A_132 = tpu.vector_load_idx %arg10[%add3A_131] : memref<2048xf32, #tpu.memory_space<vmem>>[vector<16xi32>], vector<16xf32>,
    %add3A_133 = arith.addf %add3A_128, %gather3A_132 : vector<16xf32>
    %add3A_134 = arith.constant 23 : i32
    %add3A_135 = vector.broadcast %add3A_134 : i32 to vector<16xi32>
    %add3A_136 = arith.addi %add3A_18, %add3A_135 : vector<16xi32>
    %gather3A_137 = tpu.vector_load_idx %arg10[%add3A_136] : memref<2048xf32, #tpu.memory_space<vmem>>[vector<16xi32>], vector<16xf32>,
    %add3A_138 = arith.addf %add3A_133, %gather3A_137 : vector<16xf32>
    %add3A_139 = arith.constant 24 : i32
    %add3A_140 = vector.broadcast %add3A_139 : i32 to vector<16xi32>
    %add3A_141 = arith.addi %add3A_18, %add3A_140 : vector<16xi32>
    %gather3A_142 = tpu.vector_load_idx %arg10[%add3A_141] : memref<2048xf32, #tpu.memory_space<vmem>>[vector<16xi32>], vector<16xf32>,
    %add3A_143 = arith.addf %add3A_138, %gather3A_142 : vector<16xf32>
    %add3A_144 = arith.constant 25 : i32
    %add3A_145 = vector.broadcast %add3A_144 : i32 to vector<16xi32>
    %add3A_146 = arith.addi %add3A_18, %add3A_145 : vector<16xi32>
    %gather3A_147 = tpu.vector_load_idx %arg10[%add3A_146] : memref<2048xf32, #tpu.memory_space<vmem>>[vector<16xi32>], vector<16xf32>,
    %add3A_148 = arith.addf %add3A_143, %gather3A_147 : vector<16xf32>
    %add3A_149 = arith.constant 26 : i32
    %add3A_150 = vector.broadcast %add3A_149 : i32 to vector<16xi32>
    %add3A_151 = arith.addi %add3A_18, %add3A_150 : vector<16xi32>
    %gather3A_152 = tpu.vector_load_idx %arg10[%add3A_151] : memref<2048xf32, #tpu.memory_space<vmem>>[vector<16xi32>], vector<16xf32>,
    %add3A_153 = arith.addf %add3A_148, %gather3A_152 : vector<16xf32>
    %add3A_154 = arith.constant 27 : i32
    %add3A_155 = vector.broadcast %add3A_154 : i32 to vector<16xi32>
    %add3A_156 = arith.addi %add3A_18, %add3A_155 : vector<16xi32>
    %gather3A_157 = tpu.vector_load_idx %arg10[%add3A_156] : memref<2048xf32, #tpu.memory_space<vmem>>[vector<16xi32>], vector<16xf32>,
    %add3A_158 = arith.addf %add3A_153, %gather3A_157 : vector<16xf32>
    %add3A_159 = arith.constant 28 : i32
    %add3A_160 = vector.broadcast %add3A_159 : i32 to vector<16xi32>
    %add3A_161 = arith.addi %add3A_18, %add3A_160 : vector<16xi32>
    %gather3A_162 = tpu.vector_load_idx %arg10[%add3A_161] : memref<2048xf32, #tpu.memory_space<vmem>>[vector<16xi32>], vector<16xf32>,
    %add3A_163 = arith.addf %add3A_158, %gather3A_162 : vector<16xf32>
    %add3A_164 = arith.constant 29 : i32
    %add3A_165 = vector.broadcast %add3A_164 : i32 to vector<16xi32>
    %add3A_166 = arith.addi %add3A_18, %add3A_165 : vector<16xi32>
    %gather3A_167 = tpu.vector_load_idx %arg10[%add3A_166] : memref<2048xf32, #tpu.memory_space<vmem>>[vector<16xi32>], vector<16xf32>,
    %add3A_168 = arith.addf %add3A_163, %gather3A_167 : vector<16xf32>
    %add3A_169 = arith.constant 30 : i32
    %add3A_170 = vector.broadcast %add3A_169 : i32 to vector<16xi32>
    %add3A_171 = arith.addi %add3A_18, %add3A_170 : vector<16xi32>
    %gather3A_172 = tpu.vector_load_idx %arg10[%add3A_171] : memref<2048xf32, #tpu.memory_space<vmem>>[vector<16xi32>], vector<16xf32>,
    %add3A_173 = arith.addf %add3A_168, %gather3A_172 : vector<16xf32>
    %add3A_174 = arith.constant 31 : i32
    %add3A_175 = vector.broadcast %add3A_174 : i32 to vector<16xi32>
    %add3A_176 = arith.addi %add3A_18, %add3A_175 : vector<16xi32>
    %gather3A_177 = tpu.vector_load_idx %arg10[%add3A_176] : memref<2048xf32, #tpu.memory_space<vmem>>[vector<16xi32>], vector<16xf32>,
    %add3A_178 = arith.addf %add3A_173, %gather3A_177 : vector<16xf32>
    %add3A_179 = arith.constant 32 : i32
    %add3A_180 = vector.broadcast %add3A_179 : i32 to vector<16xi32>
    %add3A_181 = arith.addi %add3A_18, %add3A_180 : vector<16xi32>
    %gather3A_182 = tpu.vector_load_idx %arg10[%add3A_181] : memref<2048xf32, #tpu.memory_space<vmem>>[vector<16xi32>], vector<16xf32>,
    %add3A_183 = arith.addf %add3A_178, %gather3A_182 : vector<16xf32>
    %add3A_184 = arith.constant 33 : i32
    %add3A_185 = vector.broadcast %add3A_184 : i32 to vector<16xi32>
    %add3A_186 = arith.addi %add3A_18, %add3A_185 : vector<16xi32>
    %gather3A_187 = tpu.vector_load_idx %arg10[%add3A_186] : memref<2048xf32, #tpu.memory_space<vmem>>[vector<16xi32>], vector<16xf32>,
    %add3A_188 = arith.addf %add3A_183, %gather3A_187 : vector<16xf32>
    %add3A_189 = arith.constant 34 : i32
    %add3A_190 = vector.broadcast %add3A_189 : i32 to vector<16xi32>
    %add3A_191 = arith.addi %add3A_18, %add3A_190 : vector<16xi32>
    %gather3A_192 = tpu.vector_load_idx %arg10[%add3A_191] : memref<2048xf32, #tpu.memory_space<vmem>>[vector<16xi32>], vector<16xf32>,
    %add3A_193 = arith.addf %add3A_188, %gather3A_192 : vector<16xf32>
    %add3A_194 = arith.constant 35 : i32
    %add3A_195 = vector.broadcast %add3A_194 : i32 to vector<16xi32>
    %add3A_196 = arith.addi %add3A_18, %add3A_195 : vector<16xi32>
    %gather3A_197 = tpu.vector_load_idx %arg10[%add3A_196] : memref<2048xf32, #tpu.memory_space<vmem>>[vector<16xi32>], vector<16xf32>,
    %add3A_198 = arith.addf %add3A_193, %gather3A_197 : vector<16xf32>
    %add3A_199 = arith.constant 36 : i32
    %add3A_200 = vector.broadcast %add3A_199 : i32 to vector<16xi32>
    %add3A_201 = arith.addi %add3A_18, %add3A_200 : vector<16xi32>
    %gather3A_202 = tpu.vector_load_idx %arg10[%add3A_201] : memref<2048xf32, #tpu.memory_space<vmem>>[vector<16xi32>], vector<16xf32>,
    %add3A_203 = arith.addf %add3A_198, %gather3A_202 : vector<16xf32>
    %add3A_204 = arith.constant 37 : i32
    %add3A_205 = vector.broadcast %add3A_204 : i32 to vector<16xi32>
    %add3A_206 = arith.addi %add3A_18, %add3A_205 : vector<16xi32>
    %gather3A_207 = tpu.vector_load_idx %arg10[%add3A_206] : memref<2048xf32, #tpu.memory_space<vmem>>[vector<16xi32>], vector<16xf32>,
    %add3A_208 = arith.addf %add3A_203, %gather3A_207 : vector<16xf32>
    %add3A_209 = arith.constant 38 : i32
    %add3A_210 = vector.broadcast %add3A_209 : i32 to vector<16xi32>
    %add3A_211 = arith.addi %add3A_18, %add3A_210 : vector<16xi32>
    %gather3A_212 = tpu.vector_load_idx %arg10[%add3A_211] : memref<2048xf32, #tpu.memory_space<vmem>>[vector<16xi32>], vector<16xf32>,
    %add3A_213 = arith.addf %add3A_208, %gather3A_212 : vector<16xf32>
    %add3A_214 = arith.constant 39 : i32
    %add3A_215 = vector.broadcast %add3A_214 : i32 to vector<16xi32>
    %add3A_216 = arith.addi %add3A_18, %add3A_215 : vector<16xi32>
    %gather3A_217 = tpu.vector_load_idx %arg10[%add3A_216] : memref<2048xf32, #tpu.memory_space<vmem>>[vector<16xi32>], vector<16xf32>,
    %add3A_218 = arith.addf %add3A_213, %gather3A_217 : vector<16xf32>
    %add3A_219 = arith.constant 40 : i32
    %add3A_220 = vector.broadcast %add3A_219 : i32 to vector<16xi32>
    %add3A_221 = arith.addi %add3A_18, %add3A_220 : vector<16xi32>
    %gather3A_222 = tpu.vector_load_idx %arg10[%add3A_221] : memref<2048xf32, #tpu.memory_space<vmem>>[vector<16xi32>], vector<16xf32>,
    %add3A_223 = arith.addf %add3A_218, %gather3A_222 : vector<16xf32>
    %add3A_224 = arith.constant 41 : i32
    %add3A_225 = vector.broadcast %add3A_224 : i32 to vector<16xi32>
    %add3A_226 = arith.addi %add3A_18, %add3A_225 : vector<16xi32>
    %gather3A_227 = tpu.vector_load_idx %arg10[%add3A_226] : memref<2048xf32, #tpu.memory_space<vmem>>[vector<16xi32>], vector<16xf32>,
    %add3A_228 = arith.addf %add3A_223, %gather3A_227 : vector<16xf32>
    %add3A_229 = arith.constant 42 : i32
    %add3A_230 = vector.broadcast %add3A_229 : i32 to vector<16xi32>
    %add3A_231 = arith.addi %add3A_18, %add3A_230 : vector<16xi32>
    %gather3A_232 = tpu.vector_load_idx %arg10[%add3A_231] : memref<2048xf32, #tpu.memory_space<vmem>>[vector<16xi32>], vector<16xf32>,
    %add3A_233 = arith.addf %add3A_228, %gather3A_232 : vector<16xf32>
    %add3A_234 = arith.constant 43 : i32
    %add3A_235 = vector.broadcast %add3A_234 : i32 to vector<16xi32>
    %add3A_236 = arith.addi %add3A_18, %add3A_235 : vector<16xi32>
    %gather3A_237 = tpu.vector_load_idx %arg10[%add3A_236] : memref<2048xf32, #tpu.memory_space<vmem>>[vector<16xi32>], vector<16xf32>,
    %add3A_238 = arith.addf %add3A_233, %gather3A_237 : vector<16xf32>
    %add3A_239 = arith.constant 44 : i32
    %add3A_240 = vector.broadcast %add3A_239 : i32 to vector<16xi32>
    %add3A_241 = arith.addi %add3A_18, %add3A_240 : vector<16xi32>
    %gather3A_242 = tpu.vector_load_idx %arg10[%add3A_241] : memref<2048xf32, #tpu.memory_space<vmem>>[vector<16xi32>], vector<16xf32>,
    %add3A_243 = arith.addf %add3A_238, %gather3A_242 : vector<16xf32>
    %add3A_244 = arith.constant 45 : i32
    %add3A_245 = vector.broadcast %add3A_244 : i32 to vector<16xi32>
    %add3A_246 = arith.addi %add3A_18, %add3A_245 : vector<16xi32>
    %gather3A_247 = tpu.vector_load_idx %arg10[%add3A_246] : memref<2048xf32, #tpu.memory_space<vmem>>[vector<16xi32>], vector<16xf32>,
    %add3A_248 = arith.addf %add3A_243, %gather3A_247 : vector<16xf32>
    %add3A_249 = arith.constant 46 : i32
    %add3A_250 = vector.broadcast %add3A_249 : i32 to vector<16xi32>
    %add3A_251 = arith.addi %add3A_18, %add3A_250 : vector<16xi32>
    %gather3A_252 = tpu.vector_load_idx %arg10[%add3A_251] : memref<2048xf32, #tpu.memory_space<vmem>>[vector<16xi32>], vector<16xf32>,
    %add3A_253 = arith.addf %add3A_248, %gather3A_252 : vector<16xf32>
    %add3A_254 = arith.constant 47 : i32
    %add3A_255 = vector.broadcast %add3A_254 : i32 to vector<16xi32>
    %add3A_256 = arith.addi %add3A_18, %add3A_255 : vector<16xi32>
    %gather3A_257 = tpu.vector_load_idx %arg10[%add3A_256] : memref<2048xf32, #tpu.memory_space<vmem>>[vector<16xi32>], vector<16xf32>,
    %add3A_258 = arith.addf %add3A_253, %gather3A_257 : vector<16xf32>
    %add3A_259 = arith.constant 48 : i32
    %add3A_260 = vector.broadcast %add3A_259 : i32 to vector<16xi32>
    %add3A_261 = arith.addi %add3A_18, %add3A_260 : vector<16xi32>
    %gather3A_262 = tpu.vector_load_idx %arg10[%add3A_261] : memref<2048xf32, #tpu.memory_space<vmem>>[vector<16xi32>], vector<16xf32>,
    %add3A_263 = arith.addf %add3A_258, %gather3A_262 : vector<16xf32>
    %add3A_264 = arith.constant 49 : i32
    %add3A_265 = vector.broadcast %add3A_264 : i32 to vector<16xi32>
    %add3A_266 = arith.addi %add3A_18, %add3A_265 : vector<16xi32>
    %gather3A_267 = tpu.vector_load_idx %arg10[%add3A_266] : memref<2048xf32, #tpu.memory_space<vmem>>[vector<16xi32>], vector<16xf32>,
    %add3A_268 = arith.addf %add3A_263, %gather3A_267 : vector<16xf32>
    %mul3A_269 = arith.constant 32 : i32
    %mul3A_270 = arith.muli %add3A, %mul3A_269 : i32
    %add3A_271 = arith.constant 0 : i32
    %add3A_272 = arith.addi %mul3A_270, %add3A_271 : i32
    %add3A_273 = vector.broadcast %add3A_272 : i32 to vector<16xi32>
    %add3A_274 = arith.addi %add3A_273, %iota3A : vector<16xi32>
    %mul3A_275 = arith.constant 2.000000e-02 : f32
    %mul3A_276 = vector.broadcast %mul3A_275 : f32 to vector<16xf32>
    %mul3A_277 = arith.mulf %add3A_268, %mul3A_276 : vector<16xf32>
    %exp3A = math.exp %mul3A_277 : vector<16xf32>
    %lt3A = arith.constant 1000 : i32
    %lt3A_278 = vector.broadcast %lt3A : i32 to vector<16xi32>
    %lt3A_279 = arith.cmpi slt, %add3A_274, %lt3A_278 : vector<16xi32>
    %jit3A = arith.constant 0.000000e+00 : f32
    %broadcast_in_dim3A_280 = vector.broadcast %jit3A : f32 to vector<16xf32>
    %select_n3A = arith.select %lt3A_279, %exp3A, %broadcast_in_dim3A_280 : vector<16xi1>, vector<16xf32>
    %swap3A = arith.constant 0 : index
    %swap3A_281 = tpu.vector_load %arg11[%swap3A] {strides = array<i32>} : memref<48xf32, #tpu.memory_space<vmem>>, vector<16xf32>,
    tpu.vector_store %arg11[%swap3A], %select_n3A {strides = array<i32>} : memref<48xf32, #tpu.memory_space<vmem>>, vector<16xf32>,
    %mul3A_282 = arith.constant 64 : i32
    %mul3A_283 = vector.broadcast %mul3A_282 : i32 to vector<16xi32>
    %mul3A_284 = arith.muli %iota3A, %mul3A_283 : vector<16xi32>
    %add3A_285 = arith.constant 1024 : i32
    %add3A_286 = vector.broadcast %add3A_285 : i32 to vector<16xi32>
    %add3A_287 = arith.addi %mul3A_284, %add3A_286 : vector<16xi32>
    %broadcast_in_dim3A_288 = arith.constant 0.000000e+00 : f32
    %broadcast_in_dim3A_289 = vector.broadcast %broadcast_in_dim3A_288 : f32 to vector<16xf32>
    %add3A_290 = arith.constant 0 : i32
    %add3A_291 = vector.broadcast %add3A_290 : i32 to vector<16xi32>
    %add3A_292 = arith.addi %add3A_287, %add3A_291 : vector<16xi32>
    %gather3A_293 = tpu.vector_load_idx %arg10[%add3A_292] : memref<2048xf32, #tpu.memory_space<vmem>>[vector<16xi32>], vector<16xf32>,
    %add3A_294 = arith.addf %broadcast_in_dim3A_289, %gather3A_293 : vector<16xf32>
    %add3A_295 = arith.constant 1 : i32
    %add3A_296 = vector.broadcast %add3A_295 : i32 to vector<16xi32>
    %add3A_297 = arith.addi %add3A_287, %add3A_296 : vector<16xi32>
    %gather3A_298 = tpu.vector_load_idx %arg10[%add3A_297] : memref<2048xf32, #tpu.memory_space<vmem>>[vector<16xi32>], vector<16xf32>,
    %add3A_299 = arith.addf %add3A_294, %gather3A_298 : vector<16xf32>
    %add3A_300 = arith.constant 2 : i32
    %add3A_301 = vector.broadcast %add3A_300 : i32 to vector<16xi32>
    %add3A_302 = arith.addi %add3A_287, %add3A_301 : vector<16xi32>
    %gather3A_303 = tpu.vector_load_idx %arg10[%add3A_302] : memref<2048xf32, #tpu.memory_space<vmem>>[vector<16xi32>], vector<16xf32>,
    %add3A_304 = arith.addf %add3A_299, %gather3A_303 : vector<16xf32>
    %add3A_305 = arith.constant 3 : i32
    %add3A_306 = vector.broadcast %add3A_305 : i32 to vector<16xi32>
    %add3A_307 = arith.addi %add3A_287, %add3A_306 : vector<16xi32>
    %gather3A_308 = tpu.vector_load_idx %arg10[%add3A_307] : memref<2048xf32, #tpu.memory_space<vmem>>[vector<16xi32>], vector<16xf32>,
    %add3A_309 = arith.addf %add3A_304, %gather3A_308 : vector<16xf32>
    %add3A_310 = arith.constant 4 : i32
    %add3A_311 = vector.broadcast %add3A_310 : i32 to vector<16xi32>
    %add3A_312 = arith.addi %add3A_287, %add3A_311 : vector<16xi32>
    %gather3A_313 = tpu.vector_load_idx %arg10[%add3A_312] : memref<2048xf32, #tpu.memory_space<vmem>>[vector<16xi32>], vector<16xf32>,
    %add3A_314 = arith.addf %add3A_309, %gather3A_313 : vector<16xf32>
    %add3A_315 = arith.constant 5 : i32
    %add3A_316 = vector.broadcast %add3A_315 : i32 to vector<16xi32>
    %add3A_317 = arith.addi %add3A_287, %add3A_316 : vector<16xi32>
    %gather3A_318 = tpu.vector_load_idx %arg10[%add3A_317] : memref<2048xf32, #tpu.memory_space<vmem>>[vector<16xi32>], vector<16xf32>,
    %add3A_319 = arith.addf %add3A_314, %gather3A_318 : vector<16xf32>
    %add3A_320 = arith.constant 6 : i32
    %add3A_321 = vector.broadcast %add3A_320 : i32 to vector<16xi32>
    %add3A_322 = arith.addi %add3A_287, %add3A_321 : vector<16xi32>
    %gather3A_323 = tpu.vector_load_idx %arg10[%add3A_322] : memref<2048xf32, #tpu.memory_space<vmem>>[vector<16xi32>], vector<16xf32>,
    %add3A_324 = arith.addf %add3A_319, %gather3A_323 : vector<16xf32>
    %add3A_325 = arith.constant 7 : i32
    %add3A_326 = vector.broadcast %add3A_325 : i32 to vector<16xi32>
    %add3A_327 = arith.addi %add3A_287, %add3A_326 : vector<16xi32>
    %gather3A_328 = tpu.vector_load_idx %arg10[%add3A_327] : memref<2048xf32, #tpu.memory_space<vmem>>[vector<16xi32>], vector<16xf32>,
    %add3A_329 = arith.addf %add3A_324, %gather3A_328 : vector<16xf32>
    %add3A_330 = arith.constant 8 : i32
    %add3A_331 = vector.broadcast %add3A_330 : i32 to vector<16xi32>
    %add3A_332 = arith.addi %add3A_287, %add3A_331 : vector<16xi32>
    %gather3A_333 = tpu.vector_load_idx %arg10[%add3A_332] : memref<2048xf32, #tpu.memory_space<vmem>>[vector<16xi32>], vector<16xf32>,
    %add3A_334 = arith.addf %add3A_329, %gather3A_333 : vector<16xf32>
    %add3A_335 = arith.constant 9 : i32
    %add3A_336 = vector.broadcast %add3A_335 : i32 to vector<16xi32>
    %add3A_337 = arith.addi %add3A_287, %add3A_336 : vector<16xi32>
    %gather3A_338 = tpu.vector_load_idx %arg10[%add3A_337] : memref<2048xf32, #tpu.memory_space<vmem>>[vector<16xi32>], vector<16xf32>,
    %add3A_339 = arith.addf %add3A_334, %gather3A_338 : vector<16xf32>
    %add3A_340 = arith.constant 10 : i32
    %add3A_341 = vector.broadcast %add3A_340 : i32 to vector<16xi32>
    %add3A_342 = arith.addi %add3A_287, %add3A_341 : vector<16xi32>
    %gather3A_343 = tpu.vector_load_idx %arg10[%add3A_342] : memref<2048xf32, #tpu.memory_space<vmem>>[vector<16xi32>], vector<16xf32>,
    %add3A_344 = arith.addf %add3A_339, %gather3A_343 : vector<16xf32>
    %add3A_345 = arith.constant 11 : i32
    %add3A_346 = vector.broadcast %add3A_345 : i32 to vector<16xi32>
    %add3A_347 = arith.addi %add3A_287, %add3A_346 : vector<16xi32>
    %gather3A_348 = tpu.vector_load_idx %arg10[%add3A_347] : memref<2048xf32, #tpu.memory_space<vmem>>[vector<16xi32>], vector<16xf32>,
    %add3A_349 = arith.addf %add3A_344, %gather3A_348 : vector<16xf32>
    %add3A_350 = arith.constant 12 : i32
    %add3A_351 = vector.broadcast %add3A_350 : i32 to vector<16xi32>
    %add3A_352 = arith.addi %add3A_287, %add3A_351 : vector<16xi32>
    %gather3A_353 = tpu.vector_load_idx %arg10[%add3A_352] : memref<2048xf32, #tpu.memory_space<vmem>>[vector<16xi32>], vector<16xf32>,
    %add3A_354 = arith.addf %add3A_349, %gather3A_353 : vector<16xf32>
    %add3A_355 = arith.constant 13 : i32
    %add3A_356 = vector.broadcast %add3A_355 : i32 to vector<16xi32>
    %add3A_357 = arith.addi %add3A_287, %add3A_356 : vector<16xi32>
    %gather3A_358 = tpu.vector_load_idx %arg10[%add3A_357] : memref<2048xf32, #tpu.memory_space<vmem>>[vector<16xi32>], vector<16xf32>,
    %add3A_359 = arith.addf %add3A_354, %gather3A_358 : vector<16xf32>
    %add3A_360 = arith.constant 14 : i32
    %add3A_361 = vector.broadcast %add3A_360 : i32 to vector<16xi32>
    %add3A_362 = arith.addi %add3A_287, %add3A_361 : vector<16xi32>
    %gather3A_363 = tpu.vector_load_idx %arg10[%add3A_362] : memref<2048xf32, #tpu.memory_space<vmem>>[vector<16xi32>], vector<16xf32>,
    %add3A_364 = arith.addf %add3A_359, %gather3A_363 : vector<16xf32>
    %add3A_365 = arith.constant 15 : i32
    %add3A_366 = vector.broadcast %add3A_365 : i32 to vector<16xi32>
    %add3A_367 = arith.addi %add3A_287, %add3A_366 : vector<16xi32>
    %gather3A_368 = tpu.vector_load_idx %arg10[%add3A_367] : memref<2048xf32, #tpu.memory_space<vmem>>[vector<16xi32>], vector<16xf32>,
    %add3A_369 = arith.addf %add3A_364, %gather3A_368 : vector<16xf32>
    %add3A_370 = arith.constant 16 : i32
    %add3A_371 = vector.broadcast %add3A_370 : i32 to vector<16xi32>
    %add3A_372 = arith.addi %add3A_287, %add3A_371 : vector<16xi32>
    %gather3A_373 = tpu.vector_load_idx %arg10[%add3A_372] : memref<2048xf32, #tpu.memory_space<vmem>>[vector<16xi32>], vector<16xf32>,
    %add3A_374 = arith.addf %add3A_369, %gather3A_373 : vector<16xf32>
    %add3A_375 = arith.constant 17 : i32
    %add3A_376 = vector.broadcast %add3A_375 : i32 to vector<16xi32>
    %add3A_377 = arith.addi %add3A_287, %add3A_376 : vector<16xi32>
    %gather3A_378 = tpu.vector_load_idx %arg10[%add3A_377] : memref<2048xf32, #tpu.memory_space<vmem>>[vector<16xi32>], vector<16xf32>,
    %add3A_379 = arith.addf %add3A_374, %gather3A_378 : vector<16xf32>
    %add3A_380 = arith.constant 18 : i32
    %add3A_381 = vector.broadcast %add3A_380 : i32 to vector<16xi32>
    %add3A_382 = arith.addi %add3A_287, %add3A_381 : vector<16xi32>
    %gather3A_383 = tpu.vector_load_idx %arg10[%add3A_382] : memref<2048xf32, #tpu.memory_space<vmem>>[vector<16xi32>], vector<16xf32>,
    %add3A_384 = arith.addf %add3A_379, %gather3A_383 : vector<16xf32>
    %add3A_385 = arith.constant 19 : i32
    %add3A_386 = vector.broadcast %add3A_385 : i32 to vector<16xi32>
    %add3A_387 = arith.addi %add3A_287, %add3A_386 : vector<16xi32>
    %gather3A_388 = tpu.vector_load_idx %arg10[%add3A_387] : memref<2048xf32, #tpu.memory_space<vmem>>[vector<16xi32>], vector<16xf32>,
    %add3A_389 = arith.addf %add3A_384, %gather3A_388 : vector<16xf32>
    %add3A_390 = arith.constant 20 : i32
    %add3A_391 = vector.broadcast %add3A_390 : i32 to vector<16xi32>
    %add3A_392 = arith.addi %add3A_287, %add3A_391 : vector<16xi32>
    %gather3A_393 = tpu.vector_load_idx %arg10[%add3A_392] : memref<2048xf32, #tpu.memory_space<vmem>>[vector<16xi32>], vector<16xf32>,
    %add3A_394 = arith.addf %add3A_389, %gather3A_393 : vector<16xf32>
    %add3A_395 = arith.constant 21 : i32
    %add3A_396 = vector.broadcast %add3A_395 : i32 to vector<16xi32>
    %add3A_397 = arith.addi %add3A_287, %add3A_396 : vector<16xi32>
    %gather3A_398 = tpu.vector_load_idx %arg10[%add3A_397] : memref<2048xf32, #tpu.memory_space<vmem>>[vector<16xi32>], vector<16xf32>,
    %add3A_399 = arith.addf %add3A_394, %gather3A_398 : vector<16xf32>
    %add3A_400 = arith.constant 22 : i32
    %add3A_401 = vector.broadcast %add3A_400 : i32 to vector<16xi32>
    %add3A_402 = arith.addi %add3A_287, %add3A_401 : vector<16xi32>
    %gather3A_403 = tpu.vector_load_idx %arg10[%add3A_402] : memref<2048xf32, #tpu.memory_space<vmem>>[vector<16xi32>], vector<16xf32>,
    %add3A_404 = arith.addf %add3A_399, %gather3A_403 : vector<16xf32>
    %add3A_405 = arith.constant 23 : i32
    %add3A_406 = vector.broadcast %add3A_405 : i32 to vector<16xi32>
    %add3A_407 = arith.addi %add3A_287, %add3A_406 : vector<16xi32>
    %gather3A_408 = tpu.vector_load_idx %arg10[%add3A_407] : memref<2048xf32, #tpu.memory_space<vmem>>[vector<16xi32>], vector<16xf32>,
    %add3A_409 = arith.addf %add3A_404, %gather3A_408 : vector<16xf32>
    %add3A_410 = arith.constant 24 : i32
    %add3A_411 = vector.broadcast %add3A_410 : i32 to vector<16xi32>
    %add3A_412 = arith.addi %add3A_287, %add3A_411 : vector<16xi32>
    %gather3A_413 = tpu.vector_load_idx %arg10[%add3A_412] : memref<2048xf32, #tpu.memory_space<vmem>>[vector<16xi32>], vector<16xf32>,
    %add3A_414 = arith.addf %add3A_409, %gather3A_413 : vector<16xf32>
    %add3A_415 = arith.constant 25 : i32
    %add3A_416 = vector.broadcast %add3A_415 : i32 to vector<16xi32>
    %add3A_417 = arith.addi %add3A_287, %add3A_416 : vector<16xi32>
    %gather3A_418 = tpu.vector_load_idx %arg10[%add3A_417] : memref<2048xf32, #tpu.memory_space<vmem>>[vector<16xi32>], vector<16xf32>,
    %add3A_419 = arith.addf %add3A_414, %gather3A_418 : vector<16xf32>
    %add3A_420 = arith.constant 26 : i32
    %add3A_421 = vector.broadcast %add3A_420 : i32 to vector<16xi32>
    %add3A_422 = arith.addi %add3A_287, %add3A_421 : vector<16xi32>
    %gather3A_423 = tpu.vector_load_idx %arg10[%add3A_422] : memref<2048xf32, #tpu.memory_space<vmem>>[vector<16xi32>], vector<16xf32>,
    %add3A_424 = arith.addf %add3A_419, %gather3A_423 : vector<16xf32>
    %add3A_425 = arith.constant 27 : i32
    %add3A_426 = vector.broadcast %add3A_425 : i32 to vector<16xi32>
    %add3A_427 = arith.addi %add3A_287, %add3A_426 : vector<16xi32>
    %gather3A_428 = tpu.vector_load_idx %arg10[%add3A_427] : memref<2048xf32, #tpu.memory_space<vmem>>[vector<16xi32>], vector<16xf32>,
    %add3A_429 = arith.addf %add3A_424, %gather3A_428 : vector<16xf32>
    %add3A_430 = arith.constant 28 : i32
    %add3A_431 = vector.broadcast %add3A_430 : i32 to vector<16xi32>
    %add3A_432 = arith.addi %add3A_287, %add3A_431 : vector<16xi32>
    %gather3A_433 = tpu.vector_load_idx %arg10[%add3A_432] : memref<2048xf32, #tpu.memory_space<vmem>>[vector<16xi32>], vector<16xf32>,
    %add3A_434 = arith.addf %add3A_429, %gather3A_433 : vector<16xf32>
    %add3A_435 = arith.constant 29 : i32
    %add3A_436 = vector.broadcast %add3A_435 : i32 to vector<16xi32>
    %add3A_437 = arith.addi %add3A_287, %add3A_436 : vector<16xi32>
    %gather3A_438 = tpu.vector_load_idx %arg10[%add3A_437] : memref<2048xf32, #tpu.memory_space<vmem>>[vector<16xi32>], vector<16xf32>,
    %add3A_439 = arith.addf %add3A_434, %gather3A_438 : vector<16xf32>
    %add3A_440 = arith.constant 30 : i32
    %add3A_441 = vector.broadcast %add3A_440 : i32 to vector<16xi32>
    %add3A_442 = arith.addi %add3A_287, %add3A_441 : vector<16xi32>
    %gather3A_443 = tpu.vector_load_idx %arg10[%add3A_442] : memref<2048xf32, #tpu.memory_space<vmem>>[vector<16xi32>], vector<16xf32>,
    %add3A_444 = arith.addf %add3A_439, %gather3A_443 : vector<16xf32>
    %add3A_445 = arith.constant 31 : i32
    %add3A_446 = vector.broadcast %add3A_445 : i32 to vector<16xi32>
    %add3A_447 = arith.addi %add3A_287, %add3A_446 : vector<16xi32>
    %gather3A_448 = tpu.vector_load_idx %arg10[%add3A_447] : memref<2048xf32, #tpu.memory_space<vmem>>[vector<16xi32>], vector<16xf32>,
    %add3A_449 = arith.addf %add3A_444, %gather3A_448 : vector<16xf32>
    %add3A_450 = arith.constant 32 : i32
    %add3A_451 = vector.broadcast %add3A_450 : i32 to vector<16xi32>
    %add3A_452 = arith.addi %add3A_287, %add3A_451 : vector<16xi32>
    %gather3A_453 = tpu.vector_load_idx %arg10[%add3A_452] : memref<2048xf32, #tpu.memory_space<vmem>>[vector<16xi32>], vector<16xf32>,
    %add3A_454 = arith.addf %add3A_449, %gather3A_453 : vector<16xf32>
    %add3A_455 = arith.constant 33 : i32
    %add3A_456 = vector.broadcast %add3A_455 : i32 to vector<16xi32>
    %add3A_457 = arith.addi %add3A_287, %add3A_456 : vector<16xi32>
    %gather3A_458 = tpu.vector_load_idx %arg10[%add3A_457] : memref<2048xf32, #tpu.memory_space<vmem>>[vector<16xi32>], vector<16xf32>,
    %add3A_459 = arith.addf %add3A_454, %gather3A_458 : vector<16xf32>
    %add3A_460 = arith.constant 34 : i32
    %add3A_461 = vector.broadcast %add3A_460 : i32 to vector<16xi32>
    %add3A_462 = arith.addi %add3A_287, %add3A_461 : vector<16xi32>
    %gather3A_463 = tpu.vector_load_idx %arg10[%add3A_462] : memref<2048xf32, #tpu.memory_space<vmem>>[vector<16xi32>], vector<16xf32>,
    %add3A_464 = arith.addf %add3A_459, %gather3A_463 : vector<16xf32>
    %add3A_465 = arith.constant 35 : i32
    %add3A_466 = vector.broadcast %add3A_465 : i32 to vector<16xi32>
    %add3A_467 = arith.addi %add3A_287, %add3A_466 : vector<16xi32>
    %gather3A_468 = tpu.vector_load_idx %arg10[%add3A_467] : memref<2048xf32, #tpu.memory_space<vmem>>[vector<16xi32>], vector<16xf32>,
    %add3A_469 = arith.addf %add3A_464, %gather3A_468 : vector<16xf32>
    %add3A_470 = arith.constant 36 : i32
    %add3A_471 = vector.broadcast %add3A_470 : i32 to vector<16xi32>
    %add3A_472 = arith.addi %add3A_287, %add3A_471 : vector<16xi32>
    %gather3A_473 = tpu.vector_load_idx %arg10[%add3A_472] : memref<2048xf32, #tpu.memory_space<vmem>>[vector<16xi32>], vector<16xf32>,
    %add3A_474 = arith.addf %add3A_469, %gather3A_473 : vector<16xf32>
    %add3A_475 = arith.constant 37 : i32
    %add3A_476 = vector.broadcast %add3A_475 : i32 to vector<16xi32>
    %add3A_477 = arith.addi %add3A_287, %add3A_476 : vector<16xi32>
    %gather3A_478 = tpu.vector_load_idx %arg10[%add3A_477] : memref<2048xf32, #tpu.memory_space<vmem>>[vector<16xi32>], vector<16xf32>,
    %add3A_479 = arith.addf %add3A_474, %gather3A_478 : vector<16xf32>
    %add3A_480 = arith.constant 38 : i32
    %add3A_481 = vector.broadcast %add3A_480 : i32 to vector<16xi32>
    %add3A_482 = arith.addi %add3A_287, %add3A_481 : vector<16xi32>
    %gather3A_483 = tpu.vector_load_idx %arg10[%add3A_482] : memref<2048xf32, #tpu.memory_space<vmem>>[vector<16xi32>], vector<16xf32>,
    %add3A_484 = arith.addf %add3A_479, %gather3A_483 : vector<16xf32>
    %add3A_485 = arith.constant 39 : i32
    %add3A_486 = vector.broadcast %add3A_485 : i32 to vector<16xi32>
    %add3A_487 = arith.addi %add3A_287, %add3A_486 : vector<16xi32>
    %gather3A_488 = tpu.vector_load_idx %arg10[%add3A_487] : memref<2048xf32, #tpu.memory_space<vmem>>[vector<16xi32>], vector<16xf32>,
    %add3A_489 = arith.addf %add3A_484, %gather3A_488 : vector<16xf32>
    %add3A_490 = arith.constant 40 : i32
    %add3A_491 = vector.broadcast %add3A_490 : i32 to vector<16xi32>
    %add3A_492 = arith.addi %add3A_287, %add3A_491 : vector<16xi32>
    %gather3A_493 = tpu.vector_load_idx %arg10[%add3A_492] : memref<2048xf32, #tpu.memory_space<vmem>>[vector<16xi32>], vector<16xf32>,
    %add3A_494 = arith.addf %add3A_489, %gather3A_493 : vector<16xf32>
    %add3A_495 = arith.constant 41 : i32
    %add3A_496 = vector.broadcast %add3A_495 : i32 to vector<16xi32>
    %add3A_497 = arith.addi %add3A_287, %add3A_496 : vector<16xi32>
    %gather3A_498 = tpu.vector_load_idx %arg10[%add3A_497] : memref<2048xf32, #tpu.memory_space<vmem>>[vector<16xi32>], vector<16xf32>,
    %add3A_499 = arith.addf %add3A_494, %gather3A_498 : vector<16xf32>
    %add3A_500 = arith.constant 42 : i32
    %add3A_501 = vector.broadcast %add3A_500 : i32 to vector<16xi32>
    %add3A_502 = arith.addi %add3A_287, %add3A_501 : vector<16xi32>
    %gather3A_503 = tpu.vector_load_idx %arg10[%add3A_502] : memref<2048xf32, #tpu.memory_space<vmem>>[vector<16xi32>], vector<16xf32>,
    %add3A_504 = arith.addf %add3A_499, %gather3A_503 : vector<16xf32>
    %add3A_505 = arith.constant 43 : i32
    %add3A_506 = vector.broadcast %add3A_505 : i32 to vector<16xi32>
    %add3A_507 = arith.addi %add3A_287, %add3A_506 : vector<16xi32>
    %gather3A_508 = tpu.vector_load_idx %arg10[%add3A_507] : memref<2048xf32, #tpu.memory_space<vmem>>[vector<16xi32>], vector<16xf32>,
    %add3A_509 = arith.addf %add3A_504, %gather3A_508 : vector<16xf32>
    %add3A_510 = arith.constant 44 : i32
    %add3A_511 = vector.broadcast %add3A_510 : i32 to vector<16xi32>
    %add3A_512 = arith.addi %add3A_287, %add3A_511 : vector<16xi32>
    %gather3A_513 = tpu.vector_load_idx %arg10[%add3A_512] : memref<2048xf32, #tpu.memory_space<vmem>>[vector<16xi32>], vector<16xf32>,
    %add3A_514 = arith.addf %add3A_509, %gather3A_513 : vector<16xf32>
    %add3A_515 = arith.constant 45 : i32
    %add3A_516 = vector.broadcast %add3A_515 : i32 to vector<16xi32>
    %add3A_517 = arith.addi %add3A_287, %add3A_516 : vector<16xi32>
    %gather3A_518 = tpu.vector_load_idx %arg10[%add3A_517] : memref<2048xf32, #tpu.memory_space<vmem>>[vector<16xi32>], vector<16xf32>,
    %add3A_519 = arith.addf %add3A_514, %gather3A_518 : vector<16xf32>
    %add3A_520 = arith.constant 46 : i32
    %add3A_521 = vector.broadcast %add3A_520 : i32 to vector<16xi32>
    %add3A_522 = arith.addi %add3A_287, %add3A_521 : vector<16xi32>
    %gather3A_523 = tpu.vector_load_idx %arg10[%add3A_522] : memref<2048xf32, #tpu.memory_space<vmem>>[vector<16xi32>], vector<16xf32>,
    %add3A_524 = arith.addf %add3A_519, %gather3A_523 : vector<16xf32>
    %add3A_525 = arith.constant 47 : i32
    %add3A_526 = vector.broadcast %add3A_525 : i32 to vector<16xi32>
    %add3A_527 = arith.addi %add3A_287, %add3A_526 : vector<16xi32>
    %gather3A_528 = tpu.vector_load_idx %arg10[%add3A_527] : memref<2048xf32, #tpu.memory_space<vmem>>[vector<16xi32>], vector<16xf32>,
    %add3A_529 = arith.addf %add3A_524, %gather3A_528 : vector<16xf32>
    %add3A_530 = arith.constant 48 : i32
    %add3A_531 = vector.broadcast %add3A_530 : i32 to vector<16xi32>
    %add3A_532 = arith.addi %add3A_287, %add3A_531 : vector<16xi32>
    %gather3A_533 = tpu.vector_load_idx %arg10[%add3A_532] : memref<2048xf32, #tpu.memory_space<vmem>>[vector<16xi32>], vector<16xf32>,
    %add3A_534 = arith.addf %add3A_529, %gather3A_533 : vector<16xf32>
    %add3A_535 = arith.constant 49 : i32
    %add3A_536 = vector.broadcast %add3A_535 : i32 to vector<16xi32>
    %add3A_537 = arith.addi %add3A_287, %add3A_536 : vector<16xi32>
    %gather3A_538 = tpu.vector_load_idx %arg10[%add3A_537] : memref<2048xf32, #tpu.memory_space<vmem>>[vector<16xi32>], vector<16xf32>,
    %add3A_539 = arith.addf %add3A_534, %gather3A_538 : vector<16xf32>
    %mul3A_540 = arith.constant 32 : i32
    %mul3A_541 = arith.muli %add3A, %mul3A_540 : i32
    %add3A_542 = arith.constant 16 : i32
    %add3A_543 = arith.addi %mul3A_541, %add3A_542 : i32
    %add3A_544 = vector.broadcast %add3A_543 : i32 to vector<16xi32>
    %add3A_545 = arith.addi %add3A_544, %iota3A : vector<16xi32>
    %mul3A_546 = arith.constant 2.000000e-02 : f32
    %mul3A_547 = vector.broadcast %mul3A_546 : f32 to vector<16xf32>
    %mul3A_548 = arith.mulf %add3A_539, %mul3A_547 : vector<16xf32>
    %exp3A_549 = math.exp %mul3A_548 : vector<16xf32>
    %lt3A_550 = arith.constant 1000 : i32
    %lt3A_551 = vector.broadcast %lt3A_550 : i32 to vector<16xi32>
    %lt3A_552 = arith.cmpi slt, %add3A_545, %lt3A_551 : vector<16xi32>
    %jit3A_553 = arith.constant 0.000000e+00 : f32
    %broadcast_in_dim3A_554 = vector.broadcast %jit3A_553 : f32 to vector<16xf32>
    %select_n3A_555 = arith.select %lt3A_552, %exp3A_549, %broadcast_in_dim3A_554 : vector<16xi1>, vector<16xf32>
    %swap3A_556 = arith.constant 16 : index
    %swap3A_557 = tpu.vector_load %arg11[%swap3A_556] {strides = array<i32>} : memref<48xf32, #tpu.memory_space<vmem>>, vector<16xf32>,
    tpu.vector_store %arg11[%swap3A_556], %select_n3A_555 {strides = array<i32>} : memref<48xf32, #tpu.memory_space<vmem>>, vector<16xf32>,
    %broadcast_in_dim3A_558 = arith.constant 0.000000e+00 : f32
    %broadcast_in_dim3A_559 = vector.broadcast %broadcast_in_dim3A_558 : f32 to vector<16xf32>
    %swap3A_560 = arith.constant 32 : index
    %swap3A_561 = tpu.vector_load %arg11[%swap3A_560] {strides = array<i32>} : memref<48xf32, #tpu.memory_space<vmem>>, vector<16xf32>,
    tpu.vector_store %arg11[%swap3A_560], %broadcast_in_dim3A_559 {strides = array<i32>} : memref<48xf32, #tpu.memory_space<vmem>>, vector<16xf32>,
    %mul3A_562 = arith.constant 32 : i32
    %mul3A_563 = arith.muli %add3A, %mul3A_562 : i32
    "tpu.region"() ({
      %run_scoped3A_1536 = tpu.sem_alloc : memref<!tpu.dma_semaphore, #tpu.memory_space<semaphore_mem>>
      %dma_start3A_1537 = arith.constant 0 : i32
      %dma_start3A_1538 = tpu.memref_slice %arg11[%dma_start3A_1537] : memref<48xf32, #tpu.memory_space<vmem>> -> memref<32xf32, #tpu.memory_space<vmem>>
      %dma_start3A_1539 = tpu.memref_slice %arg7[%mul3A_563] : memref<1024xf32, #tpu.memory_space<hbm>> -> memref<32xf32, #tpu.memory_space<hbm>>
      %dma_start3A_1540 = tpu.memref_slice %arg7[%mul3A_563] : memref<1024xf32, #tpu.memory_space<hbm>> -> memref<32xf32, #tpu.memory_space<hbm>>
      %dma_start3A_1541 = arith.constant 0 : i32
      %dma_start3A_1542 = tpu.memref_slice %arg11[%dma_start3A_1541] : memref<48xf32, #tpu.memory_space<vmem>> -> memref<32xf32, #tpu.memory_space<vmem>>
      tpu.enqueue_dma source(%dma_start3A_1542 : memref<32xf32, #tpu.memory_space<vmem>>) target(%dma_start3A_1540 : memref<32xf32, #tpu.memory_space<hbm>>) target_semaphore(%run_scoped3A_1536 : memref<!tpu.dma_semaphore, #tpu.memory_space<semaphore_mem>>)
      %dma_wait3A_1543 = arith.constant 0 : i32
      %dma_wait3A_1544 = tpu.memref_slice %arg11[%dma_wait3A_1543] : memref<48xf32, #tpu.memory_space<vmem>> -> memref<32xf32, #tpu.memory_space<vmem>>
      %dma_wait3A_1545 = tpu.memref_slice %arg7[%mul3A_563] : memref<1024xf32, #tpu.memory_space<hbm>> -> memref<32xf32, #tpu.memory_space<hbm>>
      %dma_wait3A_1546 = tpu.memref_slice %arg7[%mul3A_563] : memref<1024xf32, #tpu.memory_space<hbm>> -> memref<32xf32, #tpu.memory_space<hbm>>
      %dma_wait3A_1547 = arith.constant 0 : i32
      %dma_wait3A_1548 = tpu.memref_slice %arg11[%dma_wait3A_1547] : memref<48xf32, #tpu.memory_space<vmem>> -> memref<32xf32, #tpu.memory_space<vmem>>
      tpu.wait_dma2 semaphore(%run_scoped3A_1536 : memref<!tpu.dma_semaphore, #tpu.memory_space<semaphore_mem>>) src(%dma_wait3A_1548 : memref<32xf32, #tpu.memory_space<vmem>>) dst(%dma_wait3A_1546 : memref<32xf32, #tpu.memory_space<hbm>>)
      tpu.yield
    }) : () -> ()
    %get3A = arith.constant 0 : i32
    "tpu.trace_stop"() : () -> ()
    "tpu.trace_start"() <{level = 10 : i32, message = "kv_u_build"}> : () -> ()
    %get3A_564 = arith.index_cast %get3A : i32 to index
    %get3A_565 = arith.constant 0 : index
    %get3A_566 = tpu.vector_load %arg13[%get3A_564, %get3A_565] {strides = array<i32>} : memref<13x128xi32, #tpu.memory_space<vmem>>, vector<16xi32>,
    %gather3A_567 = tpu.vector_load_idx %arg11[%get3A_566] : memref<48xf32, #tpu.memory_space<vmem>>[vector<16xi32>], vector<16xf32>,
    %swap3A_568 = arith.constant 0 : i32
    %swap3A_569 = arith.index_cast %swap3A_568 : i32 to index
    %swap3A_570 = arith.constant 0 : index
    %swap3A_571 = tpu.vector_load %arg14[%swap3A_569, %swap3A_570] {strides = array<i32>} : memref<13x128xf32, #tpu.memory_space<vmem>>, vector<16xf32>,
    tpu.vector_store %arg14[%swap3A_569, %swap3A_570], %gather3A_567 {strides = array<i32>} : memref<13x128xf32, #tpu.memory_space<vmem>>, vector<16xf32>,
    %get3A_572 = arith.constant 0 : i32
    %get3A_573 = arith.index_cast %get3A_572 : i32 to index
    %get3A_574 = arith.constant 16 : index
    %get3A_575 = tpu.vector_load %arg13[%get3A_573, %get3A_574] {strides = array<i32>} : memref<13x128xi32, #tpu.memory_space<vmem>>, vector<16xi32>,
    %gather3A_576 = tpu.vector_load_idx %arg11[%get3A_575] : memref<48xf32, #tpu.memory_space<vmem>>[vector<16xi32>], vector<16xf32>,
    %swap3A_577 = arith.constant 0 : i32
    %swap3A_578 = arith.index_cast %swap3A_577 : i32 to index
    %swap3A_579 = arith.constant 16 : index
    %swap3A_580 = tpu.vector_load %arg14[%swap3A_578, %swap3A_579] {strides = array<i32>} : memref<13x128xf32, #tpu.memory_space<vmem>>, vector<16xf32>,
    tpu.vector_store %arg14[%swap3A_578, %swap3A_579], %gather3A_576 {strides = array<i32>} : memref<13x128xf32, #tpu.memory_space<vmem>>, vector<16xf32>,
    %get3A_581 = arith.constant 0 : i32
    %get3A_582 = arith.index_cast %get3A_581 : i32 to index
    %get3A_583 = arith.constant 32 : index
    %get3A_584 = tpu.vector_load %arg13[%get3A_582, %get3A_583] {strides = array<i32>} : memref<13x128xi32, #tpu.memory_space<vmem>>, vector<16xi32>,
    %gather3A_585 = tpu.vector_load_idx %arg11[%get3A_584] : memref<48xf32, #tpu.memory_space<vmem>>[vector<16xi32>], vector<16xf32>,
    %swap3A_586 = arith.constant 0 : i32
    %swap3A_587 = arith.index_cast %swap3A_586 : i32 to index
    %swap3A_588 = arith.constant 32 : index
    %swap3A_589 = tpu.vector_load %arg14[%swap3A_587, %swap3A_588] {strides = array<i32>} : memref<13x128xf32, #tpu.memory_space<vmem>>, vector<16xf32>,
    tpu.vector_store %arg14[%swap3A_587, %swap3A_588], %gather3A_585 {strides = array<i32>} : memref<13x128xf32, #tpu.memory_space<vmem>>, vector<16xf32>,
    %get3A_590 = arith.constant 0 : i32
    %get3A_591 = arith.index_cast %get3A_590 : i32 to index
    %get3A_592 = arith.constant 48 : index
    %get3A_593 = tpu.vector_load %arg13[%get3A_591, %get3A_592] {strides = array<i32>} : memref<13x128xi32, #tpu.memory_space<vmem>>, vector<16xi32>,
    %gather3A_594 = tpu.vector_load_idx %arg11[%get3A_593] : memref<48xf32, #tpu.memory_space<vmem>>[vector<16xi32>], vector<16xf32>,
    %swap3A_595 = arith.constant 0 : i32
    %swap3A_596 = arith.index_cast %swap3A_595 : i32 to index
    %swap3A_597 = arith.constant 48 : index
    %swap3A_598 = tpu.vector_load %arg14[%swap3A_596, %swap3A_597] {strides = array<i32>} : memref<13x128xf32, #tpu.memory_space<vmem>>, vector<16xf32>,
    tpu.vector_store %arg14[%swap3A_596, %swap3A_597], %gather3A_594 {strides = array<i32>} : memref<13x128xf32, #tpu.memory_space<vmem>>, vector<16xf32>,
    %get3A_599 = arith.constant 0 : i32
    %get3A_600 = arith.index_cast %get3A_599 : i32 to index
    %get3A_601 = arith.constant 64 : index
    %get3A_602 = tpu.vector_load %arg13[%get3A_600, %get3A_601] {strides = array<i32>} : memref<13x128xi32, #tpu.memory_space<vmem>>, vector<16xi32>,
    %gather3A_603 = tpu.vector_load_idx %arg11[%get3A_602] : memref<48xf32, #tpu.memory_space<vmem>>[vector<16xi32>], vector<16xf32>,
    %swap3A_604 = arith.constant 0 : i32
    %swap3A_605 = arith.index_cast %swap3A_604 : i32 to index
    %swap3A_606 = arith.constant 64 : index
    %swap3A_607 = tpu.vector_load %arg14[%swap3A_605, %swap3A_606] {strides = array<i32>} : memref<13x128xf32, #tpu.memory_space<vmem>>, vector<16xf32>,
    tpu.vector_store %arg14[%swap3A_605, %swap3A_606], %gather3A_603 {strides = array<i32>} : memref<13x128xf32, #tpu.memory_space<vmem>>, vector<16xf32>,
    %get3A_608 = arith.constant 0 : i32
    %get3A_609 = arith.index_cast %get3A_608 : i32 to index
    %get3A_610 = arith.constant 80 : index
    %get3A_611 = tpu.vector_load %arg13[%get3A_609, %get3A_610] {strides = array<i32>} : memref<13x128xi32, #tpu.memory_space<vmem>>, vector<16xi32>,
    %gather3A_612 = tpu.vector_load_idx %arg11[%get3A_611] : memref<48xf32, #tpu.memory_space<vmem>>[vector<16xi32>], vector<16xf32>,
    %swap3A_613 = arith.constant 0 : i32
    %swap3A_614 = arith.index_cast %swap3A_613 : i32 to index
    %swap3A_615 = arith.constant 80 : index
    %swap3A_616 = tpu.vector_load %arg14[%swap3A_614, %swap3A_615] {strides = array<i32>} : memref<13x128xf32, #tpu.memory_space<vmem>>, vector<16xf32>,
    tpu.vector_store %arg14[%swap3A_614, %swap3A_615], %gather3A_612 {strides = array<i32>} : memref<13x128xf32, #tpu.memory_space<vmem>>, vector<16xf32>,
    %get3A_617 = arith.constant 0 : i32
    %get3A_618 = arith.index_cast %get3A_617 : i32 to index
    %get3A_619 = arith.constant 96 : index
    %get3A_620 = tpu.vector_load %arg13[%get3A_618, %get3A_619] {strides = array<i32>} : memref<13x128xi32, #tpu.memory_space<vmem>>, vector<16xi32>,
    %gather3A_621 = tpu.vector_load_idx %arg11[%get3A_620] : memref<48xf32, #tpu.memory_space<vmem>>[vector<16xi32>], vector<16xf32>,
    %swap3A_622 = arith.constant 0 : i32
    %swap3A_623 = arith.index_cast %swap3A_622 : i32 to index
    %swap3A_624 = arith.constant 96 : index
    %swap3A_625 = tpu.vector_load %arg14[%swap3A_623, %swap3A_624] {strides = array<i32>} : memref<13x128xf32, #tpu.memory_space<vmem>>, vector<16xf32>,
    tpu.vector_store %arg14[%swap3A_623, %swap3A_624], %gather3A_621 {strides = array<i32>} : memref<13x128xf32, #tpu.memory_space<vmem>>, vector<16xf32>,
    %get3A_626 = arith.constant 0 : i32
    %get3A_627 = arith.index_cast %get3A_626 : i32 to index
    %get3A_628 = arith.constant 112 : index
    %get3A_629 = tpu.vector_load %arg13[%get3A_627, %get3A_628] {strides = array<i32>} : memref<13x128xi32, #tpu.memory_space<vmem>>, vector<16xi32>,
    %gather3A_630 = tpu.vector_load_idx %arg11[%get3A_629] : memref<48xf32, #tpu.memory_space<vmem>>[vector<16xi32>], vector<16xf32>,
    %swap3A_631 = arith.constant 0 : i32
    %swap3A_632 = arith.index_cast %swap3A_631 : i32 to index
    %swap3A_633 = arith.constant 112 : index
    %swap3A_634 = tpu.vector_load %arg14[%swap3A_632, %swap3A_633] {strides = array<i32>} : memref<13x128xf32, #tpu.memory_space<vmem>>, vector<16xf32>,
    tpu.vector_store %arg14[%swap3A_632, %swap3A_633], %gather3A_630 {strides = array<i32>} : memref<13x128xf32, #tpu.memory_space<vmem>>, vector<16xf32>,
    %get3A_635 = arith.constant 1 : i32
    %get3A_636 = arith.index_cast %get3A_635 : i32 to index
    %get3A_637 = arith.constant 0 : index
    %get3A_638 = tpu.vector_load %arg13[%get3A_636, %get3A_637] {strides = array<i32>} : memref<13x128xi32, #tpu.memory_space<vmem>>, vector<16xi32>,
    %gather3A_639 = tpu.vector_load_idx %arg11[%get3A_638] : memref<48xf32, #tpu.memory_space<vmem>>[vector<16xi32>], vector<16xf32>,
    %swap3A_640 = arith.constant 1 : i32
    %swap3A_641 = arith.index_cast %swap3A_640 : i32 to index
    %swap3A_642 = arith.constant 0 : index
    %swap3A_643 = tpu.vector_load %arg14[%swap3A_641, %swap3A_642] {strides = array<i32>} : memref<13x128xf32, #tpu.memory_space<vmem>>, vector<16xf32>,
    tpu.vector_store %arg14[%swap3A_641, %swap3A_642], %gather3A_639 {strides = array<i32>} : memref<13x128xf32, #tpu.memory_space<vmem>>, vector<16xf32>,
    %get3A_644 = arith.constant 1 : i32
    %get3A_645 = arith.index_cast %get3A_644 : i32 to index
    %get3A_646 = arith.constant 16 : index
    %get3A_647 = tpu.vector_load %arg13[%get3A_645, %get3A_646] {strides = array<i32>} : memref<13x128xi32, #tpu.memory_space<vmem>>, vector<16xi32>,
    %gather3A_648 = tpu.vector_load_idx %arg11[%get3A_647] : memref<48xf32, #tpu.memory_space<vmem>>[vector<16xi32>], vector<16xf32>,
    %swap3A_649 = arith.constant 1 : i32
    %swap3A_650 = arith.index_cast %swap3A_649 : i32 to index
    %swap3A_651 = arith.constant 16 : index
    %swap3A_652 = tpu.vector_load %arg14[%swap3A_650, %swap3A_651] {strides = array<i32>} : memref<13x128xf32, #tpu.memory_space<vmem>>, vector<16xf32>,
    tpu.vector_store %arg14[%swap3A_650, %swap3A_651], %gather3A_648 {strides = array<i32>} : memref<13x128xf32, #tpu.memory_space<vmem>>, vector<16xf32>,
    %get3A_653 = arith.constant 1 : i32
    %get3A_654 = arith.index_cast %get3A_653 : i32 to index
    %get3A_655 = arith.constant 32 : index
    %get3A_656 = tpu.vector_load %arg13[%get3A_654, %get3A_655] {strides = array<i32>} : memref<13x128xi32, #tpu.memory_space<vmem>>, vector<16xi32>,
    %gather3A_657 = tpu.vector_load_idx %arg11[%get3A_656] : memref<48xf32, #tpu.memory_space<vmem>>[vector<16xi32>], vector<16xf32>,
    %swap3A_658 = arith.constant 1 : i32
    %swap3A_659 = arith.index_cast %swap3A_658 : i32 to index
    %swap3A_660 = arith.constant 32 : index
    %swap3A_661 = tpu.vector_load %arg14[%swap3A_659, %swap3A_660] {strides = array<i32>} : memref<13x128xf32, #tpu.memory_space<vmem>>, vector<16xf32>,
    tpu.vector_store %arg14[%swap3A_659, %swap3A_660], %gather3A_657 {strides = array<i32>} : memref<13x128xf32, #tpu.memory_space<vmem>>, vector<16xf32>,
    %get3A_662 = arith.constant 1 : i32
    %get3A_663 = arith.index_cast %get3A_662 : i32 to index
    %get3A_664 = arith.constant 48 : index
    %get3A_665 = tpu.vector_load %arg13[%get3A_663, %get3A_664] {strides = array<i32>} : memref<13x128xi32, #tpu.memory_space<vmem>>, vector<16xi32>,
    %gather3A_666 = tpu.vector_load_idx %arg11[%get3A_665] : memref<48xf32, #tpu.memory_space<vmem>>[vector<16xi32>], vector<16xf32>,
    %swap3A_667 = arith.constant 1 : i32
    %swap3A_668 = arith.index_cast %swap3A_667 : i32 to index
    %swap3A_669 = arith.constant 48 : index
    %swap3A_670 = tpu.vector_load %arg14[%swap3A_668, %swap3A_669] {strides = array<i32>} : memref<13x128xf32, #tpu.memory_space<vmem>>, vector<16xf32>,
    tpu.vector_store %arg14[%swap3A_668, %swap3A_669], %gather3A_666 {strides = array<i32>} : memref<13x128xf32, #tpu.memory_space<vmem>>, vector<16xf32>,
    %get3A_671 = arith.constant 1 : i32
    %get3A_672 = arith.index_cast %get3A_671 : i32 to index
    %get3A_673 = arith.constant 64 : index
    %get3A_674 = tpu.vector_load %arg13[%get3A_672, %get3A_673] {strides = array<i32>} : memref<13x128xi32, #tpu.memory_space<vmem>>, vector<16xi32>,
    %gather3A_675 = tpu.vector_load_idx %arg11[%get3A_674] : memref<48xf32, #tpu.memory_space<vmem>>[vector<16xi32>], vector<16xf32>,
    %swap3A_676 = arith.constant 1 : i32
    %swap3A_677 = arith.index_cast %swap3A_676 : i32 to index
    %swap3A_678 = arith.constant 64 : index
    %swap3A_679 = tpu.vector_load %arg14[%swap3A_677, %swap3A_678] {strides = array<i32>} : memref<13x128xf32, #tpu.memory_space<vmem>>, vector<16xf32>,
    tpu.vector_store %arg14[%swap3A_677, %swap3A_678], %gather3A_675 {strides = array<i32>} : memref<13x128xf32, #tpu.memory_space<vmem>>, vector<16xf32>,
    %get3A_680 = arith.constant 1 : i32
    %get3A_681 = arith.index_cast %get3A_680 : i32 to index
    %get3A_682 = arith.constant 80 : index
    %get3A_683 = tpu.vector_load %arg13[%get3A_681, %get3A_682] {strides = array<i32>} : memref<13x128xi32, #tpu.memory_space<vmem>>, vector<16xi32>,
    %gather3A_684 = tpu.vector_load_idx %arg11[%get3A_683] : memref<48xf32, #tpu.memory_space<vmem>>[vector<16xi32>], vector<16xf32>,
    %swap3A_685 = arith.constant 1 : i32
    %swap3A_686 = arith.index_cast %swap3A_685 : i32 to index
    %swap3A_687 = arith.constant 80 : index
    %swap3A_688 = tpu.vector_load %arg14[%swap3A_686, %swap3A_687] {strides = array<i32>} : memref<13x128xf32, #tpu.memory_space<vmem>>, vector<16xf32>,
    tpu.vector_store %arg14[%swap3A_686, %swap3A_687], %gather3A_684 {strides = array<i32>} : memref<13x128xf32, #tpu.memory_space<vmem>>, vector<16xf32>,
    %get3A_689 = arith.constant 1 : i32
    %get3A_690 = arith.index_cast %get3A_689 : i32 to index
    %get3A_691 = arith.constant 96 : index
    %get3A_692 = tpu.vector_load %arg13[%get3A_690, %get3A_691] {strides = array<i32>} : memref<13x128xi32, #tpu.memory_space<vmem>>, vector<16xi32>,
    %gather3A_693 = tpu.vector_load_idx %arg11[%get3A_692] : memref<48xf32, #tpu.memory_space<vmem>>[vector<16xi32>], vector<16xf32>,
    %swap3A_694 = arith.constant 1 : i32
    %swap3A_695 = arith.index_cast %swap3A_694 : i32 to index
    %swap3A_696 = arith.constant 96 : index
    %swap3A_697 = tpu.vector_load %arg14[%swap3A_695, %swap3A_696] {strides = array<i32>} : memref<13x128xf32, #tpu.memory_space<vmem>>, vector<16xf32>,
    tpu.vector_store %arg14[%swap3A_695, %swap3A_696], %gather3A_693 {strides = array<i32>} : memref<13x128xf32, #tpu.memory_space<vmem>>, vector<16xf32>,
    %get3A_698 = arith.constant 1 : i32
    %get3A_699 = arith.index_cast %get3A_698 : i32 to index
    %get3A_700 = arith.constant 112 : index
    %get3A_701 = tpu.vector_load %arg13[%get3A_699, %get3A_700] {strides = array<i32>} : memref<13x128xi32, #tpu.memory_space<vmem>>, vector<16xi32>,
    %gather3A_702 = tpu.vector_load_idx %arg11[%get3A_701] : memref<48xf32, #tpu.memory_space<vmem>>[vector<16xi32>], vector<16xf32>,
    %swap3A_703 = arith.constant 1 : i32
    %swap3A_704 = arith.index_cast %swap3A_703 : i32 to index
    %swap3A_705 = arith.constant 112 : index
    %swap3A_706 = tpu.vector_load %arg14[%swap3A_704, %swap3A_705] {strides = array<i32>} : memref<13x128xf32, #tpu.memory_space<vmem>>, vector<16xf32>,
    tpu.vector_store %arg14[%swap3A_704, %swap3A_705], %gather3A_702 {strides = array<i32>} : memref<13x128xf32, #tpu.memory_space<vmem>>, vector<16xf32>,
    %get3A_707 = arith.constant 2 : i32
    %get3A_708 = arith.index_cast %get3A_707 : i32 to index
    %get3A_709 = arith.constant 0 : index
    %get3A_710 = tpu.vector_load %arg13[%get3A_708, %get3A_709] {strides = array<i32>} : memref<13x128xi32, #tpu.memory_space<vmem>>, vector<16xi32>,
    %gather3A_711 = tpu.vector_load_idx %arg11[%get3A_710] : memref<48xf32, #tpu.memory_space<vmem>>[vector<16xi32>], vector<16xf32>,
    %swap3A_712 = arith.constant 2 : i32
    %swap3A_713 = arith.index_cast %swap3A_712 : i32 to index
    %swap3A_714 = arith.constant 0 : index
    %swap3A_715 = tpu.vector_load %arg14[%swap3A_713, %swap3A_714] {strides = array<i32>} : memref<13x128xf32, #tpu.memory_space<vmem>>, vector<16xf32>,
    tpu.vector_store %arg14[%swap3A_713, %swap3A_714], %gather3A_711 {strides = array<i32>} : memref<13x128xf32, #tpu.memory_space<vmem>>, vector<16xf32>,
    %get3A_716 = arith.constant 2 : i32
    %get3A_717 = arith.index_cast %get3A_716 : i32 to index
    %get3A_718 = arith.constant 16 : index
    %get3A_719 = tpu.vector_load %arg13[%get3A_717, %get3A_718] {strides = array<i32>} : memref<13x128xi32, #tpu.memory_space<vmem>>, vector<16xi32>,
    %gather3A_720 = tpu.vector_load_idx %arg11[%get3A_719] : memref<48xf32, #tpu.memory_space<vmem>>[vector<16xi32>], vector<16xf32>,
    %swap3A_721 = arith.constant 2 : i32
    %swap3A_722 = arith.index_cast %swap3A_721 : i32 to index
    %swap3A_723 = arith.constant 16 : index
    %swap3A_724 = tpu.vector_load %arg14[%swap3A_722, %swap3A_723] {strides = array<i32>} : memref<13x128xf32, #tpu.memory_space<vmem>>, vector<16xf32>,
    tpu.vector_store %arg14[%swap3A_722, %swap3A_723], %gather3A_720 {strides = array<i32>} : memref<13x128xf32, #tpu.memory_space<vmem>>, vector<16xf32>,
    %get3A_725 = arith.constant 2 : i32
    %get3A_726 = arith.index_cast %get3A_725 : i32 to index
    %get3A_727 = arith.constant 32 : index
    %get3A_728 = tpu.vector_load %arg13[%get3A_726, %get3A_727] {strides = array<i32>} : memref<13x128xi32, #tpu.memory_space<vmem>>, vector<16xi32>,
    %gather3A_729 = tpu.vector_load_idx %arg11[%get3A_728] : memref<48xf32, #tpu.memory_space<vmem>>[vector<16xi32>], vector<16xf32>,
    %swap3A_730 = arith.constant 2 : i32
    %swap3A_731 = arith.index_cast %swap3A_730 : i32 to index
    %swap3A_732 = arith.constant 32 : index
    %swap3A_733 = tpu.vector_load %arg14[%swap3A_731, %swap3A_732] {strides = array<i32>} : memref<13x128xf32, #tpu.memory_space<vmem>>, vector<16xf32>,
    tpu.vector_store %arg14[%swap3A_731, %swap3A_732], %gather3A_729 {strides = array<i32>} : memref<13x128xf32, #tpu.memory_space<vmem>>, vector<16xf32>,
    %get3A_734 = arith.constant 2 : i32
    %get3A_735 = arith.index_cast %get3A_734 : i32 to index
    %get3A_736 = arith.constant 48 : index
    %get3A_737 = tpu.vector_load %arg13[%get3A_735, %get3A_736] {strides = array<i32>} : memref<13x128xi32, #tpu.memory_space<vmem>>, vector<16xi32>,
    %gather3A_738 = tpu.vector_load_idx %arg11[%get3A_737] : memref<48xf32, #tpu.memory_space<vmem>>[vector<16xi32>], vector<16xf32>,
    %swap3A_739 = arith.constant 2 : i32
    %swap3A_740 = arith.index_cast %swap3A_739 : i32 to index
    %swap3A_741 = arith.constant 48 : index
    %swap3A_742 = tpu.vector_load %arg14[%swap3A_740, %swap3A_741] {strides = array<i32>} : memref<13x128xf32, #tpu.memory_space<vmem>>, vector<16xf32>,
    tpu.vector_store %arg14[%swap3A_740, %swap3A_741], %gather3A_738 {strides = array<i32>} : memref<13x128xf32, #tpu.memory_space<vmem>>, vector<16xf32>,
    %get3A_743 = arith.constant 2 : i32
    %get3A_744 = arith.index_cast %get3A_743 : i32 to index
    %get3A_745 = arith.constant 64 : index
    %get3A_746 = tpu.vector_load %arg13[%get3A_744, %get3A_745] {strides = array<i32>} : memref<13x128xi32, #tpu.memory_space<vmem>>, vector<16xi32>,
    %gather3A_747 = tpu.vector_load_idx %arg11[%get3A_746] : memref<48xf32, #tpu.memory_space<vmem>>[vector<16xi32>], vector<16xf32>,
    %swap3A_748 = arith.constant 2 : i32
    %swap3A_749 = arith.index_cast %swap3A_748 : i32 to index
    %swap3A_750 = arith.constant 64 : index
    %swap3A_751 = tpu.vector_load %arg14[%swap3A_749, %swap3A_750] {strides = array<i32>} : memref<13x128xf32, #tpu.memory_space<vmem>>, vector<16xf32>,
    tpu.vector_store %arg14[%swap3A_749, %swap3A_750], %gather3A_747 {strides = array<i32>} : memref<13x128xf32, #tpu.memory_space<vmem>>, vector<16xf32>,
    %get3A_752 = arith.constant 2 : i32
    %get3A_753 = arith.index_cast %get3A_752 : i32 to index
    %get3A_754 = arith.constant 80 : index
    %get3A_755 = tpu.vector_load %arg13[%get3A_753, %get3A_754] {strides = array<i32>} : memref<13x128xi32, #tpu.memory_space<vmem>>, vector<16xi32>,
    %gather3A_756 = tpu.vector_load_idx %arg11[%get3A_755] : memref<48xf32, #tpu.memory_space<vmem>>[vector<16xi32>], vector<16xf32>,
    %swap3A_757 = arith.constant 2 : i32
    %swap3A_758 = arith.index_cast %swap3A_757 : i32 to index
    %swap3A_759 = arith.constant 80 : index
    %swap3A_760 = tpu.vector_load %arg14[%swap3A_758, %swap3A_759] {strides = array<i32>} : memref<13x128xf32, #tpu.memory_space<vmem>>, vector<16xf32>,
    tpu.vector_store %arg14[%swap3A_758, %swap3A_759], %gather3A_756 {strides = array<i32>} : memref<13x128xf32, #tpu.memory_space<vmem>>, vector<16xf32>,
    %get3A_761 = arith.constant 2 : i32
    %get3A_762 = arith.index_cast %get3A_761 : i32 to index
    %get3A_763 = arith.constant 96 : index
    %get3A_764 = tpu.vector_load %arg13[%get3A_762, %get3A_763] {strides = array<i32>} : memref<13x128xi32, #tpu.memory_space<vmem>>, vector<16xi32>,
    %gather3A_765 = tpu.vector_load_idx %arg11[%get3A_764] : memref<48xf32, #tpu.memory_space<vmem>>[vector<16xi32>], vector<16xf32>,
    %swap3A_766 = arith.constant 2 : i32
    %swap3A_767 = arith.index_cast %swap3A_766 : i32 to index
    %swap3A_768 = arith.constant 96 : index
    %swap3A_769 = tpu.vector_load %arg14[%swap3A_767, %swap3A_768] {strides = array<i32>} : memref<13x128xf32, #tpu.memory_space<vmem>>, vector<16xf32>,
    tpu.vector_store %arg14[%swap3A_767, %swap3A_768], %gather3A_765 {strides = array<i32>} : memref<13x128xf32, #tpu.memory_space<vmem>>, vector<16xf32>,
    %get3A_770 = arith.constant 2 : i32
    %get3A_771 = arith.index_cast %get3A_770 : i32 to index
    %get3A_772 = arith.constant 112 : index
    %get3A_773 = tpu.vector_load %arg13[%get3A_771, %get3A_772] {strides = array<i32>} : memref<13x128xi32, #tpu.memory_space<vmem>>, vector<16xi32>,
    %gather3A_774 = tpu.vector_load_idx %arg11[%get3A_773] : memref<48xf32, #tpu.memory_space<vmem>>[vector<16xi32>], vector<16xf32>,
    %swap3A_775 = arith.constant 2 : i32
    %swap3A_776 = arith.index_cast %swap3A_775 : i32 to index
    %swap3A_777 = arith.constant 112 : index
    %swap3A_778 = tpu.vector_load %arg14[%swap3A_776, %swap3A_777] {strides = array<i32>} : memref<13x128xf32, #tpu.memory_space<vmem>>, vector<16xf32>,
    tpu.vector_store %arg14[%swap3A_776, %swap3A_777], %gather3A_774 {strides = array<i32>} : memref<13x128xf32, #tpu.memory_space<vmem>>, vector<16xf32>,
    %get3A_779 = arith.constant 3 : i32
    %get3A_780 = arith.index_cast %get3A_779 : i32 to index
    %get3A_781 = arith.constant 0 : index
    %get3A_782 = tpu.vector_load %arg13[%get3A_780, %get3A_781] {strides = array<i32>} : memref<13x128xi32, #tpu.memory_space<vmem>>, vector<16xi32>,
    %gather3A_783 = tpu.vector_load_idx %arg11[%get3A_782] : memref<48xf32, #tpu.memory_space<vmem>>[vector<16xi32>], vector<16xf32>,
    %swap3A_784 = arith.constant 3 : i32
    %swap3A_785 = arith.index_cast %swap3A_784 : i32 to index
    %swap3A_786 = arith.constant 0 : index
    %swap3A_787 = tpu.vector_load %arg14[%swap3A_785, %swap3A_786] {strides = array<i32>} : memref<13x128xf32, #tpu.memory_space<vmem>>, vector<16xf32>,
    tpu.vector_store %arg14[%swap3A_785, %swap3A_786], %gather3A_783 {strides = array<i32>} : memref<13x128xf32, #tpu.memory_space<vmem>>, vector<16xf32>,
    %get3A_788 = arith.constant 3 : i32
    %get3A_789 = arith.index_cast %get3A_788 : i32 to index
    %get3A_790 = arith.constant 16 : index
    %get3A_791 = tpu.vector_load %arg13[%get3A_789, %get3A_790] {strides = array<i32>} : memref<13x128xi32, #tpu.memory_space<vmem>>, vector<16xi32>,
    %gather3A_792 = tpu.vector_load_idx %arg11[%get3A_791] : memref<48xf32, #tpu.memory_space<vmem>>[vector<16xi32>], vector<16xf32>,
    %swap3A_793 = arith.constant 3 : i32
    %swap3A_794 = arith.index_cast %swap3A_793 : i32 to index
    %swap3A_795 = arith.constant 16 : index
    %swap3A_796 = tpu.vector_load %arg14[%swap3A_794, %swap3A_795] {strides = array<i32>} : memref<13x128xf32, #tpu.memory_space<vmem>>, vector<16xf32>,
    tpu.vector_store %arg14[%swap3A_794, %swap3A_795], %gather3A_792 {strides = array<i32>} : memref<13x128xf32, #tpu.memory_space<vmem>>, vector<16xf32>,
    %get3A_797 = arith.constant 3 : i32
    %get3A_798 = arith.index_cast %get3A_797 : i32 to index
    %get3A_799 = arith.constant 32 : index
    %get3A_800 = tpu.vector_load %arg13[%get3A_798, %get3A_799] {strides = array<i32>} : memref<13x128xi32, #tpu.memory_space<vmem>>, vector<16xi32>,
    %gather3A_801 = tpu.vector_load_idx %arg11[%get3A_800] : memref<48xf32, #tpu.memory_space<vmem>>[vector<16xi32>], vector<16xf32>,
    %swap3A_802 = arith.constant 3 : i32
    %swap3A_803 = arith.index_cast %swap3A_802 : i32 to index
    %swap3A_804 = arith.constant 32 : index
    %swap3A_805 = tpu.vector_load %arg14[%swap3A_803, %swap3A_804] {strides = array<i32>} : memref<13x128xf32, #tpu.memory_space<vmem>>, vector<16xf32>,
    tpu.vector_store %arg14[%swap3A_803, %swap3A_804], %gather3A_801 {strides = array<i32>} : memref<13x128xf32, #tpu.memory_space<vmem>>, vector<16xf32>,
    %get3A_806 = arith.constant 3 : i32
    %get3A_807 = arith.index_cast %get3A_806 : i32 to index
    %get3A_808 = arith.constant 48 : index
    %get3A_809 = tpu.vector_load %arg13[%get3A_807, %get3A_808] {strides = array<i32>} : memref<13x128xi32, #tpu.memory_space<vmem>>, vector<16xi32>,
    %gather3A_810 = tpu.vector_load_idx %arg11[%get3A_809] : memref<48xf32, #tpu.memory_space<vmem>>[vector<16xi32>], vector<16xf32>,
    %swap3A_811 = arith.constant 3 : i32
    %swap3A_812 = arith.index_cast %swap3A_811 : i32 to index
    %swap3A_813 = arith.constant 48 : index
    %swap3A_814 = tpu.vector_load %arg14[%swap3A_812, %swap3A_813] {strides = array<i32>} : memref<13x128xf32, #tpu.memory_space<vmem>>, vector<16xf32>,
    tpu.vector_store %arg14[%swap3A_812, %swap3A_813], %gather3A_810 {strides = array<i32>} : memref<13x128xf32, #tpu.memory_space<vmem>>, vector<16xf32>,
    %get3A_815 = arith.constant 3 : i32
    %get3A_816 = arith.index_cast %get3A_815 : i32 to index
    %get3A_817 = arith.constant 64 : index
    %get3A_818 = tpu.vector_load %arg13[%get3A_816, %get3A_817] {strides = array<i32>} : memref<13x128xi32, #tpu.memory_space<vmem>>, vector<16xi32>,
    %gather3A_819 = tpu.vector_load_idx %arg11[%get3A_818] : memref<48xf32, #tpu.memory_space<vmem>>[vector<16xi32>], vector<16xf32>,
    %swap3A_820 = arith.constant 3 : i32
    %swap3A_821 = arith.index_cast %swap3A_820 : i32 to index
    %swap3A_822 = arith.constant 64 : index
    %swap3A_823 = tpu.vector_load %arg14[%swap3A_821, %swap3A_822] {strides = array<i32>} : memref<13x128xf32, #tpu.memory_space<vmem>>, vector<16xf32>,
    tpu.vector_store %arg14[%swap3A_821, %swap3A_822], %gather3A_819 {strides = array<i32>} : memref<13x128xf32, #tpu.memory_space<vmem>>, vector<16xf32>,
    %get3A_824 = arith.constant 3 : i32
    %get3A_825 = arith.index_cast %get3A_824 : i32 to index
    %get3A_826 = arith.constant 80 : index
    %get3A_827 = tpu.vector_load %arg13[%get3A_825, %get3A_826] {strides = array<i32>} : memref<13x128xi32, #tpu.memory_space<vmem>>, vector<16xi32>,
    %gather3A_828 = tpu.vector_load_idx %arg11[%get3A_827] : memref<48xf32, #tpu.memory_space<vmem>>[vector<16xi32>], vector<16xf32>,
    %swap3A_829 = arith.constant 3 : i32
    %swap3A_830 = arith.index_cast %swap3A_829 : i32 to index
    %swap3A_831 = arith.constant 80 : index
    %swap3A_832 = tpu.vector_load %arg14[%swap3A_830, %swap3A_831] {strides = array<i32>} : memref<13x128xf32, #tpu.memory_space<vmem>>, vector<16xf32>,
    tpu.vector_store %arg14[%swap3A_830, %swap3A_831], %gather3A_828 {strides = array<i32>} : memref<13x128xf32, #tpu.memory_space<vmem>>, vector<16xf32>,
    %get3A_833 = arith.constant 3 : i32
    %get3A_834 = arith.index_cast %get3A_833 : i32 to index
    %get3A_835 = arith.constant 96 : index
    %get3A_836 = tpu.vector_load %arg13[%get3A_834, %get3A_835] {strides = array<i32>} : memref<13x128xi32, #tpu.memory_space<vmem>>, vector<16xi32>,
    %gather3A_837 = tpu.vector_load_idx %arg11[%get3A_836] : memref<48xf32, #tpu.memory_space<vmem>>[vector<16xi32>], vector<16xf32>,
    %swap3A_838 = arith.constant 3 : i32
    %swap3A_839 = arith.index_cast %swap3A_838 : i32 to index
    %swap3A_840 = arith.constant 96 : index
    %swap3A_841 = tpu.vector_load %arg14[%swap3A_839, %swap3A_840] {strides = array<i32>} : memref<13x128xf32, #tpu.memory_space<vmem>>, vector<16xf32>,
    tpu.vector_store %arg14[%swap3A_839, %swap3A_840], %gather3A_837 {strides = array<i32>} : memref<13x128xf32, #tpu.memory_space<vmem>>, vector<16xf32>,
    %get3A_842 = arith.constant 3 : i32
    %get3A_843 = arith.index_cast %get3A_842 : i32 to index
    %get3A_844 = arith.constant 112 : index
    %get3A_845 = tpu.vector_load %arg13[%get3A_843, %get3A_844] {strides = array<i32>} : memref<13x128xi32, #tpu.memory_space<vmem>>, vector<16xi32>,
    %gather3A_846 = tpu.vector_load_idx %arg11[%get3A_845] : memref<48xf32, #tpu.memory_space<vmem>>[vector<16xi32>], vector<16xf32>,
    %swap3A_847 = arith.constant 3 : i32
    %swap3A_848 = arith.index_cast %swap3A_847 : i32 to index
    %swap3A_849 = arith.constant 112 : index
    %swap3A_850 = tpu.vector_load %arg14[%swap3A_848, %swap3A_849] {strides = array<i32>} : memref<13x128xf32, #tpu.memory_space<vmem>>, vector<16xf32>,
    tpu.vector_store %arg14[%swap3A_848, %swap3A_849], %gather3A_846 {strides = array<i32>} : memref<13x128xf32, #tpu.memory_space<vmem>>, vector<16xf32>,
    %get3A_851 = arith.constant 4 : i32
    %get3A_852 = arith.index_cast %get3A_851 : i32 to index
    %get3A_853 = arith.constant 0 : index
    %get3A_854 = tpu.vector_load %arg13[%get3A_852, %get3A_853] {strides = array<i32>} : memref<13x128xi32, #tpu.memory_space<vmem>>, vector<16xi32>,
    %gather3A_855 = tpu.vector_load_idx %arg11[%get3A_854] : memref<48xf32, #tpu.memory_space<vmem>>[vector<16xi32>], vector<16xf32>,
    %swap3A_856 = arith.constant 4 : i32
    %swap3A_857 = arith.index_cast %swap3A_856 : i32 to index
    %swap3A_858 = arith.constant 0 : index
    %swap3A_859 = tpu.vector_load %arg14[%swap3A_857, %swap3A_858] {strides = array<i32>} : memref<13x128xf32, #tpu.memory_space<vmem>>, vector<16xf32>,
    tpu.vector_store %arg14[%swap3A_857, %swap3A_858], %gather3A_855 {strides = array<i32>} : memref<13x128xf32, #tpu.memory_space<vmem>>, vector<16xf32>,
    %get3A_860 = arith.constant 4 : i32
    %get3A_861 = arith.index_cast %get3A_860 : i32 to index
    %get3A_862 = arith.constant 16 : index
    %get3A_863 = tpu.vector_load %arg13[%get3A_861, %get3A_862] {strides = array<i32>} : memref<13x128xi32, #tpu.memory_space<vmem>>, vector<16xi32>,
    %gather3A_864 = tpu.vector_load_idx %arg11[%get3A_863] : memref<48xf32, #tpu.memory_space<vmem>>[vector<16xi32>], vector<16xf32>,
    %swap3A_865 = arith.constant 4 : i32
    %swap3A_866 = arith.index_cast %swap3A_865 : i32 to index
    %swap3A_867 = arith.constant 16 : index
    %swap3A_868 = tpu.vector_load %arg14[%swap3A_866, %swap3A_867] {strides = array<i32>} : memref<13x128xf32, #tpu.memory_space<vmem>>, vector<16xf32>,
    tpu.vector_store %arg14[%swap3A_866, %swap3A_867], %gather3A_864 {strides = array<i32>} : memref<13x128xf32, #tpu.memory_space<vmem>>, vector<16xf32>,
    %get3A_869 = arith.constant 4 : i32
    %get3A_870 = arith.index_cast %get3A_869 : i32 to index
    %get3A_871 = arith.constant 32 : index
    %get3A_872 = tpu.vector_load %arg13[%get3A_870, %get3A_871] {strides = array<i32>} : memref<13x128xi32, #tpu.memory_space<vmem>>, vector<16xi32>,
    %gather3A_873 = tpu.vector_load_idx %arg11[%get3A_872] : memref<48xf32, #tpu.memory_space<vmem>>[vector<16xi32>], vector<16xf32>,
    %swap3A_874 = arith.constant 4 : i32
    %swap3A_875 = arith.index_cast %swap3A_874 : i32 to index
    %swap3A_876 = arith.constant 32 : index
    %swap3A_877 = tpu.vector_load %arg14[%swap3A_875, %swap3A_876] {strides = array<i32>} : memref<13x128xf32, #tpu.memory_space<vmem>>, vector<16xf32>,
    tpu.vector_store %arg14[%swap3A_875, %swap3A_876], %gather3A_873 {strides = array<i32>} : memref<13x128xf32, #tpu.memory_space<vmem>>, vector<16xf32>,
    %get3A_878 = arith.constant 4 : i32
    %get3A_879 = arith.index_cast %get3A_878 : i32 to index
    %get3A_880 = arith.constant 48 : index
    %get3A_881 = tpu.vector_load %arg13[%get3A_879, %get3A_880] {strides = array<i32>} : memref<13x128xi32, #tpu.memory_space<vmem>>, vector<16xi32>,
    %gather3A_882 = tpu.vector_load_idx %arg11[%get3A_881] : memref<48xf32, #tpu.memory_space<vmem>>[vector<16xi32>], vector<16xf32>,
    %swap3A_883 = arith.constant 4 : i32
    %swap3A_884 = arith.index_cast %swap3A_883 : i32 to index
    %swap3A_885 = arith.constant 48 : index
    %swap3A_886 = tpu.vector_load %arg14[%swap3A_884, %swap3A_885] {strides = array<i32>} : memref<13x128xf32, #tpu.memory_space<vmem>>, vector<16xf32>,
    tpu.vector_store %arg14[%swap3A_884, %swap3A_885], %gather3A_882 {strides = array<i32>} : memref<13x128xf32, #tpu.memory_space<vmem>>, vector<16xf32>,
    %get3A_887 = arith.constant 4 : i32
    %get3A_888 = arith.index_cast %get3A_887 : i32 to index
    %get3A_889 = arith.constant 64 : index
    %get3A_890 = tpu.vector_load %arg13[%get3A_888, %get3A_889] {strides = array<i32>} : memref<13x128xi32, #tpu.memory_space<vmem>>, vector<16xi32>,
    %gather3A_891 = tpu.vector_load_idx %arg11[%get3A_890] : memref<48xf32, #tpu.memory_space<vmem>>[vector<16xi32>], vector<16xf32>,
    %swap3A_892 = arith.constant 4 : i32
    %swap3A_893 = arith.index_cast %swap3A_892 : i32 to index
    %swap3A_894 = arith.constant 64 : index
    %swap3A_895 = tpu.vector_load %arg14[%swap3A_893, %swap3A_894] {strides = array<i32>} : memref<13x128xf32, #tpu.memory_space<vmem>>, vector<16xf32>,
    tpu.vector_store %arg14[%swap3A_893, %swap3A_894], %gather3A_891 {strides = array<i32>} : memref<13x128xf32, #tpu.memory_space<vmem>>, vector<16xf32>,
    %get3A_896 = arith.constant 4 : i32
    %get3A_897 = arith.index_cast %get3A_896 : i32 to index
    %get3A_898 = arith.constant 80 : index
    %get3A_899 = tpu.vector_load %arg13[%get3A_897, %get3A_898] {strides = array<i32>} : memref<13x128xi32, #tpu.memory_space<vmem>>, vector<16xi32>,
    %gather3A_900 = tpu.vector_load_idx %arg11[%get3A_899] : memref<48xf32, #tpu.memory_space<vmem>>[vector<16xi32>], vector<16xf32>,
    %swap3A_901 = arith.constant 4 : i32
    %swap3A_902 = arith.index_cast %swap3A_901 : i32 to index
    %swap3A_903 = arith.constant 80 : index
    %swap3A_904 = tpu.vector_load %arg14[%swap3A_902, %swap3A_903] {strides = array<i32>} : memref<13x128xf32, #tpu.memory_space<vmem>>, vector<16xf32>,
    tpu.vector_store %arg14[%swap3A_902, %swap3A_903], %gather3A_900 {strides = array<i32>} : memref<13x128xf32, #tpu.memory_space<vmem>>, vector<16xf32>,
    %get3A_905 = arith.constant 4 : i32
    %get3A_906 = arith.index_cast %get3A_905 : i32 to index
    %get3A_907 = arith.constant 96 : index
    %get3A_908 = tpu.vector_load %arg13[%get3A_906, %get3A_907] {strides = array<i32>} : memref<13x128xi32, #tpu.memory_space<vmem>>, vector<16xi32>,
    %gather3A_909 = tpu.vector_load_idx %arg11[%get3A_908] : memref<48xf32, #tpu.memory_space<vmem>>[vector<16xi32>], vector<16xf32>,
    %swap3A_910 = arith.constant 4 : i32
    %swap3A_911 = arith.index_cast %swap3A_910 : i32 to index
    %swap3A_912 = arith.constant 96 : index
    %swap3A_913 = tpu.vector_load %arg14[%swap3A_911, %swap3A_912] {strides = array<i32>} : memref<13x128xf32, #tpu.memory_space<vmem>>, vector<16xf32>,
    tpu.vector_store %arg14[%swap3A_911, %swap3A_912], %gather3A_909 {strides = array<i32>} : memref<13x128xf32, #tpu.memory_space<vmem>>, vector<16xf32>,
    %get3A_914 = arith.constant 4 : i32
    %get3A_915 = arith.index_cast %get3A_914 : i32 to index
    %get3A_916 = arith.constant 112 : index
    %get3A_917 = tpu.vector_load %arg13[%get3A_915, %get3A_916] {strides = array<i32>} : memref<13x128xi32, #tpu.memory_space<vmem>>, vector<16xi32>,
    %gather3A_918 = tpu.vector_load_idx %arg11[%get3A_917] : memref<48xf32, #tpu.memory_space<vmem>>[vector<16xi32>], vector<16xf32>,
    %swap3A_919 = arith.constant 4 : i32
    %swap3A_920 = arith.index_cast %swap3A_919 : i32 to index
    %swap3A_921 = arith.constant 112 : index
    %swap3A_922 = tpu.vector_load %arg14[%swap3A_920, %swap3A_921] {strides = array<i32>} : memref<13x128xf32, #tpu.memory_space<vmem>>, vector<16xf32>,
    tpu.vector_store %arg14[%swap3A_920, %swap3A_921], %gather3A_918 {strides = array<i32>} : memref<13x128xf32, #tpu.memory_space<vmem>>, vector<16xf32>,
    %get3A_923 = arith.constant 5 : i32
    %get3A_924 = arith.index_cast %get3A_923 : i32 to index
    %get3A_925 = arith.constant 0 : index
    %get3A_926 = tpu.vector_load %arg13[%get3A_924, %get3A_925] {strides = array<i32>} : memref<13x128xi32, #tpu.memory_space<vmem>>, vector<16xi32>,
    %gather3A_927 = tpu.vector_load_idx %arg11[%get3A_926] : memref<48xf32, #tpu.memory_space<vmem>>[vector<16xi32>], vector<16xf32>,
    %swap3A_928 = arith.constant 5 : i32
    %swap3A_929 = arith.index_cast %swap3A_928 : i32 to index
    %swap3A_930 = arith.constant 0 : index
    %swap3A_931 = tpu.vector_load %arg14[%swap3A_929, %swap3A_930] {strides = array<i32>} : memref<13x128xf32, #tpu.memory_space<vmem>>, vector<16xf32>,
    tpu.vector_store %arg14[%swap3A_929, %swap3A_930], %gather3A_927 {strides = array<i32>} : memref<13x128xf32, #tpu.memory_space<vmem>>, vector<16xf32>,
    %get3A_932 = arith.constant 5 : i32
    %get3A_933 = arith.index_cast %get3A_932 : i32 to index
    %get3A_934 = arith.constant 16 : index
    %get3A_935 = tpu.vector_load %arg13[%get3A_933, %get3A_934] {strides = array<i32>} : memref<13x128xi32, #tpu.memory_space<vmem>>, vector<16xi32>,
    %gather3A_936 = tpu.vector_load_idx %arg11[%get3A_935] : memref<48xf32, #tpu.memory_space<vmem>>[vector<16xi32>], vector<16xf32>,
    %swap3A_937 = arith.constant 5 : i32
    %swap3A_938 = arith.index_cast %swap3A_937 : i32 to index
    %swap3A_939 = arith.constant 16 : index
    %swap3A_940 = tpu.vector_load %arg14[%swap3A_938, %swap3A_939] {strides = array<i32>} : memref<13x128xf32, #tpu.memory_space<vmem>>, vector<16xf32>,
    tpu.vector_store %arg14[%swap3A_938, %swap3A_939], %gather3A_936 {strides = array<i32>} : memref<13x128xf32, #tpu.memory_space<vmem>>, vector<16xf32>,
    %get3A_941 = arith.constant 5 : i32
    %get3A_942 = arith.index_cast %get3A_941 : i32 to index
    %get3A_943 = arith.constant 32 : index
    %get3A_944 = tpu.vector_load %arg13[%get3A_942, %get3A_943] {strides = array<i32>} : memref<13x128xi32, #tpu.memory_space<vmem>>, vector<16xi32>,
    %gather3A_945 = tpu.vector_load_idx %arg11[%get3A_944] : memref<48xf32, #tpu.memory_space<vmem>>[vector<16xi32>], vector<16xf32>,
    %swap3A_946 = arith.constant 5 : i32
    %swap3A_947 = arith.index_cast %swap3A_946 : i32 to index
    %swap3A_948 = arith.constant 32 : index
    %swap3A_949 = tpu.vector_load %arg14[%swap3A_947, %swap3A_948] {strides = array<i32>} : memref<13x128xf32, #tpu.memory_space<vmem>>, vector<16xf32>,
    tpu.vector_store %arg14[%swap3A_947, %swap3A_948], %gather3A_945 {strides = array<i32>} : memref<13x128xf32, #tpu.memory_space<vmem>>, vector<16xf32>,
    %get3A_950 = arith.constant 5 : i32
    %get3A_951 = arith.index_cast %get3A_950 : i32 to index
    %get3A_952 = arith.constant 48 : index
    %get3A_953 = tpu.vector_load %arg13[%get3A_951, %get3A_952] {strides = array<i32>} : memref<13x128xi32, #tpu.memory_space<vmem>>, vector<16xi32>,
    %gather3A_954 = tpu.vector_load_idx %arg11[%get3A_953] : memref<48xf32, #tpu.memory_space<vmem>>[vector<16xi32>], vector<16xf32>,
    %swap3A_955 = arith.constant 5 : i32
    %swap3A_956 = arith.index_cast %swap3A_955 : i32 to index
    %swap3A_957 = arith.constant 48 : index
    %swap3A_958 = tpu.vector_load %arg14[%swap3A_956, %swap3A_957] {strides = array<i32>} : memref<13x128xf32, #tpu.memory_space<vmem>>, vector<16xf32>,
    tpu.vector_store %arg14[%swap3A_956, %swap3A_957], %gather3A_954 {strides = array<i32>} : memref<13x128xf32, #tpu.memory_space<vmem>>, vector<16xf32>,
    %get3A_959 = arith.constant 5 : i32
    %get3A_960 = arith.index_cast %get3A_959 : i32 to index
    %get3A_961 = arith.constant 64 : index
    %get3A_962 = tpu.vector_load %arg13[%get3A_960, %get3A_961] {strides = array<i32>} : memref<13x128xi32, #tpu.memory_space<vmem>>, vector<16xi32>,
    %gather3A_963 = tpu.vector_load_idx %arg11[%get3A_962] : memref<48xf32, #tpu.memory_space<vmem>>[vector<16xi32>], vector<16xf32>,
    %swap3A_964 = arith.constant 5 : i32
    %swap3A_965 = arith.index_cast %swap3A_964 : i32 to index
    %swap3A_966 = arith.constant 64 : index
    %swap3A_967 = tpu.vector_load %arg14[%swap3A_965, %swap3A_966] {strides = array<i32>} : memref<13x128xf32, #tpu.memory_space<vmem>>, vector<16xf32>,
    tpu.vector_store %arg14[%swap3A_965, %swap3A_966], %gather3A_963 {strides = array<i32>} : memref<13x128xf32, #tpu.memory_space<vmem>>, vector<16xf32>,
    %get3A_968 = arith.constant 5 : i32
    %get3A_969 = arith.index_cast %get3A_968 : i32 to index
    %get3A_970 = arith.constant 80 : index
    %get3A_971 = tpu.vector_load %arg13[%get3A_969, %get3A_970] {strides = array<i32>} : memref<13x128xi32, #tpu.memory_space<vmem>>, vector<16xi32>,
    %gather3A_972 = tpu.vector_load_idx %arg11[%get3A_971] : memref<48xf32, #tpu.memory_space<vmem>>[vector<16xi32>], vector<16xf32>,
    %swap3A_973 = arith.constant 5 : i32
    %swap3A_974 = arith.index_cast %swap3A_973 : i32 to index
    %swap3A_975 = arith.constant 80 : index
    %swap3A_976 = tpu.vector_load %arg14[%swap3A_974, %swap3A_975] {strides = array<i32>} : memref<13x128xf32, #tpu.memory_space<vmem>>, vector<16xf32>,
    tpu.vector_store %arg14[%swap3A_974, %swap3A_975], %gather3A_972 {strides = array<i32>} : memref<13x128xf32, #tpu.memory_space<vmem>>, vector<16xf32>,
    %get3A_977 = arith.constant 5 : i32
    %get3A_978 = arith.index_cast %get3A_977 : i32 to index
    %get3A_979 = arith.constant 96 : index
    %get3A_980 = tpu.vector_load %arg13[%get3A_978, %get3A_979] {strides = array<i32>} : memref<13x128xi32, #tpu.memory_space<vmem>>, vector<16xi32>,
    %gather3A_981 = tpu.vector_load_idx %arg11[%get3A_980] : memref<48xf32, #tpu.memory_space<vmem>>[vector<16xi32>], vector<16xf32>,
    %swap3A_982 = arith.constant 5 : i32
    %swap3A_983 = arith.index_cast %swap3A_982 : i32 to index
    %swap3A_984 = arith.constant 96 : index
    %swap3A_985 = tpu.vector_load %arg14[%swap3A_983, %swap3A_984] {strides = array<i32>} : memref<13x128xf32, #tpu.memory_space<vmem>>, vector<16xf32>,
    tpu.vector_store %arg14[%swap3A_983, %swap3A_984], %gather3A_981 {strides = array<i32>} : memref<13x128xf32, #tpu.memory_space<vmem>>, vector<16xf32>,
    %get3A_986 = arith.constant 5 : i32
    %get3A_987 = arith.index_cast %get3A_986 : i32 to index
    %get3A_988 = arith.constant 112 : index
    %get3A_989 = tpu.vector_load %arg13[%get3A_987, %get3A_988] {strides = array<i32>} : memref<13x128xi32, #tpu.memory_space<vmem>>, vector<16xi32>,
    %gather3A_990 = tpu.vector_load_idx %arg11[%get3A_989] : memref<48xf32, #tpu.memory_space<vmem>>[vector<16xi32>], vector<16xf32>,
    %swap3A_991 = arith.constant 5 : i32
    %swap3A_992 = arith.index_cast %swap3A_991 : i32 to index
    %swap3A_993 = arith.constant 112 : index
    %swap3A_994 = tpu.vector_load %arg14[%swap3A_992, %swap3A_993] {strides = array<i32>} : memref<13x128xf32, #tpu.memory_space<vmem>>, vector<16xf32>,
    tpu.vector_store %arg14[%swap3A_992, %swap3A_993], %gather3A_990 {strides = array<i32>} : memref<13x128xf32, #tpu.memory_space<vmem>>, vector<16xf32>,
    %get3A_995 = arith.constant 6 : i32
    %get3A_996 = arith.index_cast %get3A_995 : i32 to index
    %get3A_997 = arith.constant 0 : index
    %get3A_998 = tpu.vector_load %arg13[%get3A_996, %get3A_997] {strides = array<i32>} : memref<13x128xi32, #tpu.memory_space<vmem>>, vector<16xi32>,
    %gather3A_999 = tpu.vector_load_idx %arg11[%get3A_998] : memref<48xf32, #tpu.memory_space<vmem>>[vector<16xi32>], vector<16xf32>,
    %swap3A_1000 = arith.constant 6 : i32
    %swap3A_1001 = arith.index_cast %swap3A_1000 : i32 to index
    %swap3A_1002 = arith.constant 0 : index
    %swap3A_1003 = tpu.vector_load %arg14[%swap3A_1001, %swap3A_1002] {strides = array<i32>} : memref<13x128xf32, #tpu.memory_space<vmem>>, vector<16xf32>,
    tpu.vector_store %arg14[%swap3A_1001, %swap3A_1002], %gather3A_999 {strides = array<i32>} : memref<13x128xf32, #tpu.memory_space<vmem>>, vector<16xf32>,
    %get3A_1004 = arith.constant 6 : i32
    %get3A_1005 = arith.index_cast %get3A_1004 : i32 to index
    %get3A_1006 = arith.constant 16 : index
    %get3A_1007 = tpu.vector_load %arg13[%get3A_1005, %get3A_1006] {strides = array<i32>} : memref<13x128xi32, #tpu.memory_space<vmem>>, vector<16xi32>,
    %gather3A_1008 = tpu.vector_load_idx %arg11[%get3A_1007] : memref<48xf32, #tpu.memory_space<vmem>>[vector<16xi32>], vector<16xf32>,
    %swap3A_1009 = arith.constant 6 : i32
    %swap3A_1010 = arith.index_cast %swap3A_1009 : i32 to index
    %swap3A_1011 = arith.constant 16 : index
    %swap3A_1012 = tpu.vector_load %arg14[%swap3A_1010, %swap3A_1011] {strides = array<i32>} : memref<13x128xf32, #tpu.memory_space<vmem>>, vector<16xf32>,
    tpu.vector_store %arg14[%swap3A_1010, %swap3A_1011], %gather3A_1008 {strides = array<i32>} : memref<13x128xf32, #tpu.memory_space<vmem>>, vector<16xf32>,
    %get3A_1013 = arith.constant 6 : i32
    %get3A_1014 = arith.index_cast %get3A_1013 : i32 to index
    %get3A_1015 = arith.constant 32 : index
    %get3A_1016 = tpu.vector_load %arg13[%get3A_1014, %get3A_1015] {strides = array<i32>} : memref<13x128xi32, #tpu.memory_space<vmem>>, vector<16xi32>,
    %gather3A_1017 = tpu.vector_load_idx %arg11[%get3A_1016] : memref<48xf32, #tpu.memory_space<vmem>>[vector<16xi32>], vector<16xf32>,
    %swap3A_1018 = arith.constant 6 : i32
    %swap3A_1019 = arith.index_cast %swap3A_1018 : i32 to index
    %swap3A_1020 = arith.constant 32 : index
    %swap3A_1021 = tpu.vector_load %arg14[%swap3A_1019, %swap3A_1020] {strides = array<i32>} : memref<13x128xf32, #tpu.memory_space<vmem>>, vector<16xf32>,
    tpu.vector_store %arg14[%swap3A_1019, %swap3A_1020], %gather3A_1017 {strides = array<i32>} : memref<13x128xf32, #tpu.memory_space<vmem>>, vector<16xf32>,
    %get3A_1022 = arith.constant 6 : i32
    %get3A_1023 = arith.index_cast %get3A_1022 : i32 to index
    %get3A_1024 = arith.constant 48 : index
    %get3A_1025 = tpu.vector_load %arg13[%get3A_1023, %get3A_1024] {strides = array<i32>} : memref<13x128xi32, #tpu.memory_space<vmem>>, vector<16xi32>,
    %gather3A_1026 = tpu.vector_load_idx %arg11[%get3A_1025] : memref<48xf32, #tpu.memory_space<vmem>>[vector<16xi32>], vector<16xf32>,
    %swap3A_1027 = arith.constant 6 : i32
    %swap3A_1028 = arith.index_cast %swap3A_1027 : i32 to index
    %swap3A_1029 = arith.constant 48 : index
    %swap3A_1030 = tpu.vector_load %arg14[%swap3A_1028, %swap3A_1029] {strides = array<i32>} : memref<13x128xf32, #tpu.memory_space<vmem>>, vector<16xf32>,
    tpu.vector_store %arg14[%swap3A_1028, %swap3A_1029], %gather3A_1026 {strides = array<i32>} : memref<13x128xf32, #tpu.memory_space<vmem>>, vector<16xf32>,
    %get3A_1031 = arith.constant 6 : i32
    %get3A_1032 = arith.index_cast %get3A_1031 : i32 to index
    %get3A_1033 = arith.constant 64 : index
    %get3A_1034 = tpu.vector_load %arg13[%get3A_1032, %get3A_1033] {strides = array<i32>} : memref<13x128xi32, #tpu.memory_space<vmem>>, vector<16xi32>,
    %gather3A_1035 = tpu.vector_load_idx %arg11[%get3A_1034] : memref<48xf32, #tpu.memory_space<vmem>>[vector<16xi32>], vector<16xf32>,
    %swap3A_1036 = arith.constant 6 : i32
    %swap3A_1037 = arith.index_cast %swap3A_1036 : i32 to index
    %swap3A_1038 = arith.constant 64 : index
    %swap3A_1039 = tpu.vector_load %arg14[%swap3A_1037, %swap3A_1038] {strides = array<i32>} : memref<13x128xf32, #tpu.memory_space<vmem>>, vector<16xf32>,
    tpu.vector_store %arg14[%swap3A_1037, %swap3A_1038], %gather3A_1035 {strides = array<i32>} : memref<13x128xf32, #tpu.memory_space<vmem>>, vector<16xf32>,
    %get3A_1040 = arith.constant 6 : i32
    %get3A_1041 = arith.index_cast %get3A_1040 : i32 to index
    %get3A_1042 = arith.constant 80 : index
    %get3A_1043 = tpu.vector_load %arg13[%get3A_1041, %get3A_1042] {strides = array<i32>} : memref<13x128xi32, #tpu.memory_space<vmem>>, vector<16xi32>,
    %gather3A_1044 = tpu.vector_load_idx %arg11[%get3A_1043] : memref<48xf32, #tpu.memory_space<vmem>>[vector<16xi32>], vector<16xf32>,
    %swap3A_1045 = arith.constant 6 : i32
    %swap3A_1046 = arith.index_cast %swap3A_1045 : i32 to index
    %swap3A_1047 = arith.constant 80 : index
    %swap3A_1048 = tpu.vector_load %arg14[%swap3A_1046, %swap3A_1047] {strides = array<i32>} : memref<13x128xf32, #tpu.memory_space<vmem>>, vector<16xf32>,
    tpu.vector_store %arg14[%swap3A_1046, %swap3A_1047], %gather3A_1044 {strides = array<i32>} : memref<13x128xf32, #tpu.memory_space<vmem>>, vector<16xf32>,
    %get3A_1049 = arith.constant 6 : i32
    %get3A_1050 = arith.index_cast %get3A_1049 : i32 to index
    %get3A_1051 = arith.constant 96 : index
    %get3A_1052 = tpu.vector_load %arg13[%get3A_1050, %get3A_1051] {strides = array<i32>} : memref<13x128xi32, #tpu.memory_space<vmem>>, vector<16xi32>,
    %gather3A_1053 = tpu.vector_load_idx %arg11[%get3A_1052] : memref<48xf32, #tpu.memory_space<vmem>>[vector<16xi32>], vector<16xf32>,
    %swap3A_1054 = arith.constant 6 : i32
    %swap3A_1055 = arith.index_cast %swap3A_1054 : i32 to index
    %swap3A_1056 = arith.constant 96 : index
    %swap3A_1057 = tpu.vector_load %arg14[%swap3A_1055, %swap3A_1056] {strides = array<i32>} : memref<13x128xf32, #tpu.memory_space<vmem>>, vector<16xf32>,
    tpu.vector_store %arg14[%swap3A_1055, %swap3A_1056], %gather3A_1053 {strides = array<i32>} : memref<13x128xf32, #tpu.memory_space<vmem>>, vector<16xf32>,
    %get3A_1058 = arith.constant 6 : i32
    %get3A_1059 = arith.index_cast %get3A_1058 : i32 to index
    %get3A_1060 = arith.constant 112 : index
    %get3A_1061 = tpu.vector_load %arg13[%get3A_1059, %get3A_1060] {strides = array<i32>} : memref<13x128xi32, #tpu.memory_space<vmem>>, vector<16xi32>,
    %gather3A_1062 = tpu.vector_load_idx %arg11[%get3A_1061] : memref<48xf32, #tpu.memory_space<vmem>>[vector<16xi32>], vector<16xf32>,
    %swap3A_1063 = arith.constant 6 : i32
    %swap3A_1064 = arith.index_cast %swap3A_1063 : i32 to index
    %swap3A_1065 = arith.constant 112 : index
    %swap3A_1066 = tpu.vector_load %arg14[%swap3A_1064, %swap3A_1065] {strides = array<i32>} : memref<13x128xf32, #tpu.memory_space<vmem>>, vector<16xf32>,
    tpu.vector_store %arg14[%swap3A_1064, %swap3A_1065], %gather3A_1062 {strides = array<i32>} : memref<13x128xf32, #tpu.memory_space<vmem>>, vector<16xf32>,
    %get3A_1067 = arith.constant 7 : i32
    %get3A_1068 = arith.index_cast %get3A_1067 : i32 to index
    %get3A_1069 = arith.constant 0 : index
    %get3A_1070 = tpu.vector_load %arg13[%get3A_1068, %get3A_1069] {strides = array<i32>} : memref<13x128xi32, #tpu.memory_space<vmem>>, vector<16xi32>,
    %gather3A_1071 = tpu.vector_load_idx %arg11[%get3A_1070] : memref<48xf32, #tpu.memory_space<vmem>>[vector<16xi32>], vector<16xf32>,
    %swap3A_1072 = arith.constant 7 : i32
    %swap3A_1073 = arith.index_cast %swap3A_1072 : i32 to index
    %swap3A_1074 = arith.constant 0 : index
    %swap3A_1075 = tpu.vector_load %arg14[%swap3A_1073, %swap3A_1074] {strides = array<i32>} : memref<13x128xf32, #tpu.memory_space<vmem>>, vector<16xf32>,
    tpu.vector_store %arg14[%swap3A_1073, %swap3A_1074], %gather3A_1071 {strides = array<i32>} : memref<13x128xf32, #tpu.memory_space<vmem>>, vector<16xf32>,
    %get3A_1076 = arith.constant 7 : i32
    %get3A_1077 = arith.index_cast %get3A_1076 : i32 to index
    %get3A_1078 = arith.constant 16 : index
    %get3A_1079 = tpu.vector_load %arg13[%get3A_1077, %get3A_1078] {strides = array<i32>} : memref<13x128xi32, #tpu.memory_space<vmem>>, vector<16xi32>,
    %gather3A_1080 = tpu.vector_load_idx %arg11[%get3A_1079] : memref<48xf32, #tpu.memory_space<vmem>>[vector<16xi32>], vector<16xf32>,
    %swap3A_1081 = arith.constant 7 : i32
    %swap3A_1082 = arith.index_cast %swap3A_1081 : i32 to index
    %swap3A_1083 = arith.constant 16 : index
    %swap3A_1084 = tpu.vector_load %arg14[%swap3A_1082, %swap3A_1083] {strides = array<i32>} : memref<13x128xf32, #tpu.memory_space<vmem>>, vector<16xf32>,
    tpu.vector_store %arg14[%swap3A_1082, %swap3A_1083], %gather3A_1080 {strides = array<i32>} : memref<13x128xf32, #tpu.memory_space<vmem>>, vector<16xf32>,
    %get3A_1085 = arith.constant 7 : i32
    %get3A_1086 = arith.index_cast %get3A_1085 : i32 to index
    %get3A_1087 = arith.constant 32 : index
    %get3A_1088 = tpu.vector_load %arg13[%get3A_1086, %get3A_1087] {strides = array<i32>} : memref<13x128xi32, #tpu.memory_space<vmem>>, vector<16xi32>,
    %gather3A_1089 = tpu.vector_load_idx %arg11[%get3A_1088] : memref<48xf32, #tpu.memory_space<vmem>>[vector<16xi32>], vector<16xf32>,
    %swap3A_1090 = arith.constant 7 : i32
    %swap3A_1091 = arith.index_cast %swap3A_1090 : i32 to index
    %swap3A_1092 = arith.constant 32 : index
    %swap3A_1093 = tpu.vector_load %arg14[%swap3A_1091, %swap3A_1092] {strides = array<i32>} : memref<13x128xf32, #tpu.memory_space<vmem>>, vector<16xf32>,
    tpu.vector_store %arg14[%swap3A_1091, %swap3A_1092], %gather3A_1089 {strides = array<i32>} : memref<13x128xf32, #tpu.memory_space<vmem>>, vector<16xf32>,
    %get3A_1094 = arith.constant 7 : i32
    %get3A_1095 = arith.index_cast %get3A_1094 : i32 to index
    %get3A_1096 = arith.constant 48 : index
    %get3A_1097 = tpu.vector_load %arg13[%get3A_1095, %get3A_1096] {strides = array<i32>} : memref<13x128xi32, #tpu.memory_space<vmem>>, vector<16xi32>,
    %gather3A_1098 = tpu.vector_load_idx %arg11[%get3A_1097] : memref<48xf32, #tpu.memory_space<vmem>>[vector<16xi32>], vector<16xf32>,
    %swap3A_1099 = arith.constant 7 : i32
    %swap3A_1100 = arith.index_cast %swap3A_1099 : i32 to index
    %swap3A_1101 = arith.constant 48 : index
    %swap3A_1102 = tpu.vector_load %arg14[%swap3A_1100, %swap3A_1101] {strides = array<i32>} : memref<13x128xf32, #tpu.memory_space<vmem>>, vector<16xf32>,
    tpu.vector_store %arg14[%swap3A_1100, %swap3A_1101], %gather3A_1098 {strides = array<i32>} : memref<13x128xf32, #tpu.memory_space<vmem>>, vector<16xf32>,
    %get3A_1103 = arith.constant 7 : i32
    %get3A_1104 = arith.index_cast %get3A_1103 : i32 to index
    %get3A_1105 = arith.constant 64 : index
    %get3A_1106 = tpu.vector_load %arg13[%get3A_1104, %get3A_1105] {strides = array<i32>} : memref<13x128xi32, #tpu.memory_space<vmem>>, vector<16xi32>,
    %gather3A_1107 = tpu.vector_load_idx %arg11[%get3A_1106] : memref<48xf32, #tpu.memory_space<vmem>>[vector<16xi32>], vector<16xf32>,
    %swap3A_1108 = arith.constant 7 : i32
    %swap3A_1109 = arith.index_cast %swap3A_1108 : i32 to index
    %swap3A_1110 = arith.constant 64 : index
    %swap3A_1111 = tpu.vector_load %arg14[%swap3A_1109, %swap3A_1110] {strides = array<i32>} : memref<13x128xf32, #tpu.memory_space<vmem>>, vector<16xf32>,
    tpu.vector_store %arg14[%swap3A_1109, %swap3A_1110], %gather3A_1107 {strides = array<i32>} : memref<13x128xf32, #tpu.memory_space<vmem>>, vector<16xf32>,
    %get3A_1112 = arith.constant 7 : i32
    %get3A_1113 = arith.index_cast %get3A_1112 : i32 to index
    %get3A_1114 = arith.constant 80 : index
    %get3A_1115 = tpu.vector_load %arg13[%get3A_1113, %get3A_1114] {strides = array<i32>} : memref<13x128xi32, #tpu.memory_space<vmem>>, vector<16xi32>,
    %gather3A_1116 = tpu.vector_load_idx %arg11[%get3A_1115] : memref<48xf32, #tpu.memory_space<vmem>>[vector<16xi32>], vector<16xf32>,
    %swap3A_1117 = arith.constant 7 : i32
    %swap3A_1118 = arith.index_cast %swap3A_1117 : i32 to index
    %swap3A_1119 = arith.constant 80 : index
    %swap3A_1120 = tpu.vector_load %arg14[%swap3A_1118, %swap3A_1119] {strides = array<i32>} : memref<13x128xf32, #tpu.memory_space<vmem>>, vector<16xf32>,
    tpu.vector_store %arg14[%swap3A_1118, %swap3A_1119], %gather3A_1116 {strides = array<i32>} : memref<13x128xf32, #tpu.memory_space<vmem>>, vector<16xf32>,
    %get3A_1121 = arith.constant 7 : i32
    %get3A_1122 = arith.index_cast %get3A_1121 : i32 to index
    %get3A_1123 = arith.constant 96 : index
    %get3A_1124 = tpu.vector_load %arg13[%get3A_1122, %get3A_1123] {strides = array<i32>} : memref<13x128xi32, #tpu.memory_space<vmem>>, vector<16xi32>,
    %gather3A_1125 = tpu.vector_load_idx %arg11[%get3A_1124] : memref<48xf32, #tpu.memory_space<vmem>>[vector<16xi32>], vector<16xf32>,
    %swap3A_1126 = arith.constant 7 : i32
    %swap3A_1127 = arith.index_cast %swap3A_1126 : i32 to index
    %swap3A_1128 = arith.constant 96 : index
    %swap3A_1129 = tpu.vector_load %arg14[%swap3A_1127, %swap3A_1128] {strides = array<i32>} : memref<13x128xf32, #tpu.memory_space<vmem>>, vector<16xf32>,
    tpu.vector_store %arg14[%swap3A_1127, %swap3A_1128], %gather3A_1125 {strides = array<i32>} : memref<13x128xf32, #tpu.memory_space<vmem>>, vector<16xf32>,
    %get3A_1130 = arith.constant 7 : i32
    %get3A_1131 = arith.index_cast %get3A_1130 : i32 to index
    %get3A_1132 = arith.constant 112 : index
    %get3A_1133 = tpu.vector_load %arg13[%get3A_1131, %get3A_1132] {strides = array<i32>} : memref<13x128xi32, #tpu.memory_space<vmem>>, vector<16xi32>,
    %gather3A_1134 = tpu.vector_load_idx %arg11[%get3A_1133] : memref<48xf32, #tpu.memory_space<vmem>>[vector<16xi32>], vector<16xf32>,
    %swap3A_1135 = arith.constant 7 : i32
    %swap3A_1136 = arith.index_cast %swap3A_1135 : i32 to index
    %swap3A_1137 = arith.constant 112 : index
    %swap3A_1138 = tpu.vector_load %arg14[%swap3A_1136, %swap3A_1137] {strides = array<i32>} : memref<13x128xf32, #tpu.memory_space<vmem>>, vector<16xf32>,
    tpu.vector_store %arg14[%swap3A_1136, %swap3A_1137], %gather3A_1134 {strides = array<i32>} : memref<13x128xf32, #tpu.memory_space<vmem>>, vector<16xf32>,
    %get3A_1139 = arith.constant 8 : i32
    %get3A_1140 = arith.index_cast %get3A_1139 : i32 to index
    %get3A_1141 = arith.constant 0 : index
    %get3A_1142 = tpu.vector_load %arg13[%get3A_1140, %get3A_1141] {strides = array<i32>} : memref<13x128xi32, #tpu.memory_space<vmem>>, vector<16xi32>,
    %gather3A_1143 = tpu.vector_load_idx %arg11[%get3A_1142] : memref<48xf32, #tpu.memory_space<vmem>>[vector<16xi32>], vector<16xf32>,
    %swap3A_1144 = arith.constant 8 : i32
    %swap3A_1145 = arith.index_cast %swap3A_1144 : i32 to index
    %swap3A_1146 = arith.constant 0 : index
    %swap3A_1147 = tpu.vector_load %arg14[%swap3A_1145, %swap3A_1146] {strides = array<i32>} : memref<13x128xf32, #tpu.memory_space<vmem>>, vector<16xf32>,
    tpu.vector_store %arg14[%swap3A_1145, %swap3A_1146], %gather3A_1143 {strides = array<i32>} : memref<13x128xf32, #tpu.memory_space<vmem>>, vector<16xf32>,
    %get3A_1148 = arith.constant 8 : i32
    %get3A_1149 = arith.index_cast %get3A_1148 : i32 to index
    %get3A_1150 = arith.constant 16 : index
    %get3A_1151 = tpu.vector_load %arg13[%get3A_1149, %get3A_1150] {strides = array<i32>} : memref<13x128xi32, #tpu.memory_space<vmem>>, vector<16xi32>,
    %gather3A_1152 = tpu.vector_load_idx %arg11[%get3A_1151] : memref<48xf32, #tpu.memory_space<vmem>>[vector<16xi32>], vector<16xf32>,
    %swap3A_1153 = arith.constant 8 : i32
    %swap3A_1154 = arith.index_cast %swap3A_1153 : i32 to index
    %swap3A_1155 = arith.constant 16 : index
    %swap3A_1156 = tpu.vector_load %arg14[%swap3A_1154, %swap3A_1155] {strides = array<i32>} : memref<13x128xf32, #tpu.memory_space<vmem>>, vector<16xf32>,
    tpu.vector_store %arg14[%swap3A_1154, %swap3A_1155], %gather3A_1152 {strides = array<i32>} : memref<13x128xf32, #tpu.memory_space<vmem>>, vector<16xf32>,
    %get3A_1157 = arith.constant 8 : i32
    %get3A_1158 = arith.index_cast %get3A_1157 : i32 to index
    %get3A_1159 = arith.constant 32 : index
    %get3A_1160 = tpu.vector_load %arg13[%get3A_1158, %get3A_1159] {strides = array<i32>} : memref<13x128xi32, #tpu.memory_space<vmem>>, vector<16xi32>,
    %gather3A_1161 = tpu.vector_load_idx %arg11[%get3A_1160] : memref<48xf32, #tpu.memory_space<vmem>>[vector<16xi32>], vector<16xf32>,
    %swap3A_1162 = arith.constant 8 : i32
    %swap3A_1163 = arith.index_cast %swap3A_1162 : i32 to index
    %swap3A_1164 = arith.constant 32 : index
    %swap3A_1165 = tpu.vector_load %arg14[%swap3A_1163, %swap3A_1164] {strides = array<i32>} : memref<13x128xf32, #tpu.memory_space<vmem>>, vector<16xf32>,
    tpu.vector_store %arg14[%swap3A_1163, %swap3A_1164], %gather3A_1161 {strides = array<i32>} : memref<13x128xf32, #tpu.memory_space<vmem>>, vector<16xf32>,
    %get3A_1166 = arith.constant 8 : i32
    %get3A_1167 = arith.index_cast %get3A_1166 : i32 to index
    %get3A_1168 = arith.constant 48 : index
    %get3A_1169 = tpu.vector_load %arg13[%get3A_1167, %get3A_1168] {strides = array<i32>} : memref<13x128xi32, #tpu.memory_space<vmem>>, vector<16xi32>,
    %gather3A_1170 = tpu.vector_load_idx %arg11[%get3A_1169] : memref<48xf32, #tpu.memory_space<vmem>>[vector<16xi32>], vector<16xf32>,
    %swap3A_1171 = arith.constant 8 : i32
    %swap3A_1172 = arith.index_cast %swap3A_1171 : i32 to index
    %swap3A_1173 = arith.constant 48 : index
    %swap3A_1174 = tpu.vector_load %arg14[%swap3A_1172, %swap3A_1173] {strides = array<i32>} : memref<13x128xf32, #tpu.memory_space<vmem>>, vector<16xf32>,
    tpu.vector_store %arg14[%swap3A_1172, %swap3A_1173], %gather3A_1170 {strides = array<i32>} : memref<13x128xf32, #tpu.memory_space<vmem>>, vector<16xf32>,
    %get3A_1175 = arith.constant 8 : i32
    %get3A_1176 = arith.index_cast %get3A_1175 : i32 to index
    %get3A_1177 = arith.constant 64 : index
    %get3A_1178 = tpu.vector_load %arg13[%get3A_1176, %get3A_1177] {strides = array<i32>} : memref<13x128xi32, #tpu.memory_space<vmem>>, vector<16xi32>,
    %gather3A_1179 = tpu.vector_load_idx %arg11[%get3A_1178] : memref<48xf32, #tpu.memory_space<vmem>>[vector<16xi32>], vector<16xf32>,
    %swap3A_1180 = arith.constant 8 : i32
    %swap3A_1181 = arith.index_cast %swap3A_1180 : i32 to index
    %swap3A_1182 = arith.constant 64 : index
    %swap3A_1183 = tpu.vector_load %arg14[%swap3A_1181, %swap3A_1182] {strides = array<i32>} : memref<13x128xf32, #tpu.memory_space<vmem>>, vector<16xf32>,
    tpu.vector_store %arg14[%swap3A_1181, %swap3A_1182], %gather3A_1179 {strides = array<i32>} : memref<13x128xf32, #tpu.memory_space<vmem>>, vector<16xf32>,
    %get3A_1184 = arith.constant 8 : i32
    %get3A_1185 = arith.index_cast %get3A_1184 : i32 to index
    %get3A_1186 = arith.constant 80 : index
    %get3A_1187 = tpu.vector_load %arg13[%get3A_1185, %get3A_1186] {strides = array<i32>} : memref<13x128xi32, #tpu.memory_space<vmem>>, vector<16xi32>,
    %gather3A_1188 = tpu.vector_load_idx %arg11[%get3A_1187] : memref<48xf32, #tpu.memory_space<vmem>>[vector<16xi32>], vector<16xf32>,
    %swap3A_1189 = arith.constant 8 : i32
    %swap3A_1190 = arith.index_cast %swap3A_1189 : i32 to index
    %swap3A_1191 = arith.constant 80 : index
    %swap3A_1192 = tpu.vector_load %arg14[%swap3A_1190, %swap3A_1191] {strides = array<i32>} : memref<13x128xf32, #tpu.memory_space<vmem>>, vector<16xf32>,
    tpu.vector_store %arg14[%swap3A_1190, %swap3A_1191], %gather3A_1188 {strides = array<i32>} : memref<13x128xf32, #tpu.memory_space<vmem>>, vector<16xf32>,
    %get3A_1193 = arith.constant 8 : i32
    %get3A_1194 = arith.index_cast %get3A_1193 : i32 to index
    %get3A_1195 = arith.constant 96 : index
    %get3A_1196 = tpu.vector_load %arg13[%get3A_1194, %get3A_1195] {strides = array<i32>} : memref<13x128xi32, #tpu.memory_space<vmem>>, vector<16xi32>,
    %gather3A_1197 = tpu.vector_load_idx %arg11[%get3A_1196] : memref<48xf32, #tpu.memory_space<vmem>>[vector<16xi32>], vector<16xf32>,
    %swap3A_1198 = arith.constant 8 : i32
    %swap3A_1199 = arith.index_cast %swap3A_1198 : i32 to index
    %swap3A_1200 = arith.constant 96 : index
    %swap3A_1201 = tpu.vector_load %arg14[%swap3A_1199, %swap3A_1200] {strides = array<i32>} : memref<13x128xf32, #tpu.memory_space<vmem>>, vector<16xf32>,
    tpu.vector_store %arg14[%swap3A_1199, %swap3A_1200], %gather3A_1197 {strides = array<i32>} : memref<13x128xf32, #tpu.memory_space<vmem>>, vector<16xf32>,
    %get3A_1202 = arith.constant 8 : i32
    %get3A_1203 = arith.index_cast %get3A_1202 : i32 to index
    %get3A_1204 = arith.constant 112 : index
    %get3A_1205 = tpu.vector_load %arg13[%get3A_1203, %get3A_1204] {strides = array<i32>} : memref<13x128xi32, #tpu.memory_space<vmem>>, vector<16xi32>,
    %gather3A_1206 = tpu.vector_load_idx %arg11[%get3A_1205] : memref<48xf32, #tpu.memory_space<vmem>>[vector<16xi32>], vector<16xf32>,
    %swap3A_1207 = arith.constant 8 : i32
    %swap3A_1208 = arith.index_cast %swap3A_1207 : i32 to index
    %swap3A_1209 = arith.constant 112 : index
    %swap3A_1210 = tpu.vector_load %arg14[%swap3A_1208, %swap3A_1209] {strides = array<i32>} : memref<13x128xf32, #tpu.memory_space<vmem>>, vector<16xf32>,
    tpu.vector_store %arg14[%swap3A_1208, %swap3A_1209], %gather3A_1206 {strides = array<i32>} : memref<13x128xf32, #tpu.memory_space<vmem>>, vector<16xf32>,
    %get3A_1211 = arith.constant 9 : i32
    %get3A_1212 = arith.index_cast %get3A_1211 : i32 to index
    %get3A_1213 = arith.constant 0 : index
    %get3A_1214 = tpu.vector_load %arg13[%get3A_1212, %get3A_1213] {strides = array<i32>} : memref<13x128xi32, #tpu.memory_space<vmem>>, vector<16xi32>,
    %gather3A_1215 = tpu.vector_load_idx %arg11[%get3A_1214] : memref<48xf32, #tpu.memory_space<vmem>>[vector<16xi32>], vector<16xf32>,
    %swap3A_1216 = arith.constant 9 : i32
    %swap3A_1217 = arith.index_cast %swap3A_1216 : i32 to index
    %swap3A_1218 = arith.constant 0 : index
    %swap3A_1219 = tpu.vector_load %arg14[%swap3A_1217, %swap3A_1218] {strides = array<i32>} : memref<13x128xf32, #tpu.memory_space<vmem>>, vector<16xf32>,
    tpu.vector_store %arg14[%swap3A_1217, %swap3A_1218], %gather3A_1215 {strides = array<i32>} : memref<13x128xf32, #tpu.memory_space<vmem>>, vector<16xf32>,
    %get3A_1220 = arith.constant 9 : i32
    %get3A_1221 = arith.index_cast %get3A_1220 : i32 to index
    %get3A_1222 = arith.constant 16 : index
    %get3A_1223 = tpu.vector_load %arg13[%get3A_1221, %get3A_1222] {strides = array<i32>} : memref<13x128xi32, #tpu.memory_space<vmem>>, vector<16xi32>,
    %gather3A_1224 = tpu.vector_load_idx %arg11[%get3A_1223] : memref<48xf32, #tpu.memory_space<vmem>>[vector<16xi32>], vector<16xf32>,
    %swap3A_1225 = arith.constant 9 : i32
    %swap3A_1226 = arith.index_cast %swap3A_1225 : i32 to index
    %swap3A_1227 = arith.constant 16 : index
    %swap3A_1228 = tpu.vector_load %arg14[%swap3A_1226, %swap3A_1227] {strides = array<i32>} : memref<13x128xf32, #tpu.memory_space<vmem>>, vector<16xf32>,
    tpu.vector_store %arg14[%swap3A_1226, %swap3A_1227], %gather3A_1224 {strides = array<i32>} : memref<13x128xf32, #tpu.memory_space<vmem>>, vector<16xf32>,
    %get3A_1229 = arith.constant 9 : i32
    %get3A_1230 = arith.index_cast %get3A_1229 : i32 to index
    %get3A_1231 = arith.constant 32 : index
    %get3A_1232 = tpu.vector_load %arg13[%get3A_1230, %get3A_1231] {strides = array<i32>} : memref<13x128xi32, #tpu.memory_space<vmem>>, vector<16xi32>,
    %gather3A_1233 = tpu.vector_load_idx %arg11[%get3A_1232] : memref<48xf32, #tpu.memory_space<vmem>>[vector<16xi32>], vector<16xf32>,
    %swap3A_1234 = arith.constant 9 : i32
    %swap3A_1235 = arith.index_cast %swap3A_1234 : i32 to index
    %swap3A_1236 = arith.constant 32 : index
    %swap3A_1237 = tpu.vector_load %arg14[%swap3A_1235, %swap3A_1236] {strides = array<i32>} : memref<13x128xf32, #tpu.memory_space<vmem>>, vector<16xf32>,
    tpu.vector_store %arg14[%swap3A_1235, %swap3A_1236], %gather3A_1233 {strides = array<i32>} : memref<13x128xf32, #tpu.memory_space<vmem>>, vector<16xf32>,
    %get3A_1238 = arith.constant 9 : i32
    %get3A_1239 = arith.index_cast %get3A_1238 : i32 to index
    %get3A_1240 = arith.constant 48 : index
    %get3A_1241 = tpu.vector_load %arg13[%get3A_1239, %get3A_1240] {strides = array<i32>} : memref<13x128xi32, #tpu.memory_space<vmem>>, vector<16xi32>,
    %gather3A_1242 = tpu.vector_load_idx %arg11[%get3A_1241] : memref<48xf32, #tpu.memory_space<vmem>>[vector<16xi32>], vector<16xf32>,
    %swap3A_1243 = arith.constant 9 : i32
    %swap3A_1244 = arith.index_cast %swap3A_1243 : i32 to index
    %swap3A_1245 = arith.constant 48 : index
    %swap3A_1246 = tpu.vector_load %arg14[%swap3A_1244, %swap3A_1245] {strides = array<i32>} : memref<13x128xf32, #tpu.memory_space<vmem>>, vector<16xf32>,
    tpu.vector_store %arg14[%swap3A_1244, %swap3A_1245], %gather3A_1242 {strides = array<i32>} : memref<13x128xf32, #tpu.memory_space<vmem>>, vector<16xf32>,
    %get3A_1247 = arith.constant 9 : i32
    %get3A_1248 = arith.index_cast %get3A_1247 : i32 to index
    %get3A_1249 = arith.constant 64 : index
    %get3A_1250 = tpu.vector_load %arg13[%get3A_1248, %get3A_1249] {strides = array<i32>} : memref<13x128xi32, #tpu.memory_space<vmem>>, vector<16xi32>,
    %gather3A_1251 = tpu.vector_load_idx %arg11[%get3A_1250] : memref<48xf32, #tpu.memory_space<vmem>>[vector<16xi32>], vector<16xf32>,
    %swap3A_1252 = arith.constant 9 : i32
    %swap3A_1253 = arith.index_cast %swap3A_1252 : i32 to index
    %swap3A_1254 = arith.constant 64 : index
    %swap3A_1255 = tpu.vector_load %arg14[%swap3A_1253, %swap3A_1254] {strides = array<i32>} : memref<13x128xf32, #tpu.memory_space<vmem>>, vector<16xf32>,
    tpu.vector_store %arg14[%swap3A_1253, %swap3A_1254], %gather3A_1251 {strides = array<i32>} : memref<13x128xf32, #tpu.memory_space<vmem>>, vector<16xf32>,
    %get3A_1256 = arith.constant 9 : i32
    %get3A_1257 = arith.index_cast %get3A_1256 : i32 to index
    %get3A_1258 = arith.constant 80 : index
    %get3A_1259 = tpu.vector_load %arg13[%get3A_1257, %get3A_1258] {strides = array<i32>} : memref<13x128xi32, #tpu.memory_space<vmem>>, vector<16xi32>,
    %gather3A_1260 = tpu.vector_load_idx %arg11[%get3A_1259] : memref<48xf32, #tpu.memory_space<vmem>>[vector<16xi32>], vector<16xf32>,
    %swap3A_1261 = arith.constant 9 : i32
    %swap3A_1262 = arith.index_cast %swap3A_1261 : i32 to index
    %swap3A_1263 = arith.constant 80 : index
    %swap3A_1264 = tpu.vector_load %arg14[%swap3A_1262, %swap3A_1263] {strides = array<i32>} : memref<13x128xf32, #tpu.memory_space<vmem>>, vector<16xf32>,
    tpu.vector_store %arg14[%swap3A_1262, %swap3A_1263], %gather3A_1260 {strides = array<i32>} : memref<13x128xf32, #tpu.memory_space<vmem>>, vector<16xf32>,
    %get3A_1265 = arith.constant 9 : i32
    %get3A_1266 = arith.index_cast %get3A_1265 : i32 to index
    %get3A_1267 = arith.constant 96 : index
    %get3A_1268 = tpu.vector_load %arg13[%get3A_1266, %get3A_1267] {strides = array<i32>} : memref<13x128xi32, #tpu.memory_space<vmem>>, vector<16xi32>,
    %gather3A_1269 = tpu.vector_load_idx %arg11[%get3A_1268] : memref<48xf32, #tpu.memory_space<vmem>>[vector<16xi32>], vector<16xf32>,
    %swap3A_1270 = arith.constant 9 : i32
    %swap3A_1271 = arith.index_cast %swap3A_1270 : i32 to index
    %swap3A_1272 = arith.constant 96 : index
    %swap3A_1273 = tpu.vector_load %arg14[%swap3A_1271, %swap3A_1272] {strides = array<i32>} : memref<13x128xf32, #tpu.memory_space<vmem>>, vector<16xf32>,
    tpu.vector_store %arg14[%swap3A_1271, %swap3A_1272], %gather3A_1269 {strides = array<i32>} : memref<13x128xf32, #tpu.memory_space<vmem>>, vector<16xf32>,
    %get3A_1274 = arith.constant 9 : i32
    %get3A_1275 = arith.index_cast %get3A_1274 : i32 to index
    %get3A_1276 = arith.constant 112 : index
    %get3A_1277 = tpu.vector_load %arg13[%get3A_1275, %get3A_1276] {strides = array<i32>} : memref<13x128xi32, #tpu.memory_space<vmem>>, vector<16xi32>,
    %gather3A_1278 = tpu.vector_load_idx %arg11[%get3A_1277] : memref<48xf32, #tpu.memory_space<vmem>>[vector<16xi32>], vector<16xf32>,
    %swap3A_1279 = arith.constant 9 : i32
    %swap3A_1280 = arith.index_cast %swap3A_1279 : i32 to index
    %swap3A_1281 = arith.constant 112 : index
    %swap3A_1282 = tpu.vector_load %arg14[%swap3A_1280, %swap3A_1281] {strides = array<i32>} : memref<13x128xf32, #tpu.memory_space<vmem>>, vector<16xf32>,
    tpu.vector_store %arg14[%swap3A_1280, %swap3A_1281], %gather3A_1278 {strides = array<i32>} : memref<13x128xf32, #tpu.memory_space<vmem>>, vector<16xf32>,
    %get3A_1283 = arith.constant 10 : i32
    %get3A_1284 = arith.index_cast %get3A_1283 : i32 to index
    %get3A_1285 = arith.constant 0 : index
    %get3A_1286 = tpu.vector_load %arg13[%get3A_1284, %get3A_1285] {strides = array<i32>} : memref<13x128xi32, #tpu.memory_space<vmem>>, vector<16xi32>,
    %gather3A_1287 = tpu.vector_load_idx %arg11[%get3A_1286] : memref<48xf32, #tpu.memory_space<vmem>>[vector<16xi32>], vector<16xf32>,
    %swap3A_1288 = arith.constant 10 : i32
    %swap3A_1289 = arith.index_cast %swap3A_1288 : i32 to index
    %swap3A_1290 = arith.constant 0 : index
    %swap3A_1291 = tpu.vector_load %arg14[%swap3A_1289, %swap3A_1290] {strides = array<i32>} : memref<13x128xf32, #tpu.memory_space<vmem>>, vector<16xf32>,
    tpu.vector_store %arg14[%swap3A_1289, %swap3A_1290], %gather3A_1287 {strides = array<i32>} : memref<13x128xf32, #tpu.memory_space<vmem>>, vector<16xf32>,
    %get3A_1292 = arith.constant 10 : i32
    %get3A_1293 = arith.index_cast %get3A_1292 : i32 to index
    %get3A_1294 = arith.constant 16 : index
    %get3A_1295 = tpu.vector_load %arg13[%get3A_1293, %get3A_1294] {strides = array<i32>} : memref<13x128xi32, #tpu.memory_space<vmem>>, vector<16xi32>,
    %gather3A_1296 = tpu.vector_load_idx %arg11[%get3A_1295] : memref<48xf32, #tpu.memory_space<vmem>>[vector<16xi32>], vector<16xf32>,
    %swap3A_1297 = arith.constant 10 : i32
    %swap3A_1298 = arith.index_cast %swap3A_1297 : i32 to index
    %swap3A_1299 = arith.constant 16 : index
    %swap3A_1300 = tpu.vector_load %arg14[%swap3A_1298, %swap3A_1299] {strides = array<i32>} : memref<13x128xf32, #tpu.memory_space<vmem>>, vector<16xf32>,
    tpu.vector_store %arg14[%swap3A_1298, %swap3A_1299], %gather3A_1296 {strides = array<i32>} : memref<13x128xf32, #tpu.memory_space<vmem>>, vector<16xf32>,
    %get3A_1301 = arith.constant 10 : i32
    %get3A_1302 = arith.index_cast %get3A_1301 : i32 to index
    %get3A_1303 = arith.constant 32 : index
    %get3A_1304 = tpu.vector_load %arg13[%get3A_1302, %get3A_1303] {strides = array<i32>} : memref<13x128xi32, #tpu.memory_space<vmem>>, vector<16xi32>,
    %gather3A_1305 = tpu.vector_load_idx %arg11[%get3A_1304] : memref<48xf32, #tpu.memory_space<vmem>>[vector<16xi32>], vector<16xf32>,
    %swap3A_1306 = arith.constant 10 : i32
    %swap3A_1307 = arith.index_cast %swap3A_1306 : i32 to index
    %swap3A_1308 = arith.constant 32 : index
    %swap3A_1309 = tpu.vector_load %arg14[%swap3A_1307, %swap3A_1308] {strides = array<i32>} : memref<13x128xf32, #tpu.memory_space<vmem>>, vector<16xf32>,
    tpu.vector_store %arg14[%swap3A_1307, %swap3A_1308], %gather3A_1305 {strides = array<i32>} : memref<13x128xf32, #tpu.memory_space<vmem>>, vector<16xf32>,
    %get3A_1310 = arith.constant 10 : i32
    %get3A_1311 = arith.index_cast %get3A_1310 : i32 to index
    %get3A_1312 = arith.constant 48 : index
    %get3A_1313 = tpu.vector_load %arg13[%get3A_1311, %get3A_1312] {strides = array<i32>} : memref<13x128xi32, #tpu.memory_space<vmem>>, vector<16xi32>,
    %gather3A_1314 = tpu.vector_load_idx %arg11[%get3A_1313] : memref<48xf32, #tpu.memory_space<vmem>>[vector<16xi32>], vector<16xf32>,
    %swap3A_1315 = arith.constant 10 : i32
    %swap3A_1316 = arith.index_cast %swap3A_1315 : i32 to index
    %swap3A_1317 = arith.constant 48 : index
    %swap3A_1318 = tpu.vector_load %arg14[%swap3A_1316, %swap3A_1317] {strides = array<i32>} : memref<13x128xf32, #tpu.memory_space<vmem>>, vector<16xf32>,
    tpu.vector_store %arg14[%swap3A_1316, %swap3A_1317], %gather3A_1314 {strides = array<i32>} : memref<13x128xf32, #tpu.memory_space<vmem>>, vector<16xf32>,
    %get3A_1319 = arith.constant 10 : i32
    %get3A_1320 = arith.index_cast %get3A_1319 : i32 to index
    %get3A_1321 = arith.constant 64 : index
    %get3A_1322 = tpu.vector_load %arg13[%get3A_1320, %get3A_1321] {strides = array<i32>} : memref<13x128xi32, #tpu.memory_space<vmem>>, vector<16xi32>,
    %gather3A_1323 = tpu.vector_load_idx %arg11[%get3A_1322] : memref<48xf32, #tpu.memory_space<vmem>>[vector<16xi32>], vector<16xf32>,
    %swap3A_1324 = arith.constant 10 : i32
    %swap3A_1325 = arith.index_cast %swap3A_1324 : i32 to index
    %swap3A_1326 = arith.constant 64 : index
    %swap3A_1327 = tpu.vector_load %arg14[%swap3A_1325, %swap3A_1326] {strides = array<i32>} : memref<13x128xf32, #tpu.memory_space<vmem>>, vector<16xf32>,
    tpu.vector_store %arg14[%swap3A_1325, %swap3A_1326], %gather3A_1323 {strides = array<i32>} : memref<13x128xf32, #tpu.memory_space<vmem>>, vector<16xf32>,
    %get3A_1328 = arith.constant 10 : i32
    %get3A_1329 = arith.index_cast %get3A_1328 : i32 to index
    %get3A_1330 = arith.constant 80 : index
    %get3A_1331 = tpu.vector_load %arg13[%get3A_1329, %get3A_1330] {strides = array<i32>} : memref<13x128xi32, #tpu.memory_space<vmem>>, vector<16xi32>,
    %gather3A_1332 = tpu.vector_load_idx %arg11[%get3A_1331] : memref<48xf32, #tpu.memory_space<vmem>>[vector<16xi32>], vector<16xf32>,
    %swap3A_1333 = arith.constant 10 : i32
    %swap3A_1334 = arith.index_cast %swap3A_1333 : i32 to index
    %swap3A_1335 = arith.constant 80 : index
    %swap3A_1336 = tpu.vector_load %arg14[%swap3A_1334, %swap3A_1335] {strides = array<i32>} : memref<13x128xf32, #tpu.memory_space<vmem>>, vector<16xf32>,
    tpu.vector_store %arg14[%swap3A_1334, %swap3A_1335], %gather3A_1332 {strides = array<i32>} : memref<13x128xf32, #tpu.memory_space<vmem>>, vector<16xf32>,
    %get3A_1337 = arith.constant 10 : i32
    %get3A_1338 = arith.index_cast %get3A_1337 : i32 to index
    %get3A_1339 = arith.constant 96 : index
    %get3A_1340 = tpu.vector_load %arg13[%get3A_1338, %get3A_1339] {strides = array<i32>} : memref<13x128xi32, #tpu.memory_space<vmem>>, vector<16xi32>,
    %gather3A_1341 = tpu.vector_load_idx %arg11[%get3A_1340] : memref<48xf32, #tpu.memory_space<vmem>>[vector<16xi32>], vector<16xf32>,
    %swap3A_1342 = arith.constant 10 : i32
    %swap3A_1343 = arith.index_cast %swap3A_1342 : i32 to index
    %swap3A_1344 = arith.constant 96 : index
    %swap3A_1345 = tpu.vector_load %arg14[%swap3A_1343, %swap3A_1344] {strides = array<i32>} : memref<13x128xf32, #tpu.memory_space<vmem>>, vector<16xf32>,
    tpu.vector_store %arg14[%swap3A_1343, %swap3A_1344], %gather3A_1341 {strides = array<i32>} : memref<13x128xf32, #tpu.memory_space<vmem>>, vector<16xf32>,
    %get3A_1346 = arith.constant 10 : i32
    %get3A_1347 = arith.index_cast %get3A_1346 : i32 to index
    %get3A_1348 = arith.constant 112 : index
    %get3A_1349 = tpu.vector_load %arg13[%get3A_1347, %get3A_1348] {strides = array<i32>} : memref<13x128xi32, #tpu.memory_space<vmem>>, vector<16xi32>,
    %gather3A_1350 = tpu.vector_load_idx %arg11[%get3A_1349] : memref<48xf32, #tpu.memory_space<vmem>>[vector<16xi32>], vector<16xf32>,
    %swap3A_1351 = arith.constant 10 : i32
    %swap3A_1352 = arith.index_cast %swap3A_1351 : i32 to index
    %swap3A_1353 = arith.constant 112 : index
    %swap3A_1354 = tpu.vector_load %arg14[%swap3A_1352, %swap3A_1353] {strides = array<i32>} : memref<13x128xf32, #tpu.memory_space<vmem>>, vector<16xf32>,
    tpu.vector_store %arg14[%swap3A_1352, %swap3A_1353], %gather3A_1350 {strides = array<i32>} : memref<13x128xf32, #tpu.memory_space<vmem>>, vector<16xf32>,
    %get3A_1355 = arith.constant 11 : i32
    %get3A_1356 = arith.index_cast %get3A_1355 : i32 to index
    %get3A_1357 = arith.constant 0 : index
    %get3A_1358 = tpu.vector_load %arg13[%get3A_1356, %get3A_1357] {strides = array<i32>} : memref<13x128xi32, #tpu.memory_space<vmem>>, vector<16xi32>,
    %gather3A_1359 = tpu.vector_load_idx %arg11[%get3A_1358] : memref<48xf32, #tpu.memory_space<vmem>>[vector<16xi32>], vector<16xf32>,
    %swap3A_1360 = arith.constant 11 : i32
    %swap3A_1361 = arith.index_cast %swap3A_1360 : i32 to index
    %swap3A_1362 = arith.constant 0 : index
    %swap3A_1363 = tpu.vector_load %arg14[%swap3A_1361, %swap3A_1362] {strides = array<i32>} : memref<13x128xf32, #tpu.memory_space<vmem>>, vector<16xf32>,
    tpu.vector_store %arg14[%swap3A_1361, %swap3A_1362], %gather3A_1359 {strides = array<i32>} : memref<13x128xf32, #tpu.memory_space<vmem>>, vector<16xf32>,
    %get3A_1364 = arith.constant 11 : i32
    %get3A_1365 = arith.index_cast %get3A_1364 : i32 to index
    %get3A_1366 = arith.constant 16 : index
    %get3A_1367 = tpu.vector_load %arg13[%get3A_1365, %get3A_1366] {strides = array<i32>} : memref<13x128xi32, #tpu.memory_space<vmem>>, vector<16xi32>,
    %gather3A_1368 = tpu.vector_load_idx %arg11[%get3A_1367] : memref<48xf32, #tpu.memory_space<vmem>>[vector<16xi32>], vector<16xf32>,
    %swap3A_1369 = arith.constant 11 : i32
    %swap3A_1370 = arith.index_cast %swap3A_1369 : i32 to index
    %swap3A_1371 = arith.constant 16 : index
    %swap3A_1372 = tpu.vector_load %arg14[%swap3A_1370, %swap3A_1371] {strides = array<i32>} : memref<13x128xf32, #tpu.memory_space<vmem>>, vector<16xf32>,
    tpu.vector_store %arg14[%swap3A_1370, %swap3A_1371], %gather3A_1368 {strides = array<i32>} : memref<13x128xf32, #tpu.memory_space<vmem>>, vector<16xf32>,
    %get3A_1373 = arith.constant 11 : i32
    %get3A_1374 = arith.index_cast %get3A_1373 : i32 to index
    %get3A_1375 = arith.constant 32 : index
    %get3A_1376 = tpu.vector_load %arg13[%get3A_1374, %get3A_1375] {strides = array<i32>} : memref<13x128xi32, #tpu.memory_space<vmem>>, vector<16xi32>,
    %gather3A_1377 = tpu.vector_load_idx %arg11[%get3A_1376] : memref<48xf32, #tpu.memory_space<vmem>>[vector<16xi32>], vector<16xf32>,
    %swap3A_1378 = arith.constant 11 : i32
    %swap3A_1379 = arith.index_cast %swap3A_1378 : i32 to index
    %swap3A_1380 = arith.constant 32 : index
    %swap3A_1381 = tpu.vector_load %arg14[%swap3A_1379, %swap3A_1380] {strides = array<i32>} : memref<13x128xf32, #tpu.memory_space<vmem>>, vector<16xf32>,
    tpu.vector_store %arg14[%swap3A_1379, %swap3A_1380], %gather3A_1377 {strides = array<i32>} : memref<13x128xf32, #tpu.memory_space<vmem>>, vector<16xf32>,
    %get3A_1382 = arith.constant 11 : i32
    %get3A_1383 = arith.index_cast %get3A_1382 : i32 to index
    %get3A_1384 = arith.constant 48 : index
    %get3A_1385 = tpu.vector_load %arg13[%get3A_1383, %get3A_1384] {strides = array<i32>} : memref<13x128xi32, #tpu.memory_space<vmem>>, vector<16xi32>,
    %gather3A_1386 = tpu.vector_load_idx %arg11[%get3A_1385] : memref<48xf32, #tpu.memory_space<vmem>>[vector<16xi32>], vector<16xf32>,
    %swap3A_1387 = arith.constant 11 : i32
    %swap3A_1388 = arith.index_cast %swap3A_1387 : i32 to index
    %swap3A_1389 = arith.constant 48 : index
    %swap3A_1390 = tpu.vector_load %arg14[%swap3A_1388, %swap3A_1389] {strides = array<i32>} : memref<13x128xf32, #tpu.memory_space<vmem>>, vector<16xf32>,
    tpu.vector_store %arg14[%swap3A_1388, %swap3A_1389], %gather3A_1386 {strides = array<i32>} : memref<13x128xf32, #tpu.memory_space<vmem>>, vector<16xf32>,
    %get3A_1391 = arith.constant 11 : i32
    %get3A_1392 = arith.index_cast %get3A_1391 : i32 to index
    %get3A_1393 = arith.constant 64 : index
    %get3A_1394 = tpu.vector_load %arg13[%get3A_1392, %get3A_1393] {strides = array<i32>} : memref<13x128xi32, #tpu.memory_space<vmem>>, vector<16xi32>,
    %gather3A_1395 = tpu.vector_load_idx %arg11[%get3A_1394] : memref<48xf32, #tpu.memory_space<vmem>>[vector<16xi32>], vector<16xf32>,
    %swap3A_1396 = arith.constant 11 : i32
    %swap3A_1397 = arith.index_cast %swap3A_1396 : i32 to index
    %swap3A_1398 = arith.constant 64 : index
    %swap3A_1399 = tpu.vector_load %arg14[%swap3A_1397, %swap3A_1398] {strides = array<i32>} : memref<13x128xf32, #tpu.memory_space<vmem>>, vector<16xf32>,
    tpu.vector_store %arg14[%swap3A_1397, %swap3A_1398], %gather3A_1395 {strides = array<i32>} : memref<13x128xf32, #tpu.memory_space<vmem>>, vector<16xf32>,
    %get3A_1400 = arith.constant 11 : i32
    %get3A_1401 = arith.index_cast %get3A_1400 : i32 to index
    %get3A_1402 = arith.constant 80 : index
    %get3A_1403 = tpu.vector_load %arg13[%get3A_1401, %get3A_1402] {strides = array<i32>} : memref<13x128xi32, #tpu.memory_space<vmem>>, vector<16xi32>,
    %gather3A_1404 = tpu.vector_load_idx %arg11[%get3A_1403] : memref<48xf32, #tpu.memory_space<vmem>>[vector<16xi32>], vector<16xf32>,
    %swap3A_1405 = arith.constant 11 : i32
    %swap3A_1406 = arith.index_cast %swap3A_1405 : i32 to index
    %swap3A_1407 = arith.constant 80 : index
    %swap3A_1408 = tpu.vector_load %arg14[%swap3A_1406, %swap3A_1407] {strides = array<i32>} : memref<13x128xf32, #tpu.memory_space<vmem>>, vector<16xf32>,
    tpu.vector_store %arg14[%swap3A_1406, %swap3A_1407], %gather3A_1404 {strides = array<i32>} : memref<13x128xf32, #tpu.memory_space<vmem>>, vector<16xf32>,
    %get3A_1409 = arith.constant 11 : i32
    %get3A_1410 = arith.index_cast %get3A_1409 : i32 to index
    %get3A_1411 = arith.constant 96 : index
    %get3A_1412 = tpu.vector_load %arg13[%get3A_1410, %get3A_1411] {strides = array<i32>} : memref<13x128xi32, #tpu.memory_space<vmem>>, vector<16xi32>,
    %gather3A_1413 = tpu.vector_load_idx %arg11[%get3A_1412] : memref<48xf32, #tpu.memory_space<vmem>>[vector<16xi32>], vector<16xf32>,
    %swap3A_1414 = arith.constant 11 : i32
    %swap3A_1415 = arith.index_cast %swap3A_1414 : i32 to index
    %swap3A_1416 = arith.constant 96 : index
    %swap3A_1417 = tpu.vector_load %arg14[%swap3A_1415, %swap3A_1416] {strides = array<i32>} : memref<13x128xf32, #tpu.memory_space<vmem>>, vector<16xf32>,
    tpu.vector_store %arg14[%swap3A_1415, %swap3A_1416], %gather3A_1413 {strides = array<i32>} : memref<13x128xf32, #tpu.memory_space<vmem>>, vector<16xf32>,
    %get3A_1418 = arith.constant 11 : i32
    %get3A_1419 = arith.index_cast %get3A_1418 : i32 to index
    %get3A_1420 = arith.constant 112 : index
    %get3A_1421 = tpu.vector_load %arg13[%get3A_1419, %get3A_1420] {strides = array<i32>} : memref<13x128xi32, #tpu.memory_space<vmem>>, vector<16xi32>,
    %gather3A_1422 = tpu.vector_load_idx %arg11[%get3A_1421] : memref<48xf32, #tpu.memory_space<vmem>>[vector<16xi32>], vector<16xf32>,
    %swap3A_1423 = arith.constant 11 : i32
    %swap3A_1424 = arith.index_cast %swap3A_1423 : i32 to index
    %swap3A_1425 = arith.constant 112 : index
    %swap3A_1426 = tpu.vector_load %arg14[%swap3A_1424, %swap3A_1425] {strides = array<i32>} : memref<13x128xf32, #tpu.memory_space<vmem>>, vector<16xf32>,
    tpu.vector_store %arg14[%swap3A_1424, %swap3A_1425], %gather3A_1422 {strides = array<i32>} : memref<13x128xf32, #tpu.memory_space<vmem>>, vector<16xf32>,
    %get3A_1427 = arith.constant 12 : i32
    %get3A_1428 = arith.index_cast %get3A_1427 : i32 to index
    %get3A_1429 = arith.constant 0 : index
    %get3A_1430 = tpu.vector_load %arg13[%get3A_1428, %get3A_1429] {strides = array<i32>} : memref<13x128xi32, #tpu.memory_space<vmem>>, vector<16xi32>,
    %gather3A_1431 = tpu.vector_load_idx %arg11[%get3A_1430] : memref<48xf32, #tpu.memory_space<vmem>>[vector<16xi32>], vector<16xf32>,
    %swap3A_1432 = arith.constant 12 : i32
    %swap3A_1433 = arith.index_cast %swap3A_1432 : i32 to index
    %swap3A_1434 = arith.constant 0 : index
    %swap3A_1435 = tpu.vector_load %arg14[%swap3A_1433, %swap3A_1434] {strides = array<i32>} : memref<13x128xf32, #tpu.memory_space<vmem>>, vector<16xf32>,
    tpu.vector_store %arg14[%swap3A_1433, %swap3A_1434], %gather3A_1431 {strides = array<i32>} : memref<13x128xf32, #tpu.memory_space<vmem>>, vector<16xf32>,
    %get3A_1436 = arith.constant 12 : i32
    %get3A_1437 = arith.index_cast %get3A_1436 : i32 to index
    %get3A_1438 = arith.constant 16 : index
    %get3A_1439 = tpu.vector_load %arg13[%get3A_1437, %get3A_1438] {strides = array<i32>} : memref<13x128xi32, #tpu.memory_space<vmem>>, vector<16xi32>,
    %gather3A_1440 = tpu.vector_load_idx %arg11[%get3A_1439] : memref<48xf32, #tpu.memory_space<vmem>>[vector<16xi32>], vector<16xf32>,
    %swap3A_1441 = arith.constant 12 : i32
    %swap3A_1442 = arith.index_cast %swap3A_1441 : i32 to index
    %swap3A_1443 = arith.constant 16 : index
    %swap3A_1444 = tpu.vector_load %arg14[%swap3A_1442, %swap3A_1443] {strides = array<i32>} : memref<13x128xf32, #tpu.memory_space<vmem>>, vector<16xf32>,
    tpu.vector_store %arg14[%swap3A_1442, %swap3A_1443], %gather3A_1440 {strides = array<i32>} : memref<13x128xf32, #tpu.memory_space<vmem>>, vector<16xf32>,
    %get3A_1445 = arith.constant 12 : i32
    %get3A_1446 = arith.index_cast %get3A_1445 : i32 to index
    %get3A_1447 = arith.constant 32 : index
    %get3A_1448 = tpu.vector_load %arg13[%get3A_1446, %get3A_1447] {strides = array<i32>} : memref<13x128xi32, #tpu.memory_space<vmem>>, vector<16xi32>,
    %gather3A_1449 = tpu.vector_load_idx %arg11[%get3A_1448] : memref<48xf32, #tpu.memory_space<vmem>>[vector<16xi32>], vector<16xf32>,
    %swap3A_1450 = arith.constant 12 : i32
    %swap3A_1451 = arith.index_cast %swap3A_1450 : i32 to index
    %swap3A_1452 = arith.constant 32 : index
    %swap3A_1453 = tpu.vector_load %arg14[%swap3A_1451, %swap3A_1452] {strides = array<i32>} : memref<13x128xf32, #tpu.memory_space<vmem>>, vector<16xf32>,
    tpu.vector_store %arg14[%swap3A_1451, %swap3A_1452], %gather3A_1449 {strides = array<i32>} : memref<13x128xf32, #tpu.memory_space<vmem>>, vector<16xf32>,
    %get3A_1454 = arith.constant 12 : i32
    %get3A_1455 = arith.index_cast %get3A_1454 : i32 to index
    %get3A_1456 = arith.constant 48 : index
    %get3A_1457 = tpu.vector_load %arg13[%get3A_1455, %get3A_1456] {strides = array<i32>} : memref<13x128xi32, #tpu.memory_space<vmem>>, vector<16xi32>,
    %gather3A_1458 = tpu.vector_load_idx %arg11[%get3A_1457] : memref<48xf32, #tpu.memory_space<vmem>>[vector<16xi32>], vector<16xf32>,
    %swap3A_1459 = arith.constant 12 : i32
    %swap3A_1460 = arith.index_cast %swap3A_1459 : i32 to index
    %swap3A_1461 = arith.constant 48 : index
    %swap3A_1462 = tpu.vector_load %arg14[%swap3A_1460, %swap3A_1461] {strides = array<i32>} : memref<13x128xf32, #tpu.memory_space<vmem>>, vector<16xf32>,
    tpu.vector_store %arg14[%swap3A_1460, %swap3A_1461], %gather3A_1458 {strides = array<i32>} : memref<13x128xf32, #tpu.memory_space<vmem>>, vector<16xf32>,
    %get3A_1463 = arith.constant 12 : i32
    %get3A_1464 = arith.index_cast %get3A_1463 : i32 to index
    %get3A_1465 = arith.constant 64 : index
    %get3A_1466 = tpu.vector_load %arg13[%get3A_1464, %get3A_1465] {strides = array<i32>} : memref<13x128xi32, #tpu.memory_space<vmem>>, vector<16xi32>,
    %gather3A_1467 = tpu.vector_load_idx %arg11[%get3A_1466] : memref<48xf32, #tpu.memory_space<vmem>>[vector<16xi32>], vector<16xf32>,
    %swap3A_1468 = arith.constant 12 : i32
    %swap3A_1469 = arith.index_cast %swap3A_1468 : i32 to index
    %swap3A_1470 = arith.constant 64 : index
    %swap3A_1471 = tpu.vector_load %arg14[%swap3A_1469, %swap3A_1470] {strides = array<i32>} : memref<13x128xf32, #tpu.memory_space<vmem>>, vector<16xf32>,
    tpu.vector_store %arg14[%swap3A_1469, %swap3A_1470], %gather3A_1467 {strides = array<i32>} : memref<13x128xf32, #tpu.memory_space<vmem>>, vector<16xf32>,
    %get3A_1472 = arith.constant 12 : i32
    %get3A_1473 = arith.index_cast %get3A_1472 : i32 to index
    %get3A_1474 = arith.constant 80 : index
    %get3A_1475 = tpu.vector_load %arg13[%get3A_1473, %get3A_1474] {strides = array<i32>} : memref<13x128xi32, #tpu.memory_space<vmem>>, vector<16xi32>,
    %gather3A_1476 = tpu.vector_load_idx %arg11[%get3A_1475] : memref<48xf32, #tpu.memory_space<vmem>>[vector<16xi32>], vector<16xf32>,
    %swap3A_1477 = arith.constant 12 : i32
    %swap3A_1478 = arith.index_cast %swap3A_1477 : i32 to index
    %swap3A_1479 = arith.constant 80 : index
    %swap3A_1480 = tpu.vector_load %arg14[%swap3A_1478, %swap3A_1479] {strides = array<i32>} : memref<13x128xf32, #tpu.memory_space<vmem>>, vector<16xf32>,
    tpu.vector_store %arg14[%swap3A_1478, %swap3A_1479], %gather3A_1476 {strides = array<i32>} : memref<13x128xf32, #tpu.memory_space<vmem>>, vector<16xf32>,
    %get3A_1481 = arith.constant 12 : i32
    %get3A_1482 = arith.index_cast %get3A_1481 : i32 to index
    %get3A_1483 = arith.constant 96 : index
    %get3A_1484 = tpu.vector_load %arg13[%get3A_1482, %get3A_1483] {strides = array<i32>} : memref<13x128xi32, #tpu.memory_space<vmem>>, vector<16xi32>,
    %gather3A_1485 = tpu.vector_load_idx %arg11[%get3A_1484] : memref<48xf32, #tpu.memory_space<vmem>>[vector<16xi32>], vector<16xf32>,
    %swap3A_1486 = arith.constant 12 : i32
    %swap3A_1487 = arith.index_cast %swap3A_1486 : i32 to index
    %swap3A_1488 = arith.constant 96 : index
    %swap3A_1489 = tpu.vector_load %arg14[%swap3A_1487, %swap3A_1488] {strides = array<i32>} : memref<13x128xf32, #tpu.memory_space<vmem>>, vector<16xf32>,
    tpu.vector_store %arg14[%swap3A_1487, %swap3A_1488], %gather3A_1485 {strides = array<i32>} : memref<13x128xf32, #tpu.memory_space<vmem>>, vector<16xf32>,
    %get3A_1490 = arith.constant 12 : i32
    %get3A_1491 = arith.index_cast %get3A_1490 : i32 to index
    %get3A_1492 = arith.constant 112 : index
    %get3A_1493 = tpu.vector_load %arg13[%get3A_1491, %get3A_1492] {strides = array<i32>} : memref<13x128xi32, #tpu.memory_space<vmem>>, vector<16xi32>,
    %gather3A_1494 = tpu.vector_load_idx %arg11[%get3A_1493] : memref<48xf32, #tpu.memory_space<vmem>>[vector<16xi32>], vector<16xf32>,
    %swap3A_1495 = arith.constant 12 : i32
    %swap3A_1496 = arith.index_cast %swap3A_1495 : i32 to index
    %swap3A_1497 = arith.constant 112 : index
    %swap3A_1498 = tpu.vector_load %arg14[%swap3A_1496, %swap3A_1497] {strides = array<i32>} : memref<13x128xf32, #tpu.memory_space<vmem>>, vector<16xf32>,
    tpu.vector_store %arg14[%swap3A_1496, %swap3A_1497], %gather3A_1494 {strides = array<i32>} : memref<13x128xf32, #tpu.memory_space<vmem>>, vector<16xf32>,
    "tpu.trace_stop"() : () -> ()
    "tpu.trace_start"() <{level = 10 : i32, message = "kv_w_init"}> : () -> ()
    %mul3A_1499 = arith.constant 6400 : i32
    %mul3A_1500 = arith.muli %arg1, %mul3A_1499 : i32
    %mul3A_1501 = arith.constant 6400 : i32
    %mul3A_1502 = arith.muli %arg1, %mul3A_1501 : i32
    %dma_wait3A_1503 = tpu.memref_slice %arg16[%mul3A_1502] : memref<102400xf32, #tpu.memory_space<vmem_shared>> -> memref<6400xf32, #tpu.memory_space<vmem_shared>>
    %dma_wait3A_1504 = tpu.memref_slice %arg6[%mul3A_1500] : memref<102400xf32, #tpu.memory_space<hbm>> -> memref<6400xf32, #tpu.memory_space<hbm>>
    tpu.wait_dma2 semaphore(%arg18 : memref<!tpu.dma_semaphore, #tpu.memory_space<semaphore_mem>>) src(%dma_wait3A_1504 : memref<6400xf32, #tpu.memory_space<hbm>>) dst(%dma_wait3A_1503 : memref<6400xf32, #tpu.memory_space<vmem_shared>>)
    %barrier3A_1505 = arith.constant 0 : index
    tpu.barrier barrier_id(%barrier3A_1505)
    %run_scoped3A = arith.constant 0 : i32
    %run_scoped3A_1506 = arith.constant 0 : i32
    "tpu.trace_stop"() : () -> ()
    "tpu.trace_start"() <{level = 10 : i32, message = "kv_scatter"}> : () -> ()
    "tpu.region"() ({
      %run_scoped3A_1536 = tpu.sem_alloc : memref<!tpu.dma_semaphore, #tpu.memory_space<semaphore_mem>>
      %dma_start3A_1537 = arith.constant 0 : i32
      %dma_start3A_1538 = tpu.memref_slice %arg14[%run_scoped3A, %dma_start3A_1537] : memref<13x128xf32, #tpu.memory_space<vmem>> -> memref<1x128xf32, #tpu.memory_space<vmem>>
      %dma_start3A_1539 = tpu.memref_squeeze %dma_start3A_1538 : memref<1x128xf32, #tpu.memory_space<vmem>> -> memref<128xf32, #tpu.memory_space<vmem>>
      %dma_start3A_1540 = arith.constant 0 : i32
      %dma_start3A_1541 = tpu.memref_slice %arg12[%run_scoped3A_1506, %dma_start3A_1540] : memref<13x128xi32, #tpu.memory_space<vmem>> -> memref<1x128xi32, #tpu.memory_space<vmem>>
      %dma_start3A_1542 = tpu.memref_squeeze %dma_start3A_1541 : memref<1x128xi32, #tpu.memory_space<vmem>> -> memref<128xi32, #tpu.memory_space<vmem>>
      %dma_start3A_1543 = arith.constant 0 : i32
      %dma_start3A_1544 = tpu.memref_slice %arg16[%dma_start3A_1543] : memref<102400xf32, #tpu.memory_space<vmem_shared>> -> memref<102400xf32, #tpu.memory_space<vmem_shared>>
      tpu.enqueue_indirect_dma source(%dma_start3A_1539 : memref<128xf32, #tpu.memory_space<vmem>>) target(%dma_start3A_1544 : memref<102400xf32, #tpu.memory_space<vmem_shared>>) offsets(%dma_start3A_1542 : memref<128xi32, #tpu.memory_space<vmem>>) semaphore(%run_scoped3A_1536 : memref<!tpu.dma_semaphore, #tpu.memory_space<semaphore_mem>>) {add = true}
      %dma_wait3A_1545 = arith.constant 0 : i32
      %dma_wait3A_1546 = tpu.memref_slice %arg14[%run_scoped3A, %dma_wait3A_1545] : memref<13x128xf32, #tpu.memory_space<vmem>> -> memref<1x128xf32, #tpu.memory_space<vmem>>
      %dma_wait3A_1547 = tpu.memref_squeeze %dma_wait3A_1546 : memref<1x128xf32, #tpu.memory_space<vmem>> -> memref<128xf32, #tpu.memory_space<vmem>>
      %dma_wait3A_1548 = arith.constant 0 : i32
      %dma_wait3A_1549 = tpu.memref_slice %arg12[%run_scoped3A_1506, %dma_wait3A_1548] : memref<13x128xi32, #tpu.memory_space<vmem>> -> memref<1x128xi32, #tpu.memory_space<vmem>>
      %dma_wait3A_1550 = tpu.memref_squeeze %dma_wait3A_1549 : memref<1x128xi32, #tpu.memory_space<vmem>> -> memref<128xi32, #tpu.memory_space<vmem>>
      %dma_wait3A_1551 = arith.constant 0 : i32
      %dma_wait3A_1552 = tpu.memref_slice %arg16[%dma_wait3A_1551] : memref<102400xf32, #tpu.memory_space<vmem_shared>> -> memref<102400xf32, #tpu.memory_space<vmem_shared>>
      tpu.wait_indirect_dma semaphore(%run_scoped3A_1536 : memref<!tpu.dma_semaphore, #tpu.memory_space<semaphore_mem>>) src(%dma_wait3A_1547 : memref<128xf32, #tpu.memory_space<vmem>>) dst(%dma_wait3A_1552 : memref<102400xf32, #tpu.memory_space<vmem_shared>>)
      tpu.yield
    }) : () -> ()
    %run_scoped3A_1507 = arith.constant 1 : i32
    %run_scoped3A_1508 = arith.constant 1 : i32
    "tpu.region"() ({
      %run_scoped3A_1536 = tpu.sem_alloc : memref<!tpu.dma_semaphore, #tpu.memory_space<semaphore_mem>>
      %dma_start3A_1537 = arith.constant 0 : i32
      %dma_start3A_1538 = tpu.memref_slice %arg14[%run_scoped3A_1507, %dma_start3A_1537] : memref<13x128xf32, #tpu.memory_space<vmem>> -> memref<1x128xf32, #tpu.memory_space<vmem>>
      %dma_start3A_1539 = tpu.memref_squeeze %dma_start3A_1538 : memref<1x128xf32, #tpu.memory_space<vmem>> -> memref<128xf32, #tpu.memory_space<vmem>>
      %dma_start3A_1540 = arith.constant 0 : i32
      %dma_start3A_1541 = tpu.memref_slice %arg12[%run_scoped3A_1508, %dma_start3A_1540] : memref<13x128xi32, #tpu.memory_space<vmem>> -> memref<1x128xi32, #tpu.memory_space<vmem>>
      %dma_start3A_1542 = tpu.memref_squeeze %dma_start3A_1541 : memref<1x128xi32, #tpu.memory_space<vmem>> -> memref<128xi32, #tpu.memory_space<vmem>>
      %dma_start3A_1543 = arith.constant 0 : i32
      %dma_start3A_1544 = tpu.memref_slice %arg16[%dma_start3A_1543] : memref<102400xf32, #tpu.memory_space<vmem_shared>> -> memref<102400xf32, #tpu.memory_space<vmem_shared>>
      tpu.enqueue_indirect_dma source(%dma_start3A_1539 : memref<128xf32, #tpu.memory_space<vmem>>) target(%dma_start3A_1544 : memref<102400xf32, #tpu.memory_space<vmem_shared>>) offsets(%dma_start3A_1542 : memref<128xi32, #tpu.memory_space<vmem>>) semaphore(%run_scoped3A_1536 : memref<!tpu.dma_semaphore, #tpu.memory_space<semaphore_mem>>) {add = true}
      %dma_wait3A_1545 = arith.constant 0 : i32
      %dma_wait3A_1546 = tpu.memref_slice %arg14[%run_scoped3A_1507, %dma_wait3A_1545] : memref<13x128xf32, #tpu.memory_space<vmem>> -> memref<1x128xf32, #tpu.memory_space<vmem>>
      %dma_wait3A_1547 = tpu.memref_squeeze %dma_wait3A_1546 : memref<1x128xf32, #tpu.memory_space<vmem>> -> memref<128xf32, #tpu.memory_space<vmem>>
      %dma_wait3A_1548 = arith.constant 0 : i32
      %dma_wait3A_1549 = tpu.memref_slice %arg12[%run_scoped3A_1508, %dma_wait3A_1548] : memref<13x128xi32, #tpu.memory_space<vmem>> -> memref<1x128xi32, #tpu.memory_space<vmem>>
      %dma_wait3A_1550 = tpu.memref_squeeze %dma_wait3A_1549 : memref<1x128xi32, #tpu.memory_space<vmem>> -> memref<128xi32, #tpu.memory_space<vmem>>
      %dma_wait3A_1551 = arith.constant 0 : i32
      %dma_wait3A_1552 = tpu.memref_slice %arg16[%dma_wait3A_1551] : memref<102400xf32, #tpu.memory_space<vmem_shared>> -> memref<102400xf32, #tpu.memory_space<vmem_shared>>
      tpu.wait_indirect_dma semaphore(%run_scoped3A_1536 : memref<!tpu.dma_semaphore, #tpu.memory_space<semaphore_mem>>) src(%dma_wait3A_1547 : memref<128xf32, #tpu.memory_space<vmem>>) dst(%dma_wait3A_1552 : memref<102400xf32, #tpu.memory_space<vmem_shared>>)
      tpu.yield
    }) : () -> ()
    %run_scoped3A_1509 = arith.constant 2 : i32
    %run_scoped3A_1510 = arith.constant 2 : i32
    "tpu.region"() ({
      %run_scoped3A_1536 = tpu.sem_alloc : memref<!tpu.dma_semaphore, #tpu.memory_space<semaphore_mem>>
      %dma_start3A_1537 = arith.constant 0 : i32
      %dma_start3A_1538 = tpu.memref_slice %arg14[%run_scoped3A_1509, %dma_start3A_1537] : memref<13x128xf32, #tpu.memory_space<vmem>> -> memref<1x128xf32, #tpu.memory_space<vmem>>
      %dma_start3A_1539 = tpu.memref_squeeze %dma_start3A_1538 : memref<1x128xf32, #tpu.memory_space<vmem>> -> memref<128xf32, #tpu.memory_space<vmem>>
      %dma_start3A_1540 = arith.constant 0 : i32
      %dma_start3A_1541 = tpu.memref_slice %arg12[%run_scoped3A_1510, %dma_start3A_1540] : memref<13x128xi32, #tpu.memory_space<vmem>> -> memref<1x128xi32, #tpu.memory_space<vmem>>
      %dma_start3A_1542 = tpu.memref_squeeze %dma_start3A_1541 : memref<1x128xi32, #tpu.memory_space<vmem>> -> memref<128xi32, #tpu.memory_space<vmem>>
      %dma_start3A_1543 = arith.constant 0 : i32
      %dma_start3A_1544 = tpu.memref_slice %arg16[%dma_start3A_1543] : memref<102400xf32, #tpu.memory_space<vmem_shared>> -> memref<102400xf32, #tpu.memory_space<vmem_shared>>
      tpu.enqueue_indirect_dma source(%dma_start3A_1539 : memref<128xf32, #tpu.memory_space<vmem>>) target(%dma_start3A_1544 : memref<102400xf32, #tpu.memory_space<vmem_shared>>) offsets(%dma_start3A_1542 : memref<128xi32, #tpu.memory_space<vmem>>) semaphore(%run_scoped3A_1536 : memref<!tpu.dma_semaphore, #tpu.memory_space<semaphore_mem>>) {add = true}
      %dma_wait3A_1545 = arith.constant 0 : i32
      %dma_wait3A_1546 = tpu.memref_slice %arg14[%run_scoped3A_1509, %dma_wait3A_1545] : memref<13x128xf32, #tpu.memory_space<vmem>> -> memref<1x128xf32, #tpu.memory_space<vmem>>
      %dma_wait3A_1547 = tpu.memref_squeeze %dma_wait3A_1546 : memref<1x128xf32, #tpu.memory_space<vmem>> -> memref<128xf32, #tpu.memory_space<vmem>>
      %dma_wait3A_1548 = arith.constant 0 : i32
      %dma_wait3A_1549 = tpu.memref_slice %arg12[%run_scoped3A_1510, %dma_wait3A_1548] : memref<13x128xi32, #tpu.memory_space<vmem>> -> memref<1x128xi32, #tpu.memory_space<vmem>>
      %dma_wait3A_1550 = tpu.memref_squeeze %dma_wait3A_1549 : memref<1x128xi32, #tpu.memory_space<vmem>> -> memref<128xi32, #tpu.memory_space<vmem>>
      %dma_wait3A_1551 = arith.constant 0 : i32
      %dma_wait3A_1552 = tpu.memref_slice %arg16[%dma_wait3A_1551] : memref<102400xf32, #tpu.memory_space<vmem_shared>> -> memref<102400xf32, #tpu.memory_space<vmem_shared>>
      tpu.wait_indirect_dma semaphore(%run_scoped3A_1536 : memref<!tpu.dma_semaphore, #tpu.memory_space<semaphore_mem>>) src(%dma_wait3A_1547 : memref<128xf32, #tpu.memory_space<vmem>>) dst(%dma_wait3A_1552 : memref<102400xf32, #tpu.memory_space<vmem_shared>>)
      tpu.yield
    }) : () -> ()
    %run_scoped3A_1511 = arith.constant 3 : i32
    %run_scoped3A_1512 = arith.constant 3 : i32
    "tpu.region"() ({
      %run_scoped3A_1536 = tpu.sem_alloc : memref<!tpu.dma_semaphore, #tpu.memory_space<semaphore_mem>>
      %dma_start3A_1537 = arith.constant 0 : i32
      %dma_start3A_1538 = tpu.memref_slice %arg14[%run_scoped3A_1511, %dma_start3A_1537] : memref<13x128xf32, #tpu.memory_space<vmem>> -> memref<1x128xf32, #tpu.memory_space<vmem>>
      %dma_start3A_1539 = tpu.memref_squeeze %dma_start3A_1538 : memref<1x128xf32, #tpu.memory_space<vmem>> -> memref<128xf32, #tpu.memory_space<vmem>>
      %dma_start3A_1540 = arith.constant 0 : i32
      %dma_start3A_1541 = tpu.memref_slice %arg12[%run_scoped3A_1512, %dma_start3A_1540] : memref<13x128xi32, #tpu.memory_space<vmem>> -> memref<1x128xi32, #tpu.memory_space<vmem>>
      %dma_start3A_1542 = tpu.memref_squeeze %dma_start3A_1541 : memref<1x128xi32, #tpu.memory_space<vmem>> -> memref<128xi32, #tpu.memory_space<vmem>>
      %dma_start3A_1543 = arith.constant 0 : i32
      %dma_start3A_1544 = tpu.memref_slice %arg16[%dma_start3A_1543] : memref<102400xf32, #tpu.memory_space<vmem_shared>> -> memref<102400xf32, #tpu.memory_space<vmem_shared>>
      tpu.enqueue_indirect_dma source(%dma_start3A_1539 : memref<128xf32, #tpu.memory_space<vmem>>) target(%dma_start3A_1544 : memref<102400xf32, #tpu.memory_space<vmem_shared>>) offsets(%dma_start3A_1542 : memref<128xi32, #tpu.memory_space<vmem>>) semaphore(%run_scoped3A_1536 : memref<!tpu.dma_semaphore, #tpu.memory_space<semaphore_mem>>) {add = true}
      %dma_wait3A_1545 = arith.constant 0 : i32
      %dma_wait3A_1546 = tpu.memref_slice %arg14[%run_scoped3A_1511, %dma_wait3A_1545] : memref<13x128xf32, #tpu.memory_space<vmem>> -> memref<1x128xf32, #tpu.memory_space<vmem>>
      %dma_wait3A_1547 = tpu.memref_squeeze %dma_wait3A_1546 : memref<1x128xf32, #tpu.memory_space<vmem>> -> memref<128xf32, #tpu.memory_space<vmem>>
      %dma_wait3A_1548 = arith.constant 0 : i32
      %dma_wait3A_1549 = tpu.memref_slice %arg12[%run_scoped3A_1512, %dma_wait3A_1548] : memref<13x128xi32, #tpu.memory_space<vmem>> -> memref<1x128xi32, #tpu.memory_space<vmem>>
      %dma_wait3A_1550 = tpu.memref_squeeze %dma_wait3A_1549 : memref<1x128xi32, #tpu.memory_space<vmem>> -> memref<128xi32, #tpu.memory_space<vmem>>
      %dma_wait3A_1551 = arith.constant 0 : i32
      %dma_wait3A_1552 = tpu.memref_slice %arg16[%dma_wait3A_1551] : memref<102400xf32, #tpu.memory_space<vmem_shared>> -> memref<102400xf32, #tpu.memory_space<vmem_shared>>
      tpu.wait_indirect_dma semaphore(%run_scoped3A_1536 : memref<!tpu.dma_semaphore, #tpu.memory_space<semaphore_mem>>) src(%dma_wait3A_1547 : memref<128xf32, #tpu.memory_space<vmem>>) dst(%dma_wait3A_1552 : memref<102400xf32, #tpu.memory_space<vmem_shared>>)
      tpu.yield
    }) : () -> ()
    %run_scoped3A_1513 = arith.constant 4 : i32
    %run_scoped3A_1514 = arith.constant 4 : i32
    "tpu.region"() ({
      %run_scoped3A_1536 = tpu.sem_alloc : memref<!tpu.dma_semaphore, #tpu.memory_space<semaphore_mem>>
      %dma_start3A_1537 = arith.constant 0 : i32
      %dma_start3A_1538 = tpu.memref_slice %arg14[%run_scoped3A_1513, %dma_start3A_1537] : memref<13x128xf32, #tpu.memory_space<vmem>> -> memref<1x128xf32, #tpu.memory_space<vmem>>
      %dma_start3A_1539 = tpu.memref_squeeze %dma_start3A_1538 : memref<1x128xf32, #tpu.memory_space<vmem>> -> memref<128xf32, #tpu.memory_space<vmem>>
      %dma_start3A_1540 = arith.constant 0 : i32
      %dma_start3A_1541 = tpu.memref_slice %arg12[%run_scoped3A_1514, %dma_start3A_1540] : memref<13x128xi32, #tpu.memory_space<vmem>> -> memref<1x128xi32, #tpu.memory_space<vmem>>
      %dma_start3A_1542 = tpu.memref_squeeze %dma_start3A_1541 : memref<1x128xi32, #tpu.memory_space<vmem>> -> memref<128xi32, #tpu.memory_space<vmem>>
      %dma_start3A_1543 = arith.constant 0 : i32
      %dma_start3A_1544 = tpu.memref_slice %arg16[%dma_start3A_1543] : memref<102400xf32, #tpu.memory_space<vmem_shared>> -> memref<102400xf32, #tpu.memory_space<vmem_shared>>
      tpu.enqueue_indirect_dma source(%dma_start3A_1539 : memref<128xf32, #tpu.memory_space<vmem>>) target(%dma_start3A_1544 : memref<102400xf32, #tpu.memory_space<vmem_shared>>) offsets(%dma_start3A_1542 : memref<128xi32, #tpu.memory_space<vmem>>) semaphore(%run_scoped3A_1536 : memref<!tpu.dma_semaphore, #tpu.memory_space<semaphore_mem>>) {add = true}
      %dma_wait3A_1545 = arith.constant 0 : i32
      %dma_wait3A_1546 = tpu.memref_slice %arg14[%run_scoped3A_1513, %dma_wait3A_1545] : memref<13x128xf32, #tpu.memory_space<vmem>> -> memref<1x128xf32, #tpu.memory_space<vmem>>
      %dma_wait3A_1547 = tpu.memref_squeeze %dma_wait3A_1546 : memref<1x128xf32, #tpu.memory_space<vmem>> -> memref<128xf32, #tpu.memory_space<vmem>>
      %dma_wait3A_1548 = arith.constant 0 : i32
      %dma_wait3A_1549 = tpu.memref_slice %arg12[%run_scoped3A_1514, %dma_wait3A_1548] : memref<13x128xi32, #tpu.memory_space<vmem>> -> memref<1x128xi32, #tpu.memory_space<vmem>>
      %dma_wait3A_1550 = tpu.memref_squeeze %dma_wait3A_1549 : memref<1x128xi32, #tpu.memory_space<vmem>> -> memref<128xi32, #tpu.memory_space<vmem>>
      %dma_wait3A_1551 = arith.constant 0 : i32
      %dma_wait3A_1552 = tpu.memref_slice %arg16[%dma_wait3A_1551] : memref<102400xf32, #tpu.memory_space<vmem_shared>> -> memref<102400xf32, #tpu.memory_space<vmem_shared>>
      tpu.wait_indirect_dma semaphore(%run_scoped3A_1536 : memref<!tpu.dma_semaphore, #tpu.memory_space<semaphore_mem>>) src(%dma_wait3A_1547 : memref<128xf32, #tpu.memory_space<vmem>>) dst(%dma_wait3A_1552 : memref<102400xf32, #tpu.memory_space<vmem_shared>>)
      tpu.yield
    }) : () -> ()
    %run_scoped3A_1515 = arith.constant 5 : i32
    %run_scoped3A_1516 = arith.constant 5 : i32
    "tpu.region"() ({
      %run_scoped3A_1536 = tpu.sem_alloc : memref<!tpu.dma_semaphore, #tpu.memory_space<semaphore_mem>>
      %dma_start3A_1537 = arith.constant 0 : i32
      %dma_start3A_1538 = tpu.memref_slice %arg14[%run_scoped3A_1515, %dma_start3A_1537] : memref<13x128xf32, #tpu.memory_space<vmem>> -> memref<1x128xf32, #tpu.memory_space<vmem>>
      %dma_start3A_1539 = tpu.memref_squeeze %dma_start3A_1538 : memref<1x128xf32, #tpu.memory_space<vmem>> -> memref<128xf32, #tpu.memory_space<vmem>>
      %dma_start3A_1540 = arith.constant 0 : i32
      %dma_start3A_1541 = tpu.memref_slice %arg12[%run_scoped3A_1516, %dma_start3A_1540] : memref<13x128xi32, #tpu.memory_space<vmem>> -> memref<1x128xi32, #tpu.memory_space<vmem>>
      %dma_start3A_1542 = tpu.memref_squeeze %dma_start3A_1541 : memref<1x128xi32, #tpu.memory_space<vmem>> -> memref<128xi32, #tpu.memory_space<vmem>>
      %dma_start3A_1543 = arith.constant 0 : i32
      %dma_start3A_1544 = tpu.memref_slice %arg16[%dma_start3A_1543] : memref<102400xf32, #tpu.memory_space<vmem_shared>> -> memref<102400xf32, #tpu.memory_space<vmem_shared>>
      tpu.enqueue_indirect_dma source(%dma_start3A_1539 : memref<128xf32, #tpu.memory_space<vmem>>) target(%dma_start3A_1544 : memref<102400xf32, #tpu.memory_space<vmem_shared>>) offsets(%dma_start3A_1542 : memref<128xi32, #tpu.memory_space<vmem>>) semaphore(%run_scoped3A_1536 : memref<!tpu.dma_semaphore, #tpu.memory_space<semaphore_mem>>) {add = true}
      %dma_wait3A_1545 = arith.constant 0 : i32
      %dma_wait3A_1546 = tpu.memref_slice %arg14[%run_scoped3A_1515, %dma_wait3A_1545] : memref<13x128xf32, #tpu.memory_space<vmem>> -> memref<1x128xf32, #tpu.memory_space<vmem>>
      %dma_wait3A_1547 = tpu.memref_squeeze %dma_wait3A_1546 : memref<1x128xf32, #tpu.memory_space<vmem>> -> memref<128xf32, #tpu.memory_space<vmem>>
      %dma_wait3A_1548 = arith.constant 0 : i32
      %dma_wait3A_1549 = tpu.memref_slice %arg12[%run_scoped3A_1516, %dma_wait3A_1548] : memref<13x128xi32, #tpu.memory_space<vmem>> -> memref<1x128xi32, #tpu.memory_space<vmem>>
      %dma_wait3A_1550 = tpu.memref_squeeze %dma_wait3A_1549 : memref<1x128xi32, #tpu.memory_space<vmem>> -> memref<128xi32, #tpu.memory_space<vmem>>
      %dma_wait3A_1551 = arith.constant 0 : i32
      %dma_wait3A_1552 = tpu.memref_slice %arg16[%dma_wait3A_1551] : memref<102400xf32, #tpu.memory_space<vmem_shared>> -> memref<102400xf32, #tpu.memory_space<vmem_shared>>
      tpu.wait_indirect_dma semaphore(%run_scoped3A_1536 : memref<!tpu.dma_semaphore, #tpu.memory_space<semaphore_mem>>) src(%dma_wait3A_1547 : memref<128xf32, #tpu.memory_space<vmem>>) dst(%dma_wait3A_1552 : memref<102400xf32, #tpu.memory_space<vmem_shared>>)
      tpu.yield
    }) : () -> ()
    %run_scoped3A_1517 = arith.constant 6 : i32
    %run_scoped3A_1518 = arith.constant 6 : i32
    "tpu.region"() ({
      %run_scoped3A_1536 = tpu.sem_alloc : memref<!tpu.dma_semaphore, #tpu.memory_space<semaphore_mem>>
      %dma_start3A_1537 = arith.constant 0 : i32
      %dma_start3A_1538 = tpu.memref_slice %arg14[%run_scoped3A_1517, %dma_start3A_1537] : memref<13x128xf32, #tpu.memory_space<vmem>> -> memref<1x128xf32, #tpu.memory_space<vmem>>
      %dma_start3A_1539 = tpu.memref_squeeze %dma_start3A_1538 : memref<1x128xf32, #tpu.memory_space<vmem>> -> memref<128xf32, #tpu.memory_space<vmem>>
      %dma_start3A_1540 = arith.constant 0 : i32
      %dma_start3A_1541 = tpu.memref_slice %arg12[%run_scoped3A_1518, %dma_start3A_1540] : memref<13x128xi32, #tpu.memory_space<vmem>> -> memref<1x128xi32, #tpu.memory_space<vmem>>
      %dma_start3A_1542 = tpu.memref_squeeze %dma_start3A_1541 : memref<1x128xi32, #tpu.memory_space<vmem>> -> memref<128xi32, #tpu.memory_space<vmem>>
      %dma_start3A_1543 = arith.constant 0 : i32
      %dma_start3A_1544 = tpu.memref_slice %arg16[%dma_start3A_1543] : memref<102400xf32, #tpu.memory_space<vmem_shared>> -> memref<102400xf32, #tpu.memory_space<vmem_shared>>
      tpu.enqueue_indirect_dma source(%dma_start3A_1539 : memref<128xf32, #tpu.memory_space<vmem>>) target(%dma_start3A_1544 : memref<102400xf32, #tpu.memory_space<vmem_shared>>) offsets(%dma_start3A_1542 : memref<128xi32, #tpu.memory_space<vmem>>) semaphore(%run_scoped3A_1536 : memref<!tpu.dma_semaphore, #tpu.memory_space<semaphore_mem>>) {add = true}
      %dma_wait3A_1545 = arith.constant 0 : i32
      %dma_wait3A_1546 = tpu.memref_slice %arg14[%run_scoped3A_1517, %dma_wait3A_1545] : memref<13x128xf32, #tpu.memory_space<vmem>> -> memref<1x128xf32, #tpu.memory_space<vmem>>
      %dma_wait3A_1547 = tpu.memref_squeeze %dma_wait3A_1546 : memref<1x128xf32, #tpu.memory_space<vmem>> -> memref<128xf32, #tpu.memory_space<vmem>>
      %dma_wait3A_1548 = arith.constant 0 : i32
      %dma_wait3A_1549 = tpu.memref_slice %arg12[%run_scoped3A_1518, %dma_wait3A_1548] : memref<13x128xi32, #tpu.memory_space<vmem>> -> memref<1x128xi32, #tpu.memory_space<vmem>>
      %dma_wait3A_1550 = tpu.memref_squeeze %dma_wait3A_1549 : memref<1x128xi32, #tpu.memory_space<vmem>> -> memref<128xi32, #tpu.memory_space<vmem>>
      %dma_wait3A_1551 = arith.constant 0 : i32
      %dma_wait3A_1552 = tpu.memref_slice %arg16[%dma_wait3A_1551] : memref<102400xf32, #tpu.memory_space<vmem_shared>> -> memref<102400xf32, #tpu.memory_space<vmem_shared>>
      tpu.wait_indirect_dma semaphore(%run_scoped3A_1536 : memref<!tpu.dma_semaphore, #tpu.memory_space<semaphore_mem>>) src(%dma_wait3A_1547 : memref<128xf32, #tpu.memory_space<vmem>>) dst(%dma_wait3A_1552 : memref<102400xf32, #tpu.memory_space<vmem_shared>>)
      tpu.yield
    }) : () -> ()
    %run_scoped3A_1519 = arith.constant 7 : i32
    %run_scoped3A_1520 = arith.constant 7 : i32
    "tpu.region"() ({
      %run_scoped3A_1536 = tpu.sem_alloc : memref<!tpu.dma_semaphore, #tpu.memory_space<semaphore_mem>>
      %dma_start3A_1537 = arith.constant 0 : i32
      %dma_start3A_1538 = tpu.memref_slice %arg14[%run_scoped3A_1519, %dma_start3A_1537] : memref<13x128xf32, #tpu.memory_space<vmem>> -> memref<1x128xf32, #tpu.memory_space<vmem>>
      %dma_start3A_1539 = tpu.memref_squeeze %dma_start3A_1538 : memref<1x128xf32, #tpu.memory_space<vmem>> -> memref<128xf32, #tpu.memory_space<vmem>>
      %dma_start3A_1540 = arith.constant 0 : i32
      %dma_start3A_1541 = tpu.memref_slice %arg12[%run_scoped3A_1520, %dma_start3A_1540] : memref<13x128xi32, #tpu.memory_space<vmem>> -> memref<1x128xi32, #tpu.memory_space<vmem>>
      %dma_start3A_1542 = tpu.memref_squeeze %dma_start3A_1541 : memref<1x128xi32, #tpu.memory_space<vmem>> -> memref<128xi32, #tpu.memory_space<vmem>>
      %dma_start3A_1543 = arith.constant 0 : i32
      %dma_start3A_1544 = tpu.memref_slice %arg16[%dma_start3A_1543] : memref<102400xf32, #tpu.memory_space<vmem_shared>> -> memref<102400xf32, #tpu.memory_space<vmem_shared>>
      tpu.enqueue_indirect_dma source(%dma_start3A_1539 : memref<128xf32, #tpu.memory_space<vmem>>) target(%dma_start3A_1544 : memref<102400xf32, #tpu.memory_space<vmem_shared>>) offsets(%dma_start3A_1542 : memref<128xi32, #tpu.memory_space<vmem>>) semaphore(%run_scoped3A_1536 : memref<!tpu.dma_semaphore, #tpu.memory_space<semaphore_mem>>) {add = true}
      %dma_wait3A_1545 = arith.constant 0 : i32
      %dma_wait3A_1546 = tpu.memref_slice %arg14[%run_scoped3A_1519, %dma_wait3A_1545] : memref<13x128xf32, #tpu.memory_space<vmem>> -> memref<1x128xf32, #tpu.memory_space<vmem>>
      %dma_wait3A_1547 = tpu.memref_squeeze %dma_wait3A_1546 : memref<1x128xf32, #tpu.memory_space<vmem>> -> memref<128xf32, #tpu.memory_space<vmem>>
      %dma_wait3A_1548 = arith.constant 0 : i32
      %dma_wait3A_1549 = tpu.memref_slice %arg12[%run_scoped3A_1520, %dma_wait3A_1548] : memref<13x128xi32, #tpu.memory_space<vmem>> -> memref<1x128xi32, #tpu.memory_space<vmem>>
      %dma_wait3A_1550 = tpu.memref_squeeze %dma_wait3A_1549 : memref<1x128xi32, #tpu.memory_space<vmem>> -> memref<128xi32, #tpu.memory_space<vmem>>
      %dma_wait3A_1551 = arith.constant 0 : i32
      %dma_wait3A_1552 = tpu.memref_slice %arg16[%dma_wait3A_1551] : memref<102400xf32, #tpu.memory_space<vmem_shared>> -> memref<102400xf32, #tpu.memory_space<vmem_shared>>
      tpu.wait_indirect_dma semaphore(%run_scoped3A_1536 : memref<!tpu.dma_semaphore, #tpu.memory_space<semaphore_mem>>) src(%dma_wait3A_1547 : memref<128xf32, #tpu.memory_space<vmem>>) dst(%dma_wait3A_1552 : memref<102400xf32, #tpu.memory_space<vmem_shared>>)
      tpu.yield
    }) : () -> ()
    %run_scoped3A_1521 = arith.constant 8 : i32
    %run_scoped3A_1522 = arith.constant 8 : i32
    "tpu.region"() ({
      %run_scoped3A_1536 = tpu.sem_alloc : memref<!tpu.dma_semaphore, #tpu.memory_space<semaphore_mem>>
      %dma_start3A_1537 = arith.constant 0 : i32
      %dma_start3A_1538 = tpu.memref_slice %arg14[%run_scoped3A_1521, %dma_start3A_1537] : memref<13x128xf32, #tpu.memory_space<vmem>> -> memref<1x128xf32, #tpu.memory_space<vmem>>
      %dma_start3A_1539 = tpu.memref_squeeze %dma_start3A_1538 : memref<1x128xf32, #tpu.memory_space<vmem>> -> memref<128xf32, #tpu.memory_space<vmem>>
      %dma_start3A_1540 = arith.constant 0 : i32
      %dma_start3A_1541 = tpu.memref_slice %arg12[%run_scoped3A_1522, %dma_start3A_1540] : memref<13x128xi32, #tpu.memory_space<vmem>> -> memref<1x128xi32, #tpu.memory_space<vmem>>
      %dma_start3A_1542 = tpu.memref_squeeze %dma_start3A_1541 : memref<1x128xi32, #tpu.memory_space<vmem>> -> memref<128xi32, #tpu.memory_space<vmem>>
      %dma_start3A_1543 = arith.constant 0 : i32
      %dma_start3A_1544 = tpu.memref_slice %arg16[%dma_start3A_1543] : memref<102400xf32, #tpu.memory_space<vmem_shared>> -> memref<102400xf32, #tpu.memory_space<vmem_shared>>
      tpu.enqueue_indirect_dma source(%dma_start3A_1539 : memref<128xf32, #tpu.memory_space<vmem>>) target(%dma_start3A_1544 : memref<102400xf32, #tpu.memory_space<vmem_shared>>) offsets(%dma_start3A_1542 : memref<128xi32, #tpu.memory_space<vmem>>) semaphore(%run_scoped3A_1536 : memref<!tpu.dma_semaphore, #tpu.memory_space<semaphore_mem>>) {add = true}
      %dma_wait3A_1545 = arith.constant 0 : i32
      %dma_wait3A_1546 = tpu.memref_slice %arg14[%run_scoped3A_1521, %dma_wait3A_1545] : memref<13x128xf32, #tpu.memory_space<vmem>> -> memref<1x128xf32, #tpu.memory_space<vmem>>
      %dma_wait3A_1547 = tpu.memref_squeeze %dma_wait3A_1546 : memref<1x128xf32, #tpu.memory_space<vmem>> -> memref<128xf32, #tpu.memory_space<vmem>>
      %dma_wait3A_1548 = arith.constant 0 : i32
      %dma_wait3A_1549 = tpu.memref_slice %arg12[%run_scoped3A_1522, %dma_wait3A_1548] : memref<13x128xi32, #tpu.memory_space<vmem>> -> memref<1x128xi32, #tpu.memory_space<vmem>>
      %dma_wait3A_1550 = tpu.memref_squeeze %dma_wait3A_1549 : memref<1x128xi32, #tpu.memory_space<vmem>> -> memref<128xi32, #tpu.memory_space<vmem>>
      %dma_wait3A_1551 = arith.constant 0 : i32
      %dma_wait3A_1552 = tpu.memref_slice %arg16[%dma_wait3A_1551] : memref<102400xf32, #tpu.memory_space<vmem_shared>> -> memref<102400xf32, #tpu.memory_space<vmem_shared>>
      tpu.wait_indirect_dma semaphore(%run_scoped3A_1536 : memref<!tpu.dma_semaphore, #tpu.memory_space<semaphore_mem>>) src(%dma_wait3A_1547 : memref<128xf32, #tpu.memory_space<vmem>>) dst(%dma_wait3A_1552 : memref<102400xf32, #tpu.memory_space<vmem_shared>>)
      tpu.yield
    }) : () -> ()
    %run_scoped3A_1523 = arith.constant 9 : i32
    %run_scoped3A_1524 = arith.constant 9 : i32
    "tpu.region"() ({
      %run_scoped3A_1536 = tpu.sem_alloc : memref<!tpu.dma_semaphore, #tpu.memory_space<semaphore_mem>>
      %dma_start3A_1537 = arith.constant 0 : i32
      %dma_start3A_1538 = tpu.memref_slice %arg14[%run_scoped3A_1523, %dma_start3A_1537] : memref<13x128xf32, #tpu.memory_space<vmem>> -> memref<1x128xf32, #tpu.memory_space<vmem>>
      %dma_start3A_1539 = tpu.memref_squeeze %dma_start3A_1538 : memref<1x128xf32, #tpu.memory_space<vmem>> -> memref<128xf32, #tpu.memory_space<vmem>>
      %dma_start3A_1540 = arith.constant 0 : i32
      %dma_start3A_1541 = tpu.memref_slice %arg12[%run_scoped3A_1524, %dma_start3A_1540] : memref<13x128xi32, #tpu.memory_space<vmem>> -> memref<1x128xi32, #tpu.memory_space<vmem>>
      %dma_start3A_1542 = tpu.memref_squeeze %dma_start3A_1541 : memref<1x128xi32, #tpu.memory_space<vmem>> -> memref<128xi32, #tpu.memory_space<vmem>>
      %dma_start3A_1543 = arith.constant 0 : i32
      %dma_start3A_1544 = tpu.memref_slice %arg16[%dma_start3A_1543] : memref<102400xf32, #tpu.memory_space<vmem_shared>> -> memref<102400xf32, #tpu.memory_space<vmem_shared>>
      tpu.enqueue_indirect_dma source(%dma_start3A_1539 : memref<128xf32, #tpu.memory_space<vmem>>) target(%dma_start3A_1544 : memref<102400xf32, #tpu.memory_space<vmem_shared>>) offsets(%dma_start3A_1542 : memref<128xi32, #tpu.memory_space<vmem>>) semaphore(%run_scoped3A_1536 : memref<!tpu.dma_semaphore, #tpu.memory_space<semaphore_mem>>) {add = true}
      %dma_wait3A_1545 = arith.constant 0 : i32
      %dma_wait3A_1546 = tpu.memref_slice %arg14[%run_scoped3A_1523, %dma_wait3A_1545] : memref<13x128xf32, #tpu.memory_space<vmem>> -> memref<1x128xf32, #tpu.memory_space<vmem>>
      %dma_wait3A_1547 = tpu.memref_squeeze %dma_wait3A_1546 : memref<1x128xf32, #tpu.memory_space<vmem>> -> memref<128xf32, #tpu.memory_space<vmem>>
      %dma_wait3A_1548 = arith.constant 0 : i32
      %dma_wait3A_1549 = tpu.memref_slice %arg12[%run_scoped3A_1524, %dma_wait3A_1548] : memref<13x128xi32, #tpu.memory_space<vmem>> -> memref<1x128xi32, #tpu.memory_space<vmem>>
      %dma_wait3A_1550 = tpu.memref_squeeze %dma_wait3A_1549 : memref<1x128xi32, #tpu.memory_space<vmem>> -> memref<128xi32, #tpu.memory_space<vmem>>
      %dma_wait3A_1551 = arith.constant 0 : i32
      %dma_wait3A_1552 = tpu.memref_slice %arg16[%dma_wait3A_1551] : memref<102400xf32, #tpu.memory_space<vmem_shared>> -> memref<102400xf32, #tpu.memory_space<vmem_shared>>
      tpu.wait_indirect_dma semaphore(%run_scoped3A_1536 : memref<!tpu.dma_semaphore, #tpu.memory_space<semaphore_mem>>) src(%dma_wait3A_1547 : memref<128xf32, #tpu.memory_space<vmem>>) dst(%dma_wait3A_1552 : memref<102400xf32, #tpu.memory_space<vmem_shared>>)
      tpu.yield
    }) : () -> ()
    %run_scoped3A_1525 = arith.constant 10 : i32
    %run_scoped3A_1526 = arith.constant 10 : i32
    "tpu.region"() ({
      %run_scoped3A_1536 = tpu.sem_alloc : memref<!tpu.dma_semaphore, #tpu.memory_space<semaphore_mem>>
      %dma_start3A_1537 = arith.constant 0 : i32
      %dma_start3A_1538 = tpu.memref_slice %arg14[%run_scoped3A_1525, %dma_start3A_1537] : memref<13x128xf32, #tpu.memory_space<vmem>> -> memref<1x128xf32, #tpu.memory_space<vmem>>
      %dma_start3A_1539 = tpu.memref_squeeze %dma_start3A_1538 : memref<1x128xf32, #tpu.memory_space<vmem>> -> memref<128xf32, #tpu.memory_space<vmem>>
      %dma_start3A_1540 = arith.constant 0 : i32
      %dma_start3A_1541 = tpu.memref_slice %arg12[%run_scoped3A_1526, %dma_start3A_1540] : memref<13x128xi32, #tpu.memory_space<vmem>> -> memref<1x128xi32, #tpu.memory_space<vmem>>
      %dma_start3A_1542 = tpu.memref_squeeze %dma_start3A_1541 : memref<1x128xi32, #tpu.memory_space<vmem>> -> memref<128xi32, #tpu.memory_space<vmem>>
      %dma_start3A_1543 = arith.constant 0 : i32
      %dma_start3A_1544 = tpu.memref_slice %arg16[%dma_start3A_1543] : memref<102400xf32, #tpu.memory_space<vmem_shared>> -> memref<102400xf32, #tpu.memory_space<vmem_shared>>
      tpu.enqueue_indirect_dma source(%dma_start3A_1539 : memref<128xf32, #tpu.memory_space<vmem>>) target(%dma_start3A_1544 : memref<102400xf32, #tpu.memory_space<vmem_shared>>) offsets(%dma_start3A_1542 : memref<128xi32, #tpu.memory_space<vmem>>) semaphore(%run_scoped3A_1536 : memref<!tpu.dma_semaphore, #tpu.memory_space<semaphore_mem>>) {add = true}
      %dma_wait3A_1545 = arith.constant 0 : i32
      %dma_wait3A_1546 = tpu.memref_slice %arg14[%run_scoped3A_1525, %dma_wait3A_1545] : memref<13x128xf32, #tpu.memory_space<vmem>> -> memref<1x128xf32, #tpu.memory_space<vmem>>
      %dma_wait3A_1547 = tpu.memref_squeeze %dma_wait3A_1546 : memref<1x128xf32, #tpu.memory_space<vmem>> -> memref<128xf32, #tpu.memory_space<vmem>>
      %dma_wait3A_1548 = arith.constant 0 : i32
      %dma_wait3A_1549 = tpu.memref_slice %arg12[%run_scoped3A_1526, %dma_wait3A_1548] : memref<13x128xi32, #tpu.memory_space<vmem>> -> memref<1x128xi32, #tpu.memory_space<vmem>>
      %dma_wait3A_1550 = tpu.memref_squeeze %dma_wait3A_1549 : memref<1x128xi32, #tpu.memory_space<vmem>> -> memref<128xi32, #tpu.memory_space<vmem>>
      %dma_wait3A_1551 = arith.constant 0 : i32
      %dma_wait3A_1552 = tpu.memref_slice %arg16[%dma_wait3A_1551] : memref<102400xf32, #tpu.memory_space<vmem_shared>> -> memref<102400xf32, #tpu.memory_space<vmem_shared>>
      tpu.wait_indirect_dma semaphore(%run_scoped3A_1536 : memref<!tpu.dma_semaphore, #tpu.memory_space<semaphore_mem>>) src(%dma_wait3A_1547 : memref<128xf32, #tpu.memory_space<vmem>>) dst(%dma_wait3A_1552 : memref<102400xf32, #tpu.memory_space<vmem_shared>>)
      tpu.yield
    }) : () -> ()
    %run_scoped3A_1527 = arith.constant 11 : i32
    %run_scoped3A_1528 = arith.constant 11 : i32
    "tpu.region"() ({
      %run_scoped3A_1536 = tpu.sem_alloc : memref<!tpu.dma_semaphore, #tpu.memory_space<semaphore_mem>>
      %dma_start3A_1537 = arith.constant 0 : i32
      %dma_start3A_1538 = tpu.memref_slice %arg14[%run_scoped3A_1527, %dma_start3A_1537] : memref<13x128xf32, #tpu.memory_space<vmem>> -> memref<1x128xf32, #tpu.memory_space<vmem>>
      %dma_start3A_1539 = tpu.memref_squeeze %dma_start3A_1538 : memref<1x128xf32, #tpu.memory_space<vmem>> -> memref<128xf32, #tpu.memory_space<vmem>>
      %dma_start3A_1540 = arith.constant 0 : i32
      %dma_start3A_1541 = tpu.memref_slice %arg12[%run_scoped3A_1528, %dma_start3A_1540] : memref<13x128xi32, #tpu.memory_space<vmem>> -> memref<1x128xi32, #tpu.memory_space<vmem>>
      %dma_start3A_1542 = tpu.memref_squeeze %dma_start3A_1541 : memref<1x128xi32, #tpu.memory_space<vmem>> -> memref<128xi32, #tpu.memory_space<vmem>>
      %dma_start3A_1543 = arith.constant 0 : i32
      %dma_start3A_1544 = tpu.memref_slice %arg16[%dma_start3A_1543] : memref<102400xf32, #tpu.memory_space<vmem_shared>> -> memref<102400xf32, #tpu.memory_space<vmem_shared>>
      tpu.enqueue_indirect_dma source(%dma_start3A_1539 : memref<128xf32, #tpu.memory_space<vmem>>) target(%dma_start3A_1544 : memref<102400xf32, #tpu.memory_space<vmem_shared>>) offsets(%dma_start3A_1542 : memref<128xi32, #tpu.memory_space<vmem>>) semaphore(%run_scoped3A_1536 : memref<!tpu.dma_semaphore, #tpu.memory_space<semaphore_mem>>) {add = true}
      %dma_wait3A_1545 = arith.constant 0 : i32
      %dma_wait3A_1546 = tpu.memref_slice %arg14[%run_scoped3A_1527, %dma_wait3A_1545] : memref<13x128xf32, #tpu.memory_space<vmem>> -> memref<1x128xf32, #tpu.memory_space<vmem>>
      %dma_wait3A_1547 = tpu.memref_squeeze %dma_wait3A_1546 : memref<1x128xf32, #tpu.memory_space<vmem>> -> memref<128xf32, #tpu.memory_space<vmem>>
      %dma_wait3A_1548 = arith.constant 0 : i32
      %dma_wait3A_1549 = tpu.memref_slice %arg12[%run_scoped3A_1528, %dma_wait3A_1548] : memref<13x128xi32, #tpu.memory_space<vmem>> -> memref<1x128xi32, #tpu.memory_space<vmem>>
      %dma_wait3A_1550 = tpu.memref_squeeze %dma_wait3A_1549 : memref<1x128xi32, #tpu.memory_space<vmem>> -> memref<128xi32, #tpu.memory_space<vmem>>
      %dma_wait3A_1551 = arith.constant 0 : i32
      %dma_wait3A_1552 = tpu.memref_slice %arg16[%dma_wait3A_1551] : memref<102400xf32, #tpu.memory_space<vmem_shared>> -> memref<102400xf32, #tpu.memory_space<vmem_shared>>
      tpu.wait_indirect_dma semaphore(%run_scoped3A_1536 : memref<!tpu.dma_semaphore, #tpu.memory_space<semaphore_mem>>) src(%dma_wait3A_1547 : memref<128xf32, #tpu.memory_space<vmem>>) dst(%dma_wait3A_1552 : memref<102400xf32, #tpu.memory_space<vmem_shared>>)
      tpu.yield
    }) : () -> ()
    %run_scoped3A_1529 = arith.constant 12 : i32
    %run_scoped3A_1530 = arith.constant 12 : i32
    "tpu.region"() ({
      %run_scoped3A_1536 = tpu.sem_alloc : memref<!tpu.dma_semaphore, #tpu.memory_space<semaphore_mem>>
      %dma_start3A_1537 = arith.constant 0 : i32
      %dma_start3A_1538 = tpu.memref_slice %arg14[%run_scoped3A_1529, %dma_start3A_1537] : memref<13x128xf32, #tpu.memory_space<vmem>> -> memref<1x128xf32, #tpu.memory_space<vmem>>
      %dma_start3A_1539 = tpu.memref_squeeze %dma_start3A_1538 : memref<1x128xf32, #tpu.memory_space<vmem>> -> memref<128xf32, #tpu.memory_space<vmem>>
      %dma_start3A_1540 = arith.constant 0 : i32
      %dma_start3A_1541 = tpu.memref_slice %arg12[%run_scoped3A_1530, %dma_start3A_1540] : memref<13x128xi32, #tpu.memory_space<vmem>> -> memref<1x128xi32, #tpu.memory_space<vmem>>
      %dma_start3A_1542 = tpu.memref_squeeze %dma_start3A_1541 : memref<1x128xi32, #tpu.memory_space<vmem>> -> memref<128xi32, #tpu.memory_space<vmem>>
      %dma_start3A_1543 = arith.constant 0 : i32
      %dma_start3A_1544 = tpu.memref_slice %arg16[%dma_start3A_1543] : memref<102400xf32, #tpu.memory_space<vmem_shared>> -> memref<102400xf32, #tpu.memory_space<vmem_shared>>
      tpu.enqueue_indirect_dma source(%dma_start3A_1539 : memref<128xf32, #tpu.memory_space<vmem>>) target(%dma_start3A_1544 : memref<102400xf32, #tpu.memory_space<vmem_shared>>) offsets(%dma_start3A_1542 : memref<128xi32, #tpu.memory_space<vmem>>) semaphore(%run_scoped3A_1536 : memref<!tpu.dma_semaphore, #tpu.memory_space<semaphore_mem>>) {add = true}
      %dma_wait3A_1545 = arith.constant 0 : i32
      %dma_wait3A_1546 = tpu.memref_slice %arg14[%run_scoped3A_1529, %dma_wait3A_1545] : memref<13x128xf32, #tpu.memory_space<vmem>> -> memref<1x128xf32, #tpu.memory_space<vmem>>
      %dma_wait3A_1547 = tpu.memref_squeeze %dma_wait3A_1546 : memref<1x128xf32, #tpu.memory_space<vmem>> -> memref<128xf32, #tpu.memory_space<vmem>>
      %dma_wait3A_1548 = arith.constant 0 : i32
      %dma_wait3A_1549 = tpu.memref_slice %arg12[%run_scoped3A_1530, %dma_wait3A_1548] : memref<13x128xi32, #tpu.memory_space<vmem>> -> memref<1x128xi32, #tpu.memory_space<vmem>>
      %dma_wait3A_1550 = tpu.memref_squeeze %dma_wait3A_1549 : memref<1x128xi32, #tpu.memory_space<vmem>> -> memref<128xi32, #tpu.memory_space<vmem>>
      %dma_wait3A_1551 = arith.constant 0 : i32
      %dma_wait3A_1552 = tpu.memref_slice %arg16[%dma_wait3A_1551] : memref<102400xf32, #tpu.memory_space<vmem_shared>> -> memref<102400xf32, #tpu.memory_space<vmem_shared>>
      tpu.wait_indirect_dma semaphore(%run_scoped3A_1536 : memref<!tpu.dma_semaphore, #tpu.memory_space<semaphore_mem>>) src(%dma_wait3A_1547 : memref<128xf32, #tpu.memory_space<vmem>>) dst(%dma_wait3A_1552 : memref<102400xf32, #tpu.memory_space<vmem_shared>>)
      tpu.yield
    }) : () -> ()
    %barrier3A_1531 = arith.constant 0 : index
    tpu.barrier barrier_id(%barrier3A_1531)
    "tpu.trace_stop"() : () -> ()
    "tpu.trace_start"() <{level = 10 : i32, message = "kv_w_out"}> : () -> ()
    %mul3A_1532 = arith.constant 6400 : i32
    %mul3A_1533 = arith.muli %arg1, %mul3A_1532 : i32
    %mul3A_1534 = arith.constant 6400 : i32
    %mul3A_1535 = arith.muli %arg1, %mul3A_1534 : i32
    "tpu.region"() ({
      %run_scoped3A_1536 = tpu.sem_alloc : memref<!tpu.dma_semaphore, #tpu.memory_space<semaphore_mem>>
      %dma_start3A_1537 = tpu.memref_slice %arg8[%arg0, %mul3A_1535] : memref<2x102400xf32, #tpu.memory_space<hbm>> -> memref<1x6400xf32, #tpu.memory_space<hbm>>
      %dma_start3A_1538 = tpu.memref_squeeze %dma_start3A_1537 : memref<1x6400xf32, #tpu.memory_space<hbm>> -> memref<6400xf32, #tpu.memory_space<hbm>>
      %dma_start3A_1539 = tpu.memref_slice %arg16[%mul3A_1533] : memref<102400xf32, #tpu.memory_space<vmem_shared>> -> memref<6400xf32, #tpu.memory_space<vmem_shared>>
      tpu.enqueue_dma source(%dma_start3A_1539 : memref<6400xf32, #tpu.memory_space<vmem_shared>>) target(%dma_start3A_1538 : memref<6400xf32, #tpu.memory_space<hbm>>) target_semaphore(%run_scoped3A_1536 : memref<!tpu.dma_semaphore, #tpu.memory_space<semaphore_mem>>)
      %dma_wait3A_1540 = tpu.memref_slice %arg8[%arg0, %mul3A_1535] : memref<2x102400xf32, #tpu.memory_space<hbm>> -> memref<1x6400xf32, #tpu.memory_space<hbm>>
      %dma_wait3A_1541 = tpu.memref_squeeze %dma_wait3A_1540 : memref<1x6400xf32, #tpu.memory_space<hbm>> -> memref<6400xf32, #tpu.memory_space<hbm>>
      %dma_wait3A_1542 = tpu.memref_slice %arg16[%mul3A_1533] : memref<102400xf32, #tpu.memory_space<vmem_shared>> -> memref<6400xf32, #tpu.memory_space<vmem_shared>>
      tpu.wait_dma2 semaphore(%run_scoped3A_1536 : memref<!tpu.dma_semaphore, #tpu.memory_space<semaphore_mem>>) src(%dma_wait3A_1542 : memref<6400xf32, #tpu.memory_space<vmem_shared>>) dst(%dma_wait3A_1541 : memref<6400xf32, #tpu.memory_space<hbm>>)
      tpu.yield
    }) : () -> ()
    "tpu.trace_stop"() : () -> ()
    return
  }
}

#map = affine_map<(d0, d1) -> (0, 0)>
#map1 = affine_map<(d0, d1) -> (0)>
module attributes {stable_mosaic.version = 14 : i64} {
  func.func @_pool_small_sc(%arg0: i32, %arg1: i32, %arg2: memref<100000x128xf32, #tpu.memory_space<hbm>>, %arg3: memref<2048xi32, #tpu.memory_space<hbm>>, %arg4: memref<32x128xf32, #tpu.memory_space<hbm>>, %arg5: memref<56xi32, #tpu.memory_space<vmem>>, %arg6: memref<56x128xf32, #tpu.memory_space<vmem>>, %arg7: memref<1x128xf32, #tpu.memory_space<vmem>>, %arg8: memref<!tpu.dma_semaphore, #tpu.memory_space<semaphore_mem>>) attributes {dimension_semantics = [#tpu.dimension_semantics<core_parallel>, #tpu.dimension_semantics<subcore_parallel>], iteration_bounds = array<i64: 2, 16>, scalar_prefetch = 0 : i64, scratch_operands = 4 : i64, tpu.core_type = #tpu.core_type<sc_vector_subcore>, window_params = [{transform_indices = #map}, {transform_indices = #map1}, {transform_indices = #map}]} {
    %mul3A = arith.constant 2 : i32
    %mul3A_0 = arith.muli %arg1, %mul3A : i32
    %add3A = arith.addi %mul3A_0, %arg0 : i32
    %mul3A_1 = arith.constant 64 : i32
    %mul3A_2 = arith.muli %add3A, %mul3A_1 : i32
    "tpu.region"() ({
      %run_scoped3A = tpu.sem_alloc : memref<!tpu.dma_semaphore, #tpu.memory_space<semaphore_mem>>
      %dma_start3A_82 = tpu.memref_slice %arg3[%mul3A_2] : memref<2048xi32, #tpu.memory_space<hbm>> -> memref<56xi32, #tpu.memory_space<hbm>>
      %dma_start3A_83 = tpu.memref_slice %arg3[%mul3A_2] : memref<2048xi32, #tpu.memory_space<hbm>> -> memref<56xi32, #tpu.memory_space<hbm>>
      tpu.enqueue_dma source(%dma_start3A_83 : memref<56xi32, #tpu.memory_space<hbm>>) target(%arg5 : memref<56xi32, #tpu.memory_space<vmem>>) target_semaphore(%run_scoped3A : memref<!tpu.dma_semaphore, #tpu.memory_space<semaphore_mem>>)
      %dma_wait3A_84 = tpu.memref_slice %arg3[%mul3A_2] : memref<2048xi32, #tpu.memory_space<hbm>> -> memref<56xi32, #tpu.memory_space<hbm>>
      %dma_wait3A_85 = tpu.memref_slice %arg3[%mul3A_2] : memref<2048xi32, #tpu.memory_space<hbm>> -> memref<56xi32, #tpu.memory_space<hbm>>
      tpu.wait_dma2 semaphore(%run_scoped3A : memref<!tpu.dma_semaphore, #tpu.memory_space<semaphore_mem>>) src(%dma_wait3A_85 : memref<56xi32, #tpu.memory_space<hbm>>) dst(%arg5 : memref<56xi32, #tpu.memory_space<vmem>>)
      tpu.yield
    }) : () -> ()
    %dma_start3A = arith.constant 0 : i32
    %dma_start3A_3 = arith.constant 0 : i32
    %dma_start3A_4 = tpu.memref_slice %arg2[%dma_start3A, %dma_start3A_3] : memref<100000x128xf32, #tpu.memory_space<hbm>> -> memref<100000x128xf32, #tpu.memory_space<hbm>>
    tpu.enqueue_indirect_dma source(%dma_start3A_4 : memref<100000x128xf32, #tpu.memory_space<hbm>>) target(%arg6 : memref<56x128xf32, #tpu.memory_space<vmem>>) offsets(%arg5 : memref<56xi32, #tpu.memory_space<vmem>>) semaphore(%arg8 : memref<!tpu.dma_semaphore, #tpu.memory_space<semaphore_mem>>)
    %dma_wait3A = arith.constant 0 : i32
    %dma_wait3A_5 = arith.constant 0 : i32
    %dma_wait3A_6 = tpu.memref_slice %arg2[%dma_wait3A, %dma_wait3A_5] : memref<100000x128xf32, #tpu.memory_space<hbm>> -> memref<100000x128xf32, #tpu.memory_space<hbm>>
    tpu.wait_indirect_dma semaphore(%arg8 : memref<!tpu.dma_semaphore, #tpu.memory_space<semaphore_mem>>) src(%dma_wait3A_6 : memref<100000x128xf32, #tpu.memory_space<hbm>>) dst(%arg6 : memref<56x128xf32, #tpu.memory_space<vmem>>)
    %broadcast_in_dim3A = arith.constant 0.000000e+00 : f32
    %broadcast_in_dim3A_7 = vector.broadcast %broadcast_in_dim3A : f32 to vector<16xf32>
    %broadcast_in_dim3A_8 = arith.constant 0.000000e+00 : f32
    %broadcast_in_dim3A_9 = vector.broadcast %broadcast_in_dim3A_8 : f32 to vector<16xf32>
    %broadcast_in_dim3A_10 = arith.constant 0.000000e+00 : f32
    %broadcast_in_dim3A_11 = vector.broadcast %broadcast_in_dim3A_10 : f32 to vector<16xf32>
    %broadcast_in_dim3A_12 = arith.constant 0.000000e+00 : f32
    %broadcast_in_dim3A_13 = vector.broadcast %broadcast_in_dim3A_12 : f32 to vector<16xf32>
    %broadcast_in_dim3A_14 = arith.constant 0.000000e+00 : f32
    %broadcast_in_dim3A_15 = vector.broadcast %broadcast_in_dim3A_14 : f32 to vector<16xf32>
    %broadcast_in_dim3A_16 = arith.constant 0.000000e+00 : f32
    %broadcast_in_dim3A_17 = vector.broadcast %broadcast_in_dim3A_16 : f32 to vector<16xf32>
    %broadcast_in_dim3A_18 = arith.constant 0.000000e+00 : f32
    %broadcast_in_dim3A_19 = vector.broadcast %broadcast_in_dim3A_18 : f32 to vector<16xf32>
    %broadcast_in_dim3A_20 = arith.constant 0.000000e+00 : f32
    %broadcast_in_dim3A_21 = vector.broadcast %broadcast_in_dim3A_20 : f32 to vector<16xf32>
    %scan3A = arith.constant 0 : i32
    %scan3A_22 = arith.constant 50 : i32
    %scan3A_23 = arith.addi %scan3A, %scan3A_22 : i32
    %scan3A_24 = arith.constant 1 : i32
    %scan3A_25:8 = scf.for %scan3A_82 = %scan3A to %scan3A_23 step %scan3A_24 iter_args(%scan3A_83 = %broadcast_in_dim3A_7, %scan3A_84 = %broadcast_in_dim3A_9, %scan3A_85 = %broadcast_in_dim3A_11, %scan3A_86 = %broadcast_in_dim3A_13, %scan3A_87 = %broadcast_in_dim3A_15, %scan3A_88 = %broadcast_in_dim3A_17, %scan3A_89 = %broadcast_in_dim3A_19, %scan3A_90 = %broadcast_in_dim3A_21) -> (vector<16xf32>, vector<16xf32>, vector<16xf32>, vector<16xf32>, vector<16xf32>, vector<16xf32>, vector<16xf32>, vector<16xf32>)  : i32 {
      %get3A = arith.index_cast %scan3A_82 : i32 to index
      %get3A_91 = arith.constant 0 : index
      %get3A_92 = tpu.vector_load %arg6[%get3A, %get3A_91] {strides = array<i32>} : memref<56x128xf32, #tpu.memory_space<vmem>>, vector<16xf32>,
      %add3A_93 = arith.addf %scan3A_83, %get3A_92 : vector<16xf32>
      %get3A_94 = arith.index_cast %scan3A_82 : i32 to index
      %get3A_95 = arith.constant 16 : index
      %get3A_96 = tpu.vector_load %arg6[%get3A_94, %get3A_95] {strides = array<i32>} : memref<56x128xf32, #tpu.memory_space<vmem>>, vector<16xf32>,
      %add3A_97 = arith.addf %scan3A_84, %get3A_96 : vector<16xf32>
      %get3A_98 = arith.index_cast %scan3A_82 : i32 to index
      %get3A_99 = arith.constant 32 : index
      %get3A_100 = tpu.vector_load %arg6[%get3A_98, %get3A_99] {strides = array<i32>} : memref<56x128xf32, #tpu.memory_space<vmem>>, vector<16xf32>,
      %add3A_101 = arith.addf %scan3A_85, %get3A_100 : vector<16xf32>
      %get3A_102 = arith.index_cast %scan3A_82 : i32 to index
      %get3A_103 = arith.constant 48 : index
      %get3A_104 = tpu.vector_load %arg6[%get3A_102, %get3A_103] {strides = array<i32>} : memref<56x128xf32, #tpu.memory_space<vmem>>, vector<16xf32>,
      %add3A_105 = arith.addf %scan3A_86, %get3A_104 : vector<16xf32>
      %get3A_106 = arith.index_cast %scan3A_82 : i32 to index
      %get3A_107 = arith.constant 64 : index
      %get3A_108 = tpu.vector_load %arg6[%get3A_106, %get3A_107] {strides = array<i32>} : memref<56x128xf32, #tpu.memory_space<vmem>>, vector<16xf32>,
      %add3A_109 = arith.addf %scan3A_87, %get3A_108 : vector<16xf32>
      %get3A_110 = arith.index_cast %scan3A_82 : i32 to index
      %get3A_111 = arith.constant 80 : index
      %get3A_112 = tpu.vector_load %arg6[%get3A_110, %get3A_111] {strides = array<i32>} : memref<56x128xf32, #tpu.memory_space<vmem>>, vector<16xf32>,
      %add3A_113 = arith.addf %scan3A_88, %get3A_112 : vector<16xf32>
      %get3A_114 = arith.index_cast %scan3A_82 : i32 to index
      %get3A_115 = arith.constant 96 : index
      %get3A_116 = tpu.vector_load %arg6[%get3A_114, %get3A_115] {strides = array<i32>} : memref<56x128xf32, #tpu.memory_space<vmem>>, vector<16xf32>,
      %add3A_117 = arith.addf %scan3A_89, %get3A_116 : vector<16xf32>
      %get3A_118 = arith.index_cast %scan3A_82 : i32 to index
      %get3A_119 = arith.constant 112 : index
      %get3A_120 = tpu.vector_load %arg6[%get3A_118, %get3A_119] {strides = array<i32>} : memref<56x128xf32, #tpu.memory_space<vmem>>, vector<16xf32>,
      %add3A_121 = arith.addf %scan3A_90, %get3A_120 : vector<16xf32>
      scf.yield %add3A_93, %add3A_97, %add3A_101, %add3A_105, %add3A_109, %add3A_113, %add3A_117, %add3A_121 : vector<16xf32>, vector<16xf32>, vector<16xf32>, vector<16xf32>, vector<16xf32>, vector<16xf32>, vector<16xf32>, vector<16xf32>
    }
    %scan3A_26 = arith.constant 50 : i32
    %mul3A_27 = arith.constant 2.000000e-02 : f32
    %mul3A_28 = vector.broadcast %mul3A_27 : f32 to vector<16xf32>
    %mul3A_29 = arith.mulf %scan3A_25#0, %mul3A_28 : vector<16xf32>
    %swap3A = arith.constant 0 : i32
    %swap3A_30 = arith.index_cast %swap3A : i32 to index
    %swap3A_31 = arith.constant 0 : index
    %swap3A_32 = tpu.vector_load %arg7[%swap3A_30, %swap3A_31] {strides = array<i32>} : memref<1x128xf32, #tpu.memory_space<vmem>>, vector<16xf32>,
    tpu.vector_store %arg7[%swap3A_30, %swap3A_31], %mul3A_29 {strides = array<i32>} : memref<1x128xf32, #tpu.memory_space<vmem>>, vector<16xf32>,
    %mul3A_33 = arith.constant 2.000000e-02 : f32
    %mul3A_34 = vector.broadcast %mul3A_33 : f32 to vector<16xf32>
    %mul3A_35 = arith.mulf %scan3A_25#1, %mul3A_34 : vector<16xf32>
    %swap3A_36 = arith.constant 0 : i32
    %swap3A_37 = arith.index_cast %swap3A_36 : i32 to index
    %swap3A_38 = arith.constant 16 : index
    %swap3A_39 = tpu.vector_load %arg7[%swap3A_37, %swap3A_38] {strides = array<i32>} : memref<1x128xf32, #tpu.memory_space<vmem>>, vector<16xf32>,
    tpu.vector_store %arg7[%swap3A_37, %swap3A_38], %mul3A_35 {strides = array<i32>} : memref<1x128xf32, #tpu.memory_space<vmem>>, vector<16xf32>,
    %mul3A_40 = arith.constant 2.000000e-02 : f32
    %mul3A_41 = vector.broadcast %mul3A_40 : f32 to vector<16xf32>
    %mul3A_42 = arith.mulf %scan3A_25#2, %mul3A_41 : vector<16xf32>
    %swap3A_43 = arith.constant 0 : i32
    %swap3A_44 = arith.index_cast %swap3A_43 : i32 to index
    %swap3A_45 = arith.constant 32 : index
    %swap3A_46 = tpu.vector_load %arg7[%swap3A_44, %swap3A_45] {strides = array<i32>} : memref<1x128xf32, #tpu.memory_space<vmem>>, vector<16xf32>,
    tpu.vector_store %arg7[%swap3A_44, %swap3A_45], %mul3A_42 {strides = array<i32>} : memref<1x128xf32, #tpu.memory_space<vmem>>, vector<16xf32>,
    %mul3A_47 = arith.constant 2.000000e-02 : f32
    %mul3A_48 = vector.broadcast %mul3A_47 : f32 to vector<16xf32>
    %mul3A_49 = arith.mulf %scan3A_25#3, %mul3A_48 : vector<16xf32>
    %swap3A_50 = arith.constant 0 : i32
    %swap3A_51 = arith.index_cast %swap3A_50 : i32 to index
    %swap3A_52 = arith.constant 48 : index
    %swap3A_53 = tpu.vector_load %arg7[%swap3A_51, %swap3A_52] {strides = array<i32>} : memref<1x128xf32, #tpu.memory_space<vmem>>, vector<16xf32>,
    tpu.vector_store %arg7[%swap3A_51, %swap3A_52], %mul3A_49 {strides = array<i32>} : memref<1x128xf32, #tpu.memory_space<vmem>>, vector<16xf32>,
    %mul3A_54 = arith.constant 2.000000e-02 : f32
    %mul3A_55 = vector.broadcast %mul3A_54 : f32 to vector<16xf32>
    %mul3A_56 = arith.mulf %scan3A_25#4, %mul3A_55 : vector<16xf32>
    %swap3A_57 = arith.constant 0 : i32
    %swap3A_58 = arith.index_cast %swap3A_57 : i32 to index
    %swap3A_59 = arith.constant 64 : index
    %swap3A_60 = tpu.vector_load %arg7[%swap3A_58, %swap3A_59] {strides = array<i32>} : memref<1x128xf32, #tpu.memory_space<vmem>>, vector<16xf32>,
    tpu.vector_store %arg7[%swap3A_58, %swap3A_59], %mul3A_56 {strides = array<i32>} : memref<1x128xf32, #tpu.memory_space<vmem>>, vector<16xf32>,
    %mul3A_61 = arith.constant 2.000000e-02 : f32
    %mul3A_62 = vector.broadcast %mul3A_61 : f32 to vector<16xf32>
    %mul3A_63 = arith.mulf %scan3A_25#5, %mul3A_62 : vector<16xf32>
    %swap3A_64 = arith.constant 0 : i32
    %swap3A_65 = arith.index_cast %swap3A_64 : i32 to index
    %swap3A_66 = arith.constant 80 : index
    %swap3A_67 = tpu.vector_load %arg7[%swap3A_65, %swap3A_66] {strides = array<i32>} : memref<1x128xf32, #tpu.memory_space<vmem>>, vector<16xf32>,
    tpu.vector_store %arg7[%swap3A_65, %swap3A_66], %mul3A_63 {strides = array<i32>} : memref<1x128xf32, #tpu.memory_space<vmem>>, vector<16xf32>,
    %mul3A_68 = arith.constant 2.000000e-02 : f32
    %mul3A_69 = vector.broadcast %mul3A_68 : f32 to vector<16xf32>
    %mul3A_70 = arith.mulf %scan3A_25#6, %mul3A_69 : vector<16xf32>
    %swap3A_71 = arith.constant 0 : i32
    %swap3A_72 = arith.index_cast %swap3A_71 : i32 to index
    %swap3A_73 = arith.constant 96 : index
    %swap3A_74 = tpu.vector_load %arg7[%swap3A_72, %swap3A_73] {strides = array<i32>} : memref<1x128xf32, #tpu.memory_space<vmem>>, vector<16xf32>,
    tpu.vector_store %arg7[%swap3A_72, %swap3A_73], %mul3A_70 {strides = array<i32>} : memref<1x128xf32, #tpu.memory_space<vmem>>, vector<16xf32>,
    %mul3A_75 = arith.constant 2.000000e-02 : f32
    %mul3A_76 = vector.broadcast %mul3A_75 : f32 to vector<16xf32>
    %mul3A_77 = arith.mulf %scan3A_25#7, %mul3A_76 : vector<16xf32>
    %swap3A_78 = arith.constant 0 : i32
    %swap3A_79 = arith.index_cast %swap3A_78 : i32 to index
    %swap3A_80 = arith.constant 112 : index
    %swap3A_81 = tpu.vector_load %arg7[%swap3A_79, %swap3A_80] {strides = array<i32>} : memref<1x128xf32, #tpu.memory_space<vmem>>, vector<16xf32>,
    tpu.vector_store %arg7[%swap3A_79, %swap3A_80], %mul3A_77 {strides = array<i32>} : memref<1x128xf32, #tpu.memory_space<vmem>>, vector<16xf32>,
    "tpu.region"() ({
      %run_scoped3A = tpu.sem_alloc : memref<!tpu.dma_semaphore, #tpu.memory_space<semaphore_mem>>
      %dma_start3A_82 = arith.constant 0 : i32
      %dma_start3A_83 = tpu.memref_slice %arg4[%add3A, %dma_start3A_82] : memref<32x128xf32, #tpu.memory_space<hbm>> -> memref<1x128xf32, #tpu.memory_space<hbm>>
      %dma_start3A_84 = arith.constant 0 : i32
      %dma_start3A_85 = tpu.memref_slice %arg4[%add3A, %dma_start3A_84] : memref<32x128xf32, #tpu.memory_space<hbm>> -> memref<1x128xf32, #tpu.memory_space<hbm>>
      tpu.enqueue_dma source(%arg7 : memref<1x128xf32, #tpu.memory_space<vmem>>) target(%dma_start3A_85 : memref<1x128xf32, #tpu.memory_space<hbm>>) target_semaphore(%run_scoped3A : memref<!tpu.dma_semaphore, #tpu.memory_space<semaphore_mem>>)
      %dma_wait3A_86 = arith.constant 0 : i32
      %dma_wait3A_87 = tpu.memref_slice %arg4[%add3A, %dma_wait3A_86] : memref<32x128xf32, #tpu.memory_space<hbm>> -> memref<1x128xf32, #tpu.memory_space<hbm>>
      %dma_wait3A_88 = arith.constant 0 : i32
      %dma_wait3A_89 = tpu.memref_slice %arg4[%add3A, %dma_wait3A_88] : memref<32x128xf32, #tpu.memory_space<hbm>> -> memref<1x128xf32, #tpu.memory_space<hbm>>
      tpu.wait_dma2 semaphore(%run_scoped3A : memref<!tpu.dma_semaphore, #tpu.memory_space<semaphore_mem>>) src(%arg7 : memref<1x128xf32, #tpu.memory_space<vmem>>) dst(%dma_wait3A_89 : memref<1x128xf32, #tpu.memory_space<hbm>>)
      tpu.yield
    }) : () -> ()
    return
  }
}

module attributes {stable_mosaic.version = 14 : i64} {
  func.func @_table_tc(%arg0: i32, %arg1: memref<32x128xf32, #tpu.memory_space<vmem>>, %arg2: memref<128x128xf32, #tpu.memory_space<vmem>>, %arg3: memref<4096x128xf32, #tpu.memory_space<vmem>>, %arg4: memref<24x4096xbf16, #tpu.memory_space<vmem>>, %arg5: memref<24x128xf32, #tpu.memory_space<vmem>>) attributes {dimension_semantics = [#tpu.dimension_semantics<arbitrary>], iteration_bounds = array<i64: 25>, scalar_prefetch = 0 : i64, scratch_operands = 1 : i64, tpu.core_type = #tpu.core_type<tc>, window_params = [{pipeline_mode = #tpu.pipeline_mode<synchronous>, transform_indices = @transform_0, window_bounds = array<i64: 32, 128>}, {pipeline_mode = #tpu.pipeline_mode<synchronous>, transform_indices = @transform_1, window_bounds = array<i64: 128, 128>}, {transform_indices = @transform_2, window_bounds = array<i64: 4096, 128>}, {transform_indices = @transform_3, window_bounds = array<i64: 24, 4096>}]} {
    %eq3A = arith.constant 0 : i32
    %eq3A_0 = arith.cmpi eq, %arg0, %eq3A : i32
    %convert_element_type3A = arith.extui %eq3A_0 : i1 to i32
    %cond3A = arith.constant 0 : i32
    %cond3A_1 = arith.cmpi ne, %convert_element_type3A, %cond3A : i32
    scf.if %cond3A_1 {
      %get3A_11 = arith.constant 0 : index
      %get3A_12 = arith.constant 0 : index
      %get3A_13 = vector.load %arg1[%get3A_11, %get3A_12] : memref<32x128xf32, #tpu.memory_space<vmem>>, vector<32x128xf32>
      %get3A_14 = arith.constant 0 : index
      %get3A_15 = arith.constant 0 : index
      %get3A_16 = vector.load %arg2[%get3A_14, %get3A_15] : memref<128x128xf32, #tpu.memory_space<vmem>>, vector<128x128xf32>
      %slice3A = vector.extract_strided_slice %get3A_13 {offsets = [0, 0], sizes = [20, 128], strides = [1, 1]} : vector<32x128xf32> to vector<20x128xf32>
      %slice3A_17 = vector.extract_strided_slice %get3A_13 {offsets = [20, 0], sizes = [5, 128], strides = [1, 1]} : vector<32x128xf32> to vector<5x128xf32>
      %slice3A_18 = vector.extract_strided_slice %get3A_13 {offsets = [25, 0], sizes = [1, 128], strides = [1, 1]} : vector<32x128xf32> to vector<1x128xf32>
      %mul3A = vector.broadcast %slice3A_18 : vector<1x128xf32> to vector<5x128xf32>
      %mul3A_19 = arith.mulf %mul3A, %slice3A_17 : vector<5x128xf32>
      %reduce_sum3A = arith.constant dense<0.000000e+00> : vector<5xf32>
      %reduce_sum3A_20 = vector.multi_reduction <add>, %mul3A_19, %reduce_sum3A [1] : vector<5x128xf32> to vector<5xf32>
      %broadcast_in_dim3A = vector.shape_cast %reduce_sum3A_20 : vector<5xf32> to vector<5x1xf32>
      %mul3A_21 = arith.mulf %slice3A_18, %slice3A_18 : vector<1x128xf32>
      %reduce_sum3A_22 = arith.constant dense<0.000000e+00> : vector<1xf32>
      %reduce_sum3A_23 = vector.multi_reduction <add>, %mul3A_21, %reduce_sum3A_22 [1] : vector<1x128xf32> to vector<1xf32>
      %broadcast_in_dim3A_24 = vector.shape_cast %reduce_sum3A_23 : vector<1xf32> to vector<1x1xf32>
      %sqrt3A = math.sqrt %broadcast_in_dim3A_24 : vector<1x1xf32>
      %mul3A_25 = arith.mulf %slice3A_17, %slice3A_17 : vector<5x128xf32>
      %reduce_sum3A_26 = arith.constant dense<0.000000e+00> : vector<5xf32>
      %reduce_sum3A_27 = vector.multi_reduction <add>, %mul3A_25, %reduce_sum3A_26 [1] : vector<5x128xf32> to vector<5xf32>
      %broadcast_in_dim3A_28 = vector.shape_cast %reduce_sum3A_27 : vector<5xf32> to vector<5x1xf32>
      %sqrt3A_29 = math.sqrt %broadcast_in_dim3A_28 : vector<5x1xf32>
      %max3A = arith.constant 9.99999997E-7 : f32
      %max3A_30 = vector.broadcast %max3A : f32 to vector<1x1xf32>
      %max3A_31 = arith.maximumf %sqrt3A, %max3A_30 : vector<1x1xf32>
      %max3A_32 = arith.constant 9.99999997E-7 : f32
      %max3A_33 = vector.broadcast %max3A_32 : f32 to vector<5x1xf32>
      %max3A_34 = arith.maximumf %sqrt3A_29, %max3A_33 : vector<5x1xf32>
      %mul3A_35 = vector.broadcast %max3A_31 : vector<1x1xf32> to vector<5x1xf32>
      %mul3A_36 = arith.mulf %mul3A_35, %max3A_34 : vector<5x1xf32>
      %div3A = arith.divf %broadcast_in_dim3A, %mul3A_36 : vector<5x1xf32>
      %reduce_max3A = arith.constant dense<0xFF800000> : vector<1xf32>
      %reduce_max3A_37 = vector.multi_reduction <maximumf>, %div3A, %reduce_max3A [0] : vector<5x1xf32> to vector<1xf32>
      %broadcast_in_dim3A_38 = vector.shape_cast %reduce_max3A_37 : vector<1xf32> to vector<1x1xf32>
      %sub3A = vector.broadcast %broadcast_in_dim3A_38 : vector<1x1xf32> to vector<5x1xf32>
      %sub3A_39 = arith.subf %div3A, %sub3A : vector<5x1xf32>
      %exp3A = math.exp %sub3A_39 : vector<5x1xf32>
      %reduce_sum3A_40 = arith.constant dense<0.000000e+00> : vector<1xf32>
      %reduce_sum3A_41 = vector.multi_reduction <add>, %exp3A, %reduce_sum3A_40 [0] : vector<5x1xf32> to vector<1xf32>
      %broadcast_in_dim3A_42 = vector.shape_cast %reduce_sum3A_41 : vector<1xf32> to vector<1x1xf32>
      %div3A_43 = vector.broadcast %broadcast_in_dim3A_42 : vector<1x1xf32> to vector<5x1xf32>
      %div3A_44 = arith.divf %exp3A, %div3A_43 : vector<5x1xf32>
      %transpose3A = tpu.transpose %div3A_44, [1, 0] : vector<5x1xf32> -> vector<1x5xf32>
      %dot_general3A_45 = arith.constant dense<0.000000e+00> : vector<1x128xf32>
      %dot_general3A_46 = tpu.matmul %transpose3A, %slice3A_17, %dot_general3A_45 {dimension_numbers = #tpu.dot_dimension_numbers<[1], [0], [0], [1], [0, 0, 1, 1], [], []>, transpose_lhs_hint = false} : vector<1x5xf32>, vector<5x128xf32>, vector<1x128xf32> -> vector<1x128xf32>
      %transpose3A_47 = tpu.transpose %get3A_16, [1, 0] : vector<128x128xf32> -> vector<128x128xf32>
      %dot_general3A_48 = arith.constant dense<0.000000e+00> : vector<1x128xf32>
      %dot_general3A_49 = tpu.matmul %dot_general3A_46, %transpose3A_47, %dot_general3A_48 {dimension_numbers = #tpu.dot_dimension_numbers<[1], [0], [0], [1], [0, 0, 1, 1], [], []>, transpose_lhs_hint = false} : vector<1x128xf32>, vector<128x128xf32>, vector<1x128xf32> -> vector<1x128xf32>
      %dot_general3A_50 = arith.constant dense<0.000000e+00> : vector<20x128xf32>
      %dot_general3A_51 = tpu.matmul %slice3A, %get3A_16, %dot_general3A_50 {dimension_numbers = #tpu.dot_dimension_numbers<[1], [0], [0], [1], [0, 0, 1, 1], [], []>, transpose_lhs_hint = false} : vector<20x128xf32>, vector<128x128xf32>, vector<20x128xf32> -> vector<20x128xf32>
      %swap3A_52 = arith.constant 0 : index
      %swap3A_53 = arith.constant 0 : index
      %swap3A_54 = vector.load %arg5[%swap3A_52, %swap3A_53] : memref<24x128xf32, #tpu.memory_space<vmem>>, vector<1x128xf32>
      tpu.vector_store %arg5[%swap3A_52, %swap3A_53], %dot_general3A_49 {strides = array<i32>} : memref<24x128xf32, #tpu.memory_space<vmem>>, vector<1x128xf32>,
      %swap3A_55 = arith.constant 1 : index
      %swap3A_56 = arith.constant 0 : index
      %swap3A_57 = vector.load %arg5[%swap3A_55, %swap3A_56] : memref<24x128xf32, #tpu.memory_space<vmem>>, vector<20x128xf32>
      tpu.vector_store %arg5[%swap3A_55, %swap3A_56], %dot_general3A_51 {strides = array<i32>} : memref<24x128xf32, #tpu.memory_space<vmem>>, vector<20x128xf32>,
      %broadcast_in_dim3A_58 = arith.constant 0.000000e+00 : f32
      %broadcast_in_dim3A_59 = vector.broadcast %broadcast_in_dim3A_58 : f32 to vector<3x128xf32>
      %swap3A_60 = arith.constant 21 : index
      %swap3A_61 = arith.constant 0 : index
      %swap3A_62 = vector.load %arg5[%swap3A_60, %swap3A_61] : memref<24x128xf32, #tpu.memory_space<vmem>>, vector<3x128xf32>
      tpu.vector_store %arg5[%swap3A_60, %swap3A_61], %broadcast_in_dim3A_59 {strides = array<i32>} : memref<24x128xf32, #tpu.memory_space<vmem>>, vector<3x128xf32>,
    } else {
    }
    %get3A = arith.constant 0 : index
    %get3A_2 = arith.constant 0 : index
    %get3A_3 = vector.load %arg5[%get3A, %get3A_2] : memref<24x128xf32, #tpu.memory_space<vmem>>, vector<24x128xf32>
    %get3A_4 = arith.constant 0 : index
    %get3A_5 = arith.constant 0 : index
    %get3A_6 = vector.load %arg3[%get3A_4, %get3A_5] : memref<4096x128xf32, #tpu.memory_space<vmem>>, vector<4096x128xf32>
    %dot_general3A = arith.constant dense<0.000000e+00> : vector<24x4096xf32>
    %dot_general3A_7 = tpu.matmul %get3A_3, %get3A_6, %dot_general3A {dimension_numbers = #tpu.dot_dimension_numbers<[1], [1], [0], [0], [0, 0, 1, 0], [], []>, transpose_lhs_hint = false} : vector<24x128xf32>, vector<4096x128xf32>, vector<24x4096xf32> -> vector<24x4096xf32>
    %convert_element_type3A_8 = arith.truncf %dot_general3A_7 : vector<24x4096xf32> to vector<24x4096xbf16>
    %swap3A = arith.constant 0 : index
    %swap3A_9 = arith.constant 0 : index
    %swap3A_10 = vector.load %arg4[%swap3A, %swap3A_9] : memref<24x4096xbf16, #tpu.memory_space<vmem>>, vector<24x4096xbf16>
    tpu.vector_store %arg4[%swap3A, %swap3A_9], %convert_element_type3A_8 {strides = array<i32>} : memref<24x4096xbf16, #tpu.memory_space<vmem>>, vector<24x4096xbf16>,
    return
  }
  func.func @transform_0(%arg0: i32) -> (i32, i32) {
    %c0_i32 = arith.constant 0 : i32
    %c0_i32_0 = arith.constant 0 : i32
    %c0_i32_1 = arith.constant 0 : i32
    return %c0_i32, %c0_i32_0 : i32, i32
  }
  func.func @transform_1(%arg0: i32) -> (i32, i32) {
    %c0_i32 = arith.constant 0 : i32
    %c0_i32_0 = arith.constant 0 : i32
    %c0_i32_1 = arith.constant 0 : i32
    return %c0_i32, %c0_i32_0 : i32, i32
  }
  func.func @transform_2(%arg0: i32) -> (i32, i32) {
    %c0_i32 = arith.constant 0 : i32
    %c0_i32_0 = arith.constant 0 : i32
    return %arg0, %c0_i32 : i32, i32
  }
  func.func @transform_3(%arg0: i32) -> (i32, i32) {
    %c0_i32 = arith.constant 0 : i32
    %c0_i32_0 = arith.constant 0 : i32
    return %c0_i32, %arg0 : i32, i32
  }
}

module attributes {stable_mosaic.version = 14 : i64} {
  func.func @_logits_tc(%arg0: i32, %arg1: memref<24x6400xbf16, #tpu.memory_space<vmem>>, %arg2: memref<2x6400xf32, #tpu.memory_space<vmem>>, %arg3: memref<8x128xf32, #tpu.memory_space<vmem>>, %arg4: memref<20x1xf32, #tpu.memory_space<vmem>>, %arg5: memref<24x1xf32, #tpu.memory_space<vmem>>) attributes {dimension_semantics = [#tpu.dimension_semantics<arbitrary>], iteration_bounds = array<i64: 16>, scalar_prefetch = 0 : i64, scratch_operands = 1 : i64, tpu.core_type = #tpu.core_type<tc>, window_params = [{transform_indices = @transform_0, window_bounds = array<i64: 24, 6400>}, {transform_indices = @transform_1, window_bounds = array<i64: 2, 6400>}, {pipeline_mode = #tpu.pipeline_mode<synchronous>, transform_indices = @transform_2, window_bounds = array<i64: 8, 128>}, {pipeline_mode = #tpu.pipeline_mode<synchronous>, transform_indices = @transform_3, window_bounds = array<i64: 20, 1>}]} {
    %eq3A = arith.constant 0 : i32
    %eq3A_0 = arith.cmpi eq, %arg0, %eq3A : i32
    %convert_element_type3A = arith.extui %eq3A_0 : i1 to i32
    %cond3A = arith.constant 0 : i32
    %cond3A_1 = arith.cmpi ne, %convert_element_type3A, %cond3A : i32
    scf.if %cond3A_1 {
      %broadcast_in_dim3A_30 = arith.constant 0.000000e+00 : f32
      %broadcast_in_dim3A_31 = vector.broadcast %broadcast_in_dim3A_30 : f32 to vector<24x1xf32>
      %swap3A_32 = arith.constant 0 : index
      %swap3A_33 = arith.constant 0 : index
      %swap3A_34 = vector.load %arg5[%swap3A_32, %swap3A_33] : memref<24x1xf32, #tpu.memory_space<vmem>>, vector<24x1xf32>
      tpu.vector_store %arg5[%swap3A_32, %swap3A_33], %broadcast_in_dim3A_31 {strides = array<i32>} : memref<24x1xf32, #tpu.memory_space<vmem>>, vector<24x1xf32>,
    } else {
    }
    %get3A = arith.constant 0 : index
    %get3A_2 = arith.constant 0 : index
    %get3A_3 = vector.load %arg2[%get3A, %get3A_2] : memref<2x6400xf32, #tpu.memory_space<vmem>>, vector<1x6400xf32>
    %get3A_4 = arith.constant 1 : index
    %get3A_5 = arith.constant 0 : index
    %get3A_6 = vector.load %arg2[%get3A_4, %get3A_5] : memref<2x6400xf32, #tpu.memory_space<vmem>>, vector<1x6400xf32>
    %add3A = arith.addf %get3A_3, %get3A_6 : vector<1x6400xf32>
    %mul3A = arith.constant 6400 : i32
    %mul3A_7 = arith.muli %arg0, %mul3A : i32
    %iota3A = tpu.iota {dimensions = array<i32: 1>} : vector<1x6400xi32>
    %add3A_8 = vector.broadcast %mul3A_7 : i32 to vector<1x6400xi32>
    %add3A_9 = arith.addi %add3A_8, %iota3A : vector<1x6400xi32>
    %lt3A = arith.constant 100000 : i32
    %lt3A_10 = vector.broadcast %lt3A : i32 to vector<1x6400xi32>
    %lt3A_11 = arith.cmpi slt, %add3A_9, %lt3A_10 : vector<1x6400xi32>
    %get3A_12 = arith.constant 0 : index
    %get3A_13 = arith.constant 0 : index
    %get3A_14 = vector.load %arg1[%get3A_12, %get3A_13] : memref<24x6400xbf16, #tpu.memory_space<vmem>>, vector<24x6400xbf16>
    %convert_element_type3A_15 = arith.extf %get3A_14 : vector<24x6400xbf16> to vector<24x6400xf32>
    %jit3A = arith.constant 0.000000e+00 : f32
    %broadcast_in_dim3A = vector.shape_cast %lt3A_11 : vector<1x6400xi1> to vector<1x6400xi1>
    %broadcast_in_dim3A_16 = vector.broadcast %broadcast_in_dim3A : vector<1x6400xi1> to vector<24x6400xi1>
    %broadcast_in_dim3A_17 = vector.broadcast %jit3A : f32 to vector<24x6400xf32>
    %select_n3A = arith.select %broadcast_in_dim3A_16, %convert_element_type3A_15, %broadcast_in_dim3A_17 : vector<24x6400xi1>, vector<24x6400xf32>
    %get3A_18 = arith.constant 0 : index
    %get3A_19 = arith.constant 0 : index
    %get3A_20 = vector.load %arg5[%get3A_18, %get3A_19] : memref<24x1xf32, #tpu.memory_space<vmem>>, vector<24x1xf32>
    %dot_general3A = arith.constant dense<0.000000e+00> : vector<24x1xf32>
    %dot_general3A_21 = tpu.matmul %select_n3A, %add3A, %dot_general3A {dimension_numbers = #tpu.dot_dimension_numbers<[1], [1], [0], [0], [0, 0, 1, 0], [], []>, transpose_lhs_hint = false} : vector<24x6400xf32>, vector<1x6400xf32>, vector<24x1xf32> -> vector<24x1xf32>
    %add3A_22 = arith.addf %get3A_20, %dot_general3A_21 : vector<24x1xf32>
    %swap3A = arith.constant 0 : index
    %swap3A_23 = arith.constant 0 : index
    %swap3A_24 = vector.load %arg5[%swap3A, %swap3A_23] : memref<24x1xf32, #tpu.memory_space<vmem>>, vector<24x1xf32>
    tpu.vector_store %arg5[%swap3A, %swap3A_23], %add3A_22 {strides = array<i32>} : memref<24x1xf32, #tpu.memory_space<vmem>>, vector<24x1xf32>,
    %eq3A_25 = arith.constant 15 : i32
    %eq3A_26 = arith.cmpi eq, %arg0, %eq3A_25 : i32
    %convert_element_type3A_27 = arith.extui %eq3A_26 : i1 to i32
    %cond3A_28 = arith.constant 0 : i32
    %cond3A_29 = arith.cmpi ne, %convert_element_type3A_27, %cond3A_28 : i32
    scf.if %cond3A_29 {
      %get3A_30 = arith.constant 0 : index
      %get3A_31 = arith.constant 0 : index
      %get3A_32 = vector.load %arg3[%get3A_30, %get3A_31] : memref<8x128xf32, #tpu.memory_space<vmem>>, vector<8x128xf32>
      %reduce_sum3A = vector.shape_cast %get3A_32 : vector<8x128xf32> to vector<1x8x128xf32>
      %reduce_sum3A_33 = arith.constant dense<0.000000e+00> : vector<1xf32>
      %reduce_sum3A_34 = vector.multi_reduction <add>, %reduce_sum3A, %reduce_sum3A_33 [1, 2] : vector<1x8x128xf32> to vector<1xf32>
      %reduce_sum3A_35 = vector.shape_cast %reduce_sum3A_34 : vector<1xf32> to vector<1x1x1xf32>
      %reduce_sum3A_36 = vector.extract %reduce_sum3A_35[0, 0, 0] : f32 from vector<1x1x1xf32>
      %get3A_37 = arith.constant 1 : index
      %get3A_38 = arith.constant 0 : index
      %get3A_39 = vector.load %arg5[%get3A_37, %get3A_38] : memref<24x1xf32, #tpu.memory_space<vmem>>, vector<20x1xf32>
      %mul3A_40 = arith.constant 5.000000e+01 : f32
      %mul3A_41 = arith.mulf %mul3A_40, %reduce_sum3A_36 : f32
      %div3A = arith.constant 1.000000e+00 : f32
      %div3A_42 = arith.divf %div3A, %mul3A_41 : f32
      %mul3A_43 = vector.broadcast %div3A_42 : f32 to vector<20x1xf32>
      %mul3A_44 = arith.mulf %get3A_39, %mul3A_43 : vector<20x1xf32>
      %reduce_max3A = arith.constant dense<0xFF800000> : vector<1xf32>
      %reduce_max3A_45 = vector.multi_reduction <maximumf>, %mul3A_44, %reduce_max3A [0] : vector<20x1xf32> to vector<1xf32>
      %broadcast_in_dim3A_46 = vector.shape_cast %reduce_max3A_45 : vector<1xf32> to vector<1x1xf32>
      %sub3A = vector.broadcast %broadcast_in_dim3A_46 : vector<1x1xf32> to vector<20x1xf32>
      %sub3A_47 = arith.subf %mul3A_44, %sub3A : vector<20x1xf32>
      %exp3A = math.exp %sub3A_47 : vector<20x1xf32>
      %reduce_sum3A_48 = arith.constant dense<0.000000e+00> : vector<1xf32>
      %reduce_sum3A_49 = vector.multi_reduction <add>, %exp3A, %reduce_sum3A_48 [0] : vector<20x1xf32> to vector<1xf32>
      %broadcast_in_dim3A_50 = vector.shape_cast %reduce_sum3A_49 : vector<1xf32> to vector<1x1xf32>
      %div3A_51 = vector.broadcast %broadcast_in_dim3A_50 : vector<1x1xf32> to vector<20x1xf32>
      %div3A_52 = arith.divf %exp3A, %div3A_51 : vector<20x1xf32>
      %swap3A_53 = arith.constant 0 : index
      %swap3A_54 = arith.constant 0 : index
      %swap3A_55 = vector.load %arg4[%swap3A_53, %swap3A_54] : memref<20x1xf32, #tpu.memory_space<vmem>>, vector<20x1xf32>
      tpu.vector_store %arg4[%swap3A_53, %swap3A_54], %div3A_52 {strides = array<i32>} : memref<20x1xf32, #tpu.memory_space<vmem>>, vector<20x1xf32>,
    } else {
    }
    return
  }
  func.func @transform_0(%arg0: i32) -> (i32, i32) {
    %c0_i32 = arith.constant 0 : i32
    %c0_i32_0 = arith.constant 0 : i32
    return %c0_i32, %arg0 : i32, i32
  }
  func.func @transform_1(%arg0: i32) -> (i32, i32) {
    %c0_i32 = arith.constant 0 : i32
    %c0_i32_0 = arith.constant 0 : i32
    return %c0_i32, %arg0 : i32, i32
  }
  func.func @transform_2(%arg0: i32) -> (i32, i32) {
    %c0_i32 = arith.constant 0 : i32
    %c0_i32_0 = arith.constant 0 : i32
    %c0_i32_1 = arith.constant 0 : i32
    return %c0_i32, %c0_i32_0 : i32, i32
  }
  func.func @transform_3(%arg0: i32) -> (i32, i32) {
    %c0_i32 = arith.constant 0 : i32
    %c0_i32_0 = arith.constant 0 : i32
    %c0_i32_1 = arith.constant 0 : i32
    return %c0_i32, %c0_i32_0 : i32, i32
  }
}

</mosaic_0001>

<sc_bundles>
// kernel: kernel.6.cloned.1.call-start
scs
__scs_entry_jumppad:
0x0: {  	(pc) =	sbr.rel $0x88, $3  }
0x1: {  	(tag) =	ssettag $0x0;
	lr =	simm.s32 $0x1  }
0x2: {  	[smem:$0x3F9A] =	sst lr;
	_ =	strace $0xD0000000  }
0x3: {  	_ = 	snop  }
0x4: {  	_ = 	snop  }
0x5: {  	_ = 	snop  }
0x6: {  	_ = 	snop  }
0x7: {  	_ = 	snop  }
__scs_overlays_trampoline_lowered:
0x8: {  	[smem:$0x3FA9] =	sst s0  }
0x9: {  	[smem:$0x3FAA] =	sst s1  }
0xa: {  	[smem:$0x3FAB] =	sst s2  }
0xb: {  	[smem:$0x3FAC] =	sst s3  }
0xc: {  	[smem:$0x3FAD] =	sst s4  }
0xd: {  	[smem:$0x3FAE] =	sst s5  }
0xe: {  	[smem:$0x3FAF] =	sst s6  }
0xf: {  	[smem:$0x3FB0] =	sst s7  }
0x10: {  	[smem:$0x3FB1] =	sst s8  }
0x11: {  	[smem:$0x3FB2] =	sst s9;
	s0 =	simm.s32 @!p0 $0x0  }
0x12: {  	s1 =	sld [smem:$0x3F98];
	s0 =	simm.s32 @p0 $0x1  }
0x13: {  	[smem:$0x3FB3] =	sst s0;
	s0 =	simm.s32 @!p1 $0x0  }
0x14: {  	s2 =	sld [smem:$0x3F97];
	s0 =	simm.s32 @p1 $0x1  }
0x15: {  	[smem:$0x3FB4] =	sst s0;
	s0 =	simm.s32 @!p2 $0x0  }
0x16: {  	s3 =	sld [smem:$0x3FDB];
	s0 =	simm.s32 @p2 $0x1  }
0x17: {  	s4 =	simm.s32 $0x1BF5;
	[smem:$0x3FB6] =	sst s0  }
0x18: {  	s0 =	sld [smem:$0x3F99];
	_ =	swait.ge [sflag:s4], $0x0  }
0x19: {  	s7 =	sld [smem:$0x3F9A]  }
0x1a: {  	s8 =	sadd.s32 $0xFFFFE003, lr  }
0x1b: {  	s9 =	sadd.s32 $0xFFFFFEF7, lr;
	s5 =	simm.s32 $0xFFFFFFFF;
	p2 =	slt.u32 s8, $0xFFFFF086  }
0x1c: {  	p1 =	slt.u32 s9, $0xF7A;
	s5 =	simm.s32 @!p2 $0x0  }
0x1d: {  	s5 =	simm.s32 @p1 $0x1;
	p0 =	seq.s32 s7, s2  }
0x1e: {  	s7 =	smul.u32 @!p0 $0xF7A, s2;
	p2 =	seq.s32 @!p0 s5, $0x0  }
0x1f: {  	s9 =	smul.u32 $0xF7A, s1;
	s8 =	simm.s32 @!p0 $0x1BF5;
	p2 =	por !p2, p0  }
0x20: {  	[sflag:s8] =	ssyncset.s32 @!p0 $0xFFFFF086;
	s6 =	sadd.s32 @!p0 s3, s7;
	s7 =	simm.s32 @!p0 $0x108  }
0x21: {  	s3 =	sadd.s32 s3, s9;
	s6 =	sadd.s32 @!p0 $0x88, s6;
	s7 =	simm.s32 @p2 $0x1082  }
0x22: {  	[simem:s7], [sflag:s8] =	dma.local @!p0 [hbm:s6], $0xF7A  }
0x23: {  	s9 =	sor.u32 $0xD0000000, s2;
	s6 =	simm.s32 $0x108;
	_ =	swait.ge @!p0 [sflag:s8], $0x0  }
0x24: {  	s3 =	sadd.s32 $0x88, s3;
	s6 =	simm.s32 @!p1 $0x1082;
	[sflag:s4] =	ssyncset.s32 $0xFFFFF086  }
0x25: {  	[simem:s6], [sflag:s4] =	dma.local [hbm:s3], $0xF7A  }
0x26: {  	[smem:$0x3F9A] =	sst s1;
	(tag) =	ssettag s2;
	_ =	strace s9  }
0x27: {  	s1 =	sld [smem:$0x3FAA]  }
0x28: {  	s2 =	sld [smem:$0x3FAB]  }
0x29: {  	s4 =	sld [smem:$0x3FAD]  }
0x2a: {  	p0 =	seq.s32 s5, $0x0;
	s5 =	sld [smem:$0x3FAE]  }
0x2b: {  	s6 =	sld [smem:$0x3FAF]  }
0x2c: {  	s7 =	sld [smem:$0x3FB0]  }
0x2d: {  	s3 =	simm.s32 $0x108;
	s8 =	sld [smem:$0x3FB1]  }
0x2e: {  	s3 =	simm.s32 @!p0 $0x1082;
	s9 =	sld [smem:$0x3FB2]  }
0x2f: {  	lr =	sadd.s32 s0, s3;
	s0 =	sld [smem:$0x3FA9]  }
0x30: {  	s3 =	sld [smem:$0x3FAC]  }
0x31: {  	[smem:$0x3FB5] =	sst s10  }
0x32: {  	s10 =	sld [smem:$0x3FB3];
	_ =	sdelay $0x3  }
0x33: {  	p0 =	seq.s32 s10, $0x1;
	s10 =	sld [smem:$0x3FB5];
	_ =	sdelay $0x3  }
0x34: {  	[smem:$0x3FB5] =	sst s10  }
0x35: {  	s10 =	sld [smem:$0x3FB4];
	_ =	sdelay $0x3  }
0x36: {  	p1 =	seq.s32 s10, $0x1;
	s10 =	sld [smem:$0x3FB5];
	_ =	sdelay $0x3  }
0x37: {  	[smem:$0x3FB5] =	sst s10  }
0x38: {  	s10 =	sld [smem:$0x3FB6]  }
0x39: {  	_ = 	snop;
	(pc) =	sbr.ind lr, $3  }
0x3a: {  	_ = 	snop  }
0x3b: {  	_ = 	snop  }
0x3c: {  	p2 =	seq.s32 s10, $0x1;
	s10 =	sld [smem:$0x3FB5]  }
0x3d: {  	_ =	shalt  }
0x3e: {  	_ =	shalt  }
0x3f: {  	_ =	shalt  }
0x40: {  	_ =	shalt  }
0x41: {  	_ =	shalt  }
0x42: {  	_ =	shalt  }
0x43: {  	_ =	shalt  }
0x44: {  	_ =	shalt  }
0x45: {  	_ =	shalt  }
0x46: {  	_ =	shalt  }
0x47: {  	_ =	shalt  }
0x48: {  	_ =	shalt  }
0x49: {  	_ =	shalt  }
0x4a: {  	_ =	shalt  }
0x4b: {  	_ =	shalt  }
0x4c: {  	_ =	shalt  }
0x4d: {  	_ =	shalt  }
0x4e: {  	_ =	shalt  }
0x4f: {  	_ =	shalt  }
0x50: {  	_ =	shalt  }
0x51: {  	_ =	shalt  }
0x52: {  	_ =	shalt  }
0x53: {  	_ =	shalt  }
0x54: {  	_ =	shalt  }
0x55: {  	_ =	shalt  }
0x56: {  	_ =	shalt  }
0x57: {  	_ =	shalt  }
0x58: {  	_ =	shalt  }
0x59: {  	_ =	shalt  }
0x5a: {  	_ =	shalt  }
0x5b: {  	_ =	shalt  }
0x5c: {  	_ =	shalt  }
0x5d: {  	_ =	shalt  }
0x5e: {  	_ =	shalt  }
0x5f: {  	_ =	shalt  }
0x60: {  	_ =	shalt  }
0x61: {  	_ =	shalt  }
0x62: {  	_ =	shalt  }
0x63: {  	_ =	shalt  }
0x64: {  	_ =	shalt  }
0x65: {  	_ =	shalt  }
0x66: {  	_ =	shalt  }
0x67: {  	_ =	shalt  }
0x68: {  	_ =	shalt  }
0x69: {  	_ =	shalt  }
0x6a: {  	_ =	shalt  }
0x6b: {  	_ =	shalt  }
0x6c: {  	_ =	shalt  }
0x6d: {  	_ =	shalt  }
0x6e: {  	_ =	shalt  }
0x6f: {  	_ =	shalt  }
0x70: {  	_ =	shalt  }
0x71: {  	_ =	shalt  }
0x72: {  	_ =	shalt  }
0x73: {  	_ =	shalt  }
0x74: {  	_ =	shalt  }
0x75: {  	_ =	shalt  }
0x76: {  	_ =	shalt  }
0x77: {  	_ =	shalt  }
0x78: {  	_ =	shalt  }
0x79: {  	_ =	shalt  }
0x7a: {  	_ =	shalt  }
0x7b: {  	_ =	shalt  }
0x7c: {  	_ =	shalt  }
0x7d: {  	_ =	shalt  }
0x7e: {  	_ =	shalt  }
0x7f: {  	_ =	shalt  }
0x80: {  	_ =	shalt  }
0x81: {  	_ =	shalt  }
0x82: {  	_ =	shalt  }
0x83: {  	_ =	shalt  }
0x84: {  	_ =	shalt  }
0x85: {  	_ =	shalt  }
0x86: {  	_ =	shalt  }
0x87: {  	_ =	shalt  }
.Lfunc_end0:
.L_simem_size_0:
called_computation_lowered:
.L_overlay_start_0:
0x88: {  	s2 =	sld [smem:$0x3FD9]  }
0x89: {  	s3 =	sld [smem:$0x3FFE];
	_ =	sdelay $0x1  }
0x8a: {  	s1 =	srdreg.scid  }
0x8b: {  	s0 =	sand.u32 $0x1, s1  }
0x8c: {  	s17 =	sshll.u32 s0, $0xA;
	s2 =	sadd.s32 s3, s2  }
0x8d: {  	s2 =	sadd.s32 s2, s17  }
0x8e: {  	[smem:$0x3FC1] =	sst s2  }
0x8f: {  	_ = 	snop  }
0x90: {  	s2 =	sld [smem:$0x3FC4];
	(tm) =	ssettm $0x1  }
0x91: {  	s18 =	sld [smem:$0x3FFB];
	_ =	sdelay $0x3  }
0x92: {  	_ =	strace s18  }
0x93: {  	s3 =	sld [smem:$0x3FFC];
	_ =	sdelay $0x3  }
0x94: {  	_ =	strace s3  }
0x95: {  	s3 =	sld [smem:$0x3FFD];
	_ =	sdelay $0x3  }
0x96: {  	_ =	strace s3  }
0x97: {  	_ =	strace $0x8FFFFFFF  }
0x98: {  	s19 =	sld [smem:$0x3FDB];
	_ =	sdelay $0x1  }
0x99: {  	s4 =	simm.s32 $_scs_section_size  }
0x9a: {  	s5 =	simm.s32 $_size__tile_overlayer_lowered;
	s6 =	simm.s32 $_tile_overlayer_lowered  }
0x9b: {  	s22 =	simm.s32 $0x1BFF;
	s21 =	sshll.u32 s6, $0x1;
	s3 =	sadd.s32 s4, s19  }
0x9c: {  	s7 =	simm.s32 $0x0;
	s20 =	sshll.u32 s5, $0x1;
	s5 =	sadd.s32 s21, s3  }
0x9d: {  	[timem:s7], [sflag:s22] =	dma.local [hbm:s5], s20  }
0x9e: {  	_ =	swait.ge [sflag:s22], s20  }
0x9f: {  	s4 =	ssub.s32 $0x0, s20;
	[sflag:s22] =	ssyncset.done $0x0  }
0xa0: {  	[sflag:s22] =	ssyncadd.s32 s4;
	_ =	sdelay $0x1  }
0xa1: {  	s23 =	simm.s32 $0x1B8B  }
0xa2: {  	_ =	swait.ge [sflag:s23], $0x1  }
0xa3: {  	[sflag:s23] =	ssyncset.done $0x0  }
0xa4: {  	s25 =	simm.s32 $0x1B8E;
	s24 =	sld [smem:$0x3FFE];
	[sflag:s23] =	ssyncadd.s32 $0xFFFFFFFF  }
0xa5: {  	s26 =	simm.s32 $execute0_lowered;
	[smem:$0x3FD2] =	sst s25  }
0xa6: {  	s5 =	sshll.u32 s26, $0x1;
	_ =	strace $0x80000046;
	[dreg:$0x1] =	wrdreg $0xFFFFFFFF  }
0xa7: {  	s28 =	simm.s32 $_size_execute0_lowered;
	s3 =	sadd.s32 s3, s5;
	[dreg:$0x0] =	wrdreg $0x0  }
0xa8: {  	s5 =	sshll.u32 s28, $0x1;
	[dreg:$0x2] =	wrdreg s3  }
0xa9: {  	[dreg:$0x3] =	wrdreg s5  }
0xaa: {  	[dreg:$0x4] =	wrdreg $0xC0  }
0xab: {  	_ =	task [dreg:s7], $0x5FFFF  }
0xac: {  	[dreg:$0x1] =	wrdreg $0xFFFFFFFF  }
0xad: {  	[dreg:$0x0] =	wrdreg $0x60  }
0xae: {  	[dreg:$0x2] =	wrdreg s2  }
0xaf: {  	[dreg:$0x3] =	wrdreg s24  }
0xb0: {  	[dreg:$0x4] =	wrdreg $0x9  }
0xb1: {  	_ =	task.clear_ibuf [dreg:s7], $0x5FFFF;
	_ =	strace $0x90000046  }
0xb2: {  	s29 =	simm.s32 $0x9;
	_ =	strace $0x80000048  }
0xb3: {  	_ =	swait.ge [sflag:s29], $0x1  }
0xb4: {  	[sflag:s29] =	ssyncadd.s32 $0xFFFFFFFF  }
0xb5: {  	_ =	strace $0x90000048  }
0xb6: {  	_ =	sfence  }
0xb7: {  	s30 =	sld [smem:$0x0];
	_ =	sdelay $0x2  }
0xb8: {  	s31 =	sshll.u32 s1, $0xD;
	s1 =	sshrl.u32 s1, $0x2  }
0xb9: {  	s3 =	sand.u32 $0x4000, s31;
	s1 =	sadd.s32 s1, s30  }
0xba: {  	s0 =	sor.u32 s3, s0;
	s1 =	sshll.u32 s1, $0x11  }
0xbb: {  	s0 =	sor.u32 s1, s0  }
0xbc: {  	s0 =	sadd.s32 $0x8F2B, s0  }
0xbd: {  	[sflag:s0] =	ssyncadd.remote.s32 $0x1  }
0xbe: {  	_ =	sfence.sel $0xFFFF  }
0xbf: {  	[dreg:$0x0] =	wrdreg $0xFFFFFFFF;
	(pc) =	sbr.abs _section_cstart, $3  }
0xc0: {  	[dreg:$0x1] =	wrdreg $0xFFFFFFFF  }
0xc1: {  	_ =	task.clear_ibuf [dreg:s7], $0x2FFFF;
	_ =	strace $0x9FFFFFFF  }
0xc2: {  	(tm) =	ssettm $0x7FFFFFFF  }
0xc3: {  	_ =	shalt  }
tec
execute0_lowered:
.L_overlay_start_1:
0x0: {  	(tag) =	ssettag $0x1  }
0x1: {  	s1 =	rddreg [dreg:$0x0]  }
0x2: {  	s4 =	rddreg [dreg:$0x1]  }
0x3: {  	s0 =	rddreg [dreg:$0x2];
	s3 =	simm.s32 $0x0  }
0x4: {  	s5 =	srdreg.scid;
	s2 =	stileid.u32;
	s9 =	simm.s32 $0x80  }
0x5: {  	s10 =	simm.s32 $0x1;
	s11 =	simm.s32 $0x1C80;
	s12 =	simm.s32 $0x0  }
0x6: {  	[smem:$0x7FF] =	sst s3;
	s5 =	sand.u32 $0x1, s5;
	s6 =	sshll.u32 s2, $0x1  }
0x7: {  	s15 =	simm.s32 $0x0;
	_ =	strace $0x80000047;
	s6 =	sor.u32 s5, s6  }
0x8: {  	s5 =	ssub.s32 $0x2, s5;
	s7 =	sshll.u32 s6, $0x3;
	s6 =	sshll.u32 s6, $0x4  }
0x9: {  	s8 =	sshrl.u32 s5, $0x1;
	s7 =	sadd.s32 s7, s4;
	s6 =	sadd.s32 s6, s4  }
0xa: {  	s8 =	ssub.s32 s5, s8;
	s4 =	sadd.s32 $0x1400, s7;
	s5 =	sadd.s32 $0x1600, s6  }
0xb: {  	s6 =	smax.u32 s8, $0x1;
	s7 =	simm.s32 $0x2;
	s8 =	simm.s32 $0x38  }
.LBB2_1:
0xc: {  	[tilespmem:s3], [sflag:$0x2] =	stream.linear.gather [hbm4b:s4+s3], $0x38, $0x38;
	[tilespmem:$0x1D00] =	vst v63  }
0xd: {  	_ =	swait.ge [sflag:s7], $0x38  }
0xe: {  	[sflag:s7] =	ssyncset.done $0x0  }
0xf: {  	[sflag:s7] =	ssyncadd.s32 $0xFFFFFFC8  }
0x10: {  	[tilespmem:s9], [sflag:$0x1] =	stream.indirect.gather [hbm4b:s1+s8], $0x80, s3, s8, $0xb8;
	[tilespmem:$0x1D00] =	vst v63  }
0x11: {  	_ =	swait.ge [sflag:s10], $0x1C00  }
0x12: {  	[sflag:s10] =	ssyncset.done $0x0  }
0x13: {  	[sflag:s10] =	ssyncadd.s32 $0xFFFFE400  }
0x14: {  	v0 =	vld [tilespmem:s15+$0xF0]  }
0x15: {  	v2 =	vld [tilespmem:s15+$0x80]  }
0x16: {  	v3 =	vld [tilespmem:s15+$0x90]  }
0x17: {  	v12 =	vld [tilespmem:s15+$0xA0]  }
0x18: {  	v10 =	vld [tilespmem:s15+$0xB0]  }
0x19: {  	v1 =	vimm.f32 $0.0e+00;
	v6 =	vimm.f32 $0.0e+00;
	v7 =	vld [tilespmem:s15+$0xC0]  }
0x1a: {  	v9 =	vimm.f32 $0.0e+00;
	v8 =	vld [tilespmem:s15+$0xD0];
	v0 =	vadd.f32 v0, v1;
	v5 =	vadd.f32 v2, v1  }
0x1b: {  	s13 =	simm.s32 $0x80;
	s14 =	simm.s32 $0x400;
	v11 =	vld [tilespmem:s15+$0xE0];
	v4 =	vadd.f32 v3, v1;
	v3 =	vimm.f32 $0.0e+00;
	v2 =	vimm.f32 $0.0e+00  }
.LBB2_2:
0x1c: {  	p0 =	sne.s32 s14, $0x6200;
	v13 =	vld [tilespmem:s13+$0xF0];
	v1 =	vadd.f32 v12, v1  }
0x1d: {  	v14 =	vld [tilespmem:s13+$0x80];
	v6 =	vadd.f32 v10, v6  }
0x1e: {  	v15 =	vld [tilespmem:s13+$0x90];
	v9 =	vadd.f32 v7, v9  }
.Ltmp0:
0x1f: {  	v12 =	vld [tilespmem:s13+$0xA0];
	v3 =	vadd.f32 v8, v3;
	(pc) =	sbr.rel @p0 .LBB2_2-.Ltmp0, $4  }
0x20: {  	v10 =	vld [tilespmem:s13+$0xB0];
	v2 =	vadd.f32 v11, v2  }
0x21: {  	v7 =	vld [tilespmem:s13+$0xC0];
	v0 =	vadd.f32 v13, v0  }
0x22: {  	v5 =	vadd.f32 v14, v5;
	v8 =	vld [tilespmem:s13+$0xD0]  }
0x23: {  	v4 =	vadd.f32 v15, v4;
	v11 =	vld [tilespmem:s13+$0xE0];
	s13 =	sshra.s32 s14, $0x2;
	s14 =	sadd.s32 $0x200, s14  }
0x24: {  	v13 =	vld [tilespmem:s13+$0x80]  }
0x25: {  	v14 =	vld [tilespmem:s13+$0x90]  }
0x26: {  	v15 =	vld [tilespmem:s13+$0xA0]  }
0x27: {  	v16 =	vld [tilespmem:s13+$0xB0]  }
0x28: {  	v17 =	vld [tilespmem:s13+$0xC0]  }
0x29: {  	v1 =	vadd.f32 v12, v1;
	v58 =	vld [tilespmem:s13+$0xD0];
	v5 =	vadd.f32 v13, v5  }
0x2a: {  	v60 =	vld [tilespmem:s13+$0xF0];
	v6 =	vadd.f32 v10, v6;
	v4 =	vadd.f32 v14, v4  }
0x2b: {  	v59 =	vld [tilespmem:s13+$0xE0];
	v7 =	vadd.f32 v7, v9;
	v1 =	vadd.f32 v15, v1;
	v5 =	vmul.f32 $1.999999960e-02, v5  }
0x2c: {  	v3 =	vadd.f32 v8, v3;
	v6 =	vadd.f32 v16, v6;
	v4 =	vmul.f32 $1.999999960e-02, v4  }
0x2d: {  	v7 =	vadd.f32 v17, v7;
	v1 =	vmul.f32 $1.999999960e-02, v1;
	[tilespmem:$0x1C80] =	vst v5  }
0x2e: {  	v2 =	vadd.f32 v11, v2;
	v3 =	vadd.f32 v58, v3;
	v61 =	vmul.f32 $1.999999960e-02, v6;
	[tilespmem:$0x1C90] =	vst v4  }
0x2f: {  	v0 =	vadd.f32 v60, v0;
	v62 =	vmul.f32 $1.999999960e-02, v7;
	[tilespmem:$0x1CA0] =	vst v1  }
0x30: {  	v2 =	vadd.f32 v59, v2;
	v3 =	vmul.f32 $1.999999960e-02, v3;
	[tilespmem:$0x1CB0] =	vst v61  }
0x31: {  	v0 =	vmul.f32 $1.999999960e-02, v0;
	[tilespmem:$0x1CC0] =	vst v62  }
0x32: {  	s12 =	sadd.s32 $0x1, s12;
	v63 =	vmul.f32 $1.999999960e-02, v2;
	[tilespmem:$0x1CD0] =	vst v3  }
0x33: {  	p0 =	sne.s32 s12, s6;
	[tilespmem:$0x1CF0] =	vst v0  }
.Ltmp1:
0x34: {  	[tilespmem:$0x1CE0] =	vst v63;
	(pc) =	sbr.rel @p0 .LBB2_1-.Ltmp1, $4  }
0x35: {  	[hbm4b:s5+s3] =	stream.linear.scatter [tilespmem:s11], [sflag:$0x2], $0x80, $0x38;
	[tilespmem:$0x1D00] =	vst v63  }
0x36: {  	_ =	swait.ge [sflag:s7], $0x80  }
0x37: {  	[sflag:s7] =	ssyncset.done $0x0  }
0x38: {  	[sflag:s7] =	ssyncadd.s32 $0xFFFFFF80  }
0x39: {  	_ =	sfence.sel $0x180000  }
0x3a: {  	[bflag:$0x0] =	sbarrier.arrive $0xFFFF  }
0x3b: {  	p0 =	sne.s32 s2, $0x0;
	_ =	strace $0x90000047  }
0x3c: {  	s0 =	sadd.s32 @!p0 $0x100000, s0;
	[bflag:$0x2] =	sbarrier.arrive $0xFFFF  }
0x3d: {  	[sflag:s0] =	ssyncadd.tile.s32 @!p0 $0x1;
	_ =	shalt  }
.Lfunc_end2:
_tile_overlayer_lowered:
.L_overlay_start_2:
0x3e: {  	(tag) =	ssettag $0x2  }
0x3f: {  	s0 =	rddreg [dreg:$0x0];
	s2 =	stileid.u32  }
0x40: {  	s1 =	rddreg [dreg:$0x1];
	p0 =	sne.s32 s2, $0x0  }
0x41: {  	s3 =	rddreg [dreg:$0x2];
	[bflag:$0x3] =	sbarrier.arrive $0xFFFF;
	s2 =	simm.s32 @!p0 $0x1C02  }
0x42: {  	[timem:s3], [sflag:s2] =	dma.local @!p0 [hbm:s0], s1  }
0x43: {  	s0 =	simm.s32 @!p0 $0x2  }
0x44: {  	_ =	swait.ge @!p0 [sflag:s0], s1  }
0x45: {  	s1 =	ssub.s32 @!p0 $0x0, s1;
	[sflag:s0] =	ssyncset.done @!p0 $0x0  }
0x46: {  	[sflag:s0] =	ssyncadd.s32 @!p0 s1  }
0x47: {  	[bflag:$0x3] =	sbarrier.arrive $0xFFFF  }
0x48: {  	_ =	shalt  }

// kernel: kernel.9.cloned.1.call-start
scs
__scs_entry_jumppad:
0x0: {  	(pc) =	sbr.rel $0x88, $3  }
0x1: {  	(tag) =	ssettag $0x0;
	lr =	simm.s32 $0x1  }
0x2: {  	[smem:$0x3F9A] =	sst lr;
	_ =	strace $0xD0000000  }
0x3: {  	_ = 	snop  }
0x4: {  	_ = 	snop  }
0x5: {  	_ = 	snop  }
0x6: {  	_ = 	snop  }
0x7: {  	_ = 	snop  }
__scs_overlays_trampoline_lowered:
0x8: {  	[smem:$0x3FA9] =	sst s0  }
0x9: {  	[smem:$0x3FAA] =	sst s1  }
0xa: {  	[smem:$0x3FAB] =	sst s2  }
0xb: {  	[smem:$0x3FAC] =	sst s3  }
0xc: {  	[smem:$0x3FAD] =	sst s4  }
0xd: {  	[smem:$0x3FAE] =	sst s5  }
0xe: {  	[smem:$0x3FAF] =	sst s6  }
0xf: {  	[smem:$0x3FB0] =	sst s7  }
0x10: {  	[smem:$0x3FB1] =	sst s8  }
0x11: {  	[smem:$0x3FB2] =	sst s9;
	s0 =	simm.s32 @!p0 $0x0  }
0x12: {  	s1 =	sld [smem:$0x3F98];
	s0 =	simm.s32 @p0 $0x1  }
0x13: {  	[smem:$0x3FB3] =	sst s0;
	s0 =	simm.s32 @!p1 $0x0  }
0x14: {  	s2 =	sld [smem:$0x3F97];
	s0 =	simm.s32 @p1 $0x1  }
0x15: {  	[smem:$0x3FB4] =	sst s0;
	s0 =	simm.s32 @!p2 $0x0  }
0x16: {  	s3 =	sld [smem:$0x3FDB];
	s0 =	simm.s32 @p2 $0x1  }
0x17: {  	s4 =	simm.s32 $0x1BF5;
	[smem:$0x3FB6] =	sst s0  }
0x18: {  	s0 =	sld [smem:$0x3F99];
	_ =	swait.ge [sflag:s4], $0x0  }
0x19: {  	s7 =	sld [smem:$0x3F9A]  }
0x1a: {  	s8 =	sadd.s32 $0xFFFFE003, lr  }
0x1b: {  	s9 =	sadd.s32 $0xFFFFFEF7, lr;
	s5 =	simm.s32 $0xFFFFFFFF;
	p2 =	slt.u32 s8, $0xFFFFF086  }
0x1c: {  	p1 =	slt.u32 s9, $0xF7A;
	s5 =	simm.s32 @!p2 $0x0  }
0x1d: {  	s5 =	simm.s32 @p1 $0x1;
	p0 =	seq.s32 s7, s2  }
0x1e: {  	s7 =	smul.u32 @!p0 $0xF7A, s2;
	p2 =	seq.s32 @!p0 s5, $0x0  }
0x1f: {  	s9 =	smul.u32 $0xF7A, s1;
	s8 =	simm.s32 @!p0 $0x1BF5;
	p2 =	por !p2, p0  }
0x20: {  	[sflag:s8] =	ssyncset.s32 @!p0 $0xFFFFF086;
	s6 =	sadd.s32 @!p0 s3, s7;
	s7 =	simm.s32 @!p0 $0x108  }
0x21: {  	s3 =	sadd.s32 s3, s9;
	s6 =	sadd.s32 @!p0 $0x88, s6;
	s7 =	simm.s32 @p2 $0x1082  }
0x22: {  	[simem:s7], [sflag:s8] =	dma.local @!p0 [hbm:s6], $0xF7A  }
0x23: {  	s9 =	sor.u32 $0xD0000000, s2;
	s6 =	simm.s32 $0x108;
	_ =	swait.ge @!p0 [sflag:s8], $0x0  }
0x24: {  	s3 =	sadd.s32 $0x88, s3;
	s6 =	simm.s32 @!p1 $0x1082;
	[sflag:s4] =	ssyncset.s32 $0xFFFFF086  }
0x25: {  	[simem:s6], [sflag:s4] =	dma.local [hbm:s3], $0xF7A  }
0x26: {  	[smem:$0x3F9A] =	sst s1;
	(tag) =	ssettag s2;
	_ =	strace s9  }
0x27: {  	s1 =	sld [smem:$0x3FAA]  }
0x28: {  	s2 =	sld [smem:$0x3FAB]  }
0x29: {  	s4 =	sld [smem:$0x3FAD]  }
0x2a: {  	p0 =	seq.s32 s5, $0x0;
	s5 =	sld [smem:$0x3FAE]  }
0x2b: {  	s6 =	sld [smem:$0x3FAF]  }
0x2c: {  	s7 =	sld [smem:$0x3FB0]  }
0x2d: {  	s3 =	simm.s32 $0x108;
	s8 =	sld [smem:$0x3FB1]  }
0x2e: {  	s3 =	simm.s32 @!p0 $0x1082;
	s9 =	sld [smem:$0x3FB2]  }
0x2f: {  	lr =	sadd.s32 s0, s3;
	s0 =	sld [smem:$0x3FA9]  }
0x30: {  	s3 =	sld [smem:$0x3FAC]  }
0x31: {  	[smem:$0x3FB5] =	sst s10  }
0x32: {  	s10 =	sld [smem:$0x3FB3];
	_ =	sdelay $0x3  }
0x33: {  	p0 =	seq.s32 s10, $0x1;
	s10 =	sld [smem:$0x3FB5];
	_ =	sdelay $0x3  }
0x34: {  	[smem:$0x3FB5] =	sst s10  }
0x35: {  	s10 =	sld [smem:$0x3FB4];
	_ =	sdelay $0x3  }
0x36: {  	p1 =	seq.s32 s10, $0x1;
	s10 =	sld [smem:$0x3FB5];
	_ =	sdelay $0x3  }
0x37: {  	[smem:$0x3FB5] =	sst s10  }
0x38: {  	s10 =	sld [smem:$0x3FB6]  }
0x39: {  	_ = 	snop;
	(pc) =	sbr.ind lr, $3  }
0x3a: {  	_ = 	snop  }
0x3b: {  	_ = 	snop  }
0x3c: {  	p2 =	seq.s32 s10, $0x1;
	s10 =	sld [smem:$0x3FB5]  }
0x3d: {  	_ =	shalt  }
0x3e: {  	_ =	shalt  }
0x3f: {  	_ =	shalt  }
0x40: {  	_ =	shalt  }
0x41: {  	_ =	shalt  }
0x42: {  	_ =	shalt  }
0x43: {  	_ =	shalt  }
0x44: {  	_ =	shalt  }
0x45: {  	_ =	shalt  }
0x46: {  	_ =	shalt  }
0x47: {  	_ =	shalt  }
0x48: {  	_ =	shalt  }
0x49: {  	_ =	shalt  }
0x4a: {  	_ =	shalt  }
0x4b: {  	_ =	shalt  }
0x4c: {  	_ =	shalt  }
0x4d: {  	_ =	shalt  }
0x4e: {  	_ =	shalt  }
0x4f: {  	_ =	shalt  }
0x50: {  	_ =	shalt  }
0x51: {  	_ =	shalt  }
0x52: {  	_ =	shalt  }
0x53: {  	_ =	shalt  }
0x54: {  	_ =	shalt  }
0x55: {  	_ =	shalt  }
0x56: {  	_ =	shalt  }
0x57: {  	_ =	shalt  }
0x58: {  	_ =	shalt  }
0x59: {  	_ =	shalt  }
0x5a: {  	_ =	shalt  }
0x5b: {  	_ =	shalt  }
0x5c: {  	_ =	shalt  }
0x5d: {  	_ =	shalt  }
0x5e: {  	_ =	shalt  }
0x5f: {  	_ =	shalt  }
0x60: {  	_ =	shalt  }
0x61: {  	_ =	shalt  }
0x62: {  	_ =	shalt  }
0x63: {  	_ =	shalt  }
0x64: {  	_ =	shalt  }
0x65: {  	_ =	shalt  }
0x66: {  	_ =	shalt  }
0x67: {  	_ =	shalt  }
0x68: {  	_ =	shalt  }
0x69: {  	_ =	shalt  }
0x6a: {  	_ =	shalt  }
0x6b: {  	_ =	shalt  }
0x6c: {  	_ =	shalt  }
0x6d: {  	_ =	shalt  }
0x6e: {  	_ =	shalt  }
0x6f: {  	_ =	shalt  }
0x70: {  	_ =	shalt  }
0x71: {  	_ =	shalt  }
0x72: {  	_ =	shalt  }
0x73: {  	_ =	shalt  }
0x74: {  	_ =	shalt  }
0x75: {  	_ =	shalt  }
0x76: {  	_ =	shalt  }
0x77: {  	_ =	shalt  }
0x78: {  	_ =	shalt  }
0x79: {  	_ =	shalt  }
0x7a: {  	_ =	shalt  }
0x7b: {  	_ =	shalt  }
0x7c: {  	_ =	shalt  }
0x7d: {  	_ =	shalt  }
0x7e: {  	_ =	shalt  }
0x7f: {  	_ =	shalt  }
0x80: {  	_ =	shalt  }
0x81: {  	_ =	shalt  }
0x82: {  	_ =	shalt  }
0x83: {  	_ =	shalt  }
0x84: {  	_ =	shalt  }
0x85: {  	_ =	shalt  }
0x86: {  	_ =	shalt  }
0x87: {  	_ =	shalt  }
.Lfunc_end0:
.L_simem_size_0:
called_computation.1_lowered:
.L_overlay_start_0:
0x88: {  	s2 =	sld [smem:$0x3FD9]  }
0x89: {  	s3 =	sld [smem:$0x3FFE];
	_ =	sdelay $0x1  }
0x8a: {  	s1 =	srdreg.scid  }
0x8b: {  	s0 =	sand.u32 $0x1, s1  }
0x8c: {  	s16 =	sshll.u32 s0, $0xA;
	s2 =	sadd.s32 s3, s2  }
0x8d: {  	s2 =	sadd.s32 s2, s16  }
0x8e: {  	[smem:$0x3FC1] =	sst s2  }
0x8f: {  	_ = 	snop  }
0x90: {  	(tm) =	ssettm $0x1  }
0x91: {  	s17 =	sld [smem:$0x3FFB];
	_ =	sdelay $0x3  }
0x92: {  	_ =	strace s17  }
0x93: {  	s2 =	sld [smem:$0x3FFC];
	_ =	sdelay $0x3  }
0x94: {  	_ =	strace s2  }
0x95: {  	s2 =	sld [smem:$0x3FFD];
	_ =	sdelay $0x3  }
0x96: {  	_ =	strace s2  }
0x97: {  	_ =	strace $0x8FFFFFFF  }
0x98: {  	s18 =	sld [smem:$0x3FDB];
	_ =	sdelay $0x1  }
0x99: {  	s19 =	simm.s32 $_scs_section_size  }
0x9a: {  	s4 =	simm.s32 $_size__tile_overlayer_lowered;
	s5 =	simm.s32 $_tile_overlayer_lowered  }
0x9b: {  	s22 =	simm.s32 $0x1BFF;
	s21 =	sshll.u32 s5, $0x1;
	s2 =	sadd.s32 s19, s18  }
0x9c: {  	s6 =	simm.s32 $0x0;
	s20 =	sshll.u32 s4, $0x1;
	s4 =	sadd.s32 s21, s2  }
0x9d: {  	[timem:s6], [sflag:s22] =	dma.local [hbm:s4], s20  }
0x9e: {  	_ =	swait.ge [sflag:s22], s20  }
0x9f: {  	s3 =	ssub.s32 $0x0, s20;
	[sflag:s22] =	ssyncset.done $0x0  }
0xa0: {  	[sflag:s22] =	ssyncadd.s32 s3;
	_ =	sdelay $0x1  }
0xa1: {  	s23 =	simm.s32 $0x1B8B  }
0xa2: {  	_ =	swait.ge [sflag:s23], $0x1  }
0xa3: {  	[sflag:s23] =	ssyncset.done $0x0  }
0xa4: {  	s25 =	simm.s32 $0x1B8E;
	s24 =	sld [smem:$0x3FFE];
	[sflag:s23] =	ssyncadd.s32 $0xFFFFFFFF  }
0xa5: {  	s26 =	simm.s32 $execute0_lowered;
	[smem:$0x3FD2] =	sst s25  }
0xa6: {  	s4 =	sshll.u32 s26, $0x1;
	_ =	strace $0x80000049;
	[dreg:$0x1] =	wrdreg $0xFFFFFFFF  }
0xa7: {  	s28 =	simm.s32 $_size_execute0_lowered;
	s2 =	sadd.s32 s2, s4;
	[dreg:$0x0] =	wrdreg $0x0  }
0xa8: {  	s4 =	sshll.u32 s28, $0x1;
	[dreg:$0x2] =	wrdreg s2  }
0xa9: {  	[dreg:$0x3] =	wrdreg s4  }
0xaa: {  	[dreg:$0x4] =	wrdreg $0xC0  }
0xab: {  	_ =	task [dreg:s6], $0x5FFFF  }
0xac: {  	[dreg:$0x1] =	wrdreg $0xFFFFFFFF  }
0xad: {  	[dreg:$0x0] =	wrdreg $0x60  }
0xae: {  	[dreg:$0x2] =	wrdreg s24  }
0xaf: {  	[dreg:$0x3] =	wrdreg $0x41800  }
0xb0: {  	[dreg:$0x4] =	wrdreg $0x28800  }
0xb1: {  	[dreg:$0x5] =	wrdreg $0x9  }
0xb2: {  	_ =	task.clear_ibuf [dreg:s6], $0x6FFFF;
	_ =	strace $0x90000049  }
0xb3: {  	s29 =	simm.s32 $0x9;
	_ =	strace $0x80000052  }
0xb4: {  	_ =	swait.ge [sflag:s29], $0x1  }
0xb5: {  	[sflag:s29] =	ssyncadd.s32 $0xFFFFFFFF  }
0xb6: {  	_ =	strace $0x90000052  }
0xb7: {  	_ =	sfence  }
0xb8: {  	s30 =	sld [smem:$0x0];
	_ =	sdelay $0x2  }
0xb9: {  	s31 =	sshll.u32 s1, $0xD;
	s1 =	sshrl.u32 s1, $0x2  }
0xba: {  	s3 =	sand.u32 $0x4000, s31;
	s1 =	sadd.s32 s1, s30  }
0xbb: {  	s0 =	sor.u32 s3, s0;
	s1 =	sshll.u32 s1, $0x11  }
0xbc: {  	s0 =	sor.u32 s1, s0  }
0xbd: {  	s0 =	sadd.s32 $0x8F2B, s0  }
0xbe: {  	[sflag:s0] =	ssyncadd.remote.s32 $0x1  }
0xbf: {  	_ =	sfence.sel $0xFFFF  }
0xc0: {  	[dreg:$0x0] =	wrdreg $0xFFFFFFFF;
	(pc) =	sbr.abs _section_cstart, $3  }
0xc1: {  	[dreg:$0x1] =	wrdreg $0xFFFFFFFF  }
0xc2: {  	_ =	task.clear_ibuf [dreg:s6], $0x2FFFF;
	_ =	strace $0x9FFFFFFF  }
0xc3: {  	(tm) =	ssettm $0x7FFFFFFF  }
tec
execute0_lowered:
.L_overlay_start_1:
0x0: {  	(tag) =	ssettag $0x1  }
0x1: {  	s5 =	rddreg [dreg:$0x0]  }
0x2: {  	s1 =	rddreg [dreg:$0x1]  }
0x3: {  	s3 =	rddreg [dreg:$0x2];
	s4 =	simm.s32 $0x0  }
0x4: {  	s2 =	stileid.u32;
	s6 =	srdreg.scid;
	s16 =	simm.s32 $0x1880  }
0x5: {  	s17 =	simm.s32 $0x2080;
	s18 =	simm.s32 $0x1100;
	s19 =	simm.s32 $0x2100  }
0x6: {  	s20 =	simm.s32 $0x1180;
	s21 =	simm.s32 $0x2180;
	s28 =	simm.s32 $0x2600  }
0x7: {  	s29 =	simm.s32 $0x1680;
	s30 =	simm.s32 $0x2680;
	s31 =	simm.s32 $0x20  }
0x8: {  	[smem:$0x7FF] =	sst s4;
	s0 =	smul.u32 $0x1900, s2;
	s23 =	sadd.s32 $0x5800, s5  }
0x9: {  	s6 =	sand.u32 $0x1, s6;
	_ =	strace $0x8000004A;
	[dreg:$0x4] =	wrdreg s23  }
0xa: {  	s7 =	sshll.u32 s2, $0x1;
	s8 =	sshll.u32 s2, $0x9;
	[dreg:$0xe] =	wrdreg s16  }
0xb: {  	s13 =	smul.u32 $0x3200, s2;
	s25 =	sshll.u32 s2, $0x6;
	[dreg:$0xf] =	wrdreg s17  }
0xc: {  	s9 =	sor.u32 s6, s7;
	s8 =	sand.u32 $0x1800, s8;
	[dreg:$0x10] =	wrdreg s18  }
0xd: {  	v0 =	vlaneseq.u32;
	s24 =	sshll.u32 s6, $0x7;
	s26 =	sor.u32 $0x1C02, s25;
	[dreg:$0x11] =	wrdreg s19  }
0xe: {  	v1 =	vmul.u32 $0xFFFFFFFF, v0;
	v0 =	vmul.u32 $0x40, v0;
	s6 =	ssub.s32 $0x2, s6;
	s7 =	sor.u32 $0x1C03, s25;
	[dreg:$0x12] =	wrdreg s20  }
0xf: {  	[dreg:$0x13] =	wrdreg s21;
	s23 =	simm.s32 $0x2200;
	s25 =	simm.s32 $0x2280  }
0x10: {  	s16 =	simm.s32 $0x1380;
	s17 =	simm.s32 $0x2380;
	s18 =	simm.s32 $0x1400;
	v1 =	vadd.s32 $0x3E8, v1;
	v5 =	vor.u32 $0x4, v0  }
0x11: {  	s19 =	simm.s32 $0x2400;
	s20 =	simm.s32 $0x1480;
	s21 =	simm.s32 $0x2480;
	v6 =	vor.u32 $0x5, v0;
	v7 =	vor.u32 $0x6, v0;
	v8 =	vor.u32 $0x7, v0  }
0x12: {  	s22 =	sshrl.u32 s0, $0x3;
	s10 =	sshll.u32 s9, $0x8;
	s8 =	sadd.s32 s8, s5;
	v9 =	vor.u32 $0x8, v0;
	v10 =	vor.u32 $0x9, v0;
	v11 =	vor.u32 $0xA, v0  }
0x13: {  	s12 =	sshll.u32 s9, $0x2;
	s13 =	sor.u32 s24, s13;
	[dreg:$0x6] =	wrdreg s26;
	v12 =	vor.u32 $0xB, v0;
	v13 =	vor.u32 $0xC, v0;
	v14 =	vor.u32 $0xD, v0  }
0x14: {  	s15 =	sshll.u32 s9, $0x4;
	s9 =	sshll.u32 s9, $0x5;
	v15 =	vor.u32 $0xE, v0;
	v16 =	vor.u32 $0xF, v0;
	v17 =	vor.u32 $0x10, v0;
	[dreg:$0x15] =	wrdreg s23  }
0x15: {  	v18 =	vor.u32 $0x11, v0;
	v19 =	vor.u32 $0x12, v0;
	v20 =	vor.u32 $0x13, v0;
	s24 =	simm.s32 $0x1280;
	[dreg:$0x17] =	wrdreg s25;
	s26 =	simm.s32 $0x1300  }
0x16: {  	v21 =	vor.u32 $0x14, v0;
	v22 =	vor.u32 $0x15, v0;
	v23 =	vor.u32 $0x16, v0;
	s23 =	simm.s32 $0x2500;
	s25 =	simm.s32 $0x2580;
	s11 =	sadd.s32 s22, s5  }
0x17: {  	v24 =	vor.u32 $0x17, v0;
	v25 =	vor.u32 $0x18, v0;
	v26 =	vor.u32 $0x19, v0;
	s10 =	sadd.s32 s10, s5;
	s12 =	sadd.s32 s12, s5;
	s13 =	sshrl.u32 s13, $0x3  }
0x18: {  	v27 =	vor.u32 $0x1A, v0;
	v28 =	vor.u32 $0x1B, v0;
	s2 =	sand.u32 $0x70, s15;
	v2 =	vmov s9;
	s9 =	sor.u32 $0x10, s9;
	[dreg:$0x16] =	wrdreg s24  }
0x19: {  	v29 =	vor.u32 $0x1C, v0;
	v30 =	vor.u32 $0x1D, v0;
	v31 =	vor.u32 $0x1E, v0;
	s15 =	simm.s32 $0x400;
	s22 =	simm.s32 $0x1200;
	[dreg:$0x18] =	wrdreg s26  }
0x1a: {  	v32 =	vor.u32 $0x1F, v0;
	v33 =	vor.u32 $0x20, v0;
	v34 =	vor.u32 $0x21, v0;
	s24 =	simm.s32 $0x1580;
	s26 =	simm.s32 $0x1600;
	s14 =	sadd.s32 $0x8C00, s11  }
0x1b: {  	v35 =	vor.u32 $0x22, v0;
	v36 =	vor.u32 $0x23, v0;
	v37 =	vor.u32 $0x24, v0;
	s11 =	sadd.s32 $0x5A00, s11;
	s8 =	sadd.s32 s2, s8;
	[dreg:$0xd] =	wrdreg s15  }
0x1c: {  	v38 =	vor.u32 $0x25, v0;
	v39 =	vor.u32 $0x26, v0;
	v40 =	vor.u32 $0x27, v0;
	s5 =	sadd.s32 s13, s5;
	s10 =	sadd.s32 $0x3800, s10;
	[dreg:$0x14] =	wrdreg s22  }
0x1d: {  	v41 =	vor.u32 $0x28, v0;
	v42 =	vor.u32 $0x29, v0;
	v3 =	vmov s9;
	s13 =	sshrl.u32 s6, $0x1;
	s9 =	simm.s32 $0x80;
	[dreg:$0x5] =	wrdreg s14  }
0x1e: {  	v43 =	vor.u32 $0x2A, v0;
	v44 =	vor.u32 $0x2B, v0;
	v45 =	vor.u32 $0x2C, v0;
	s15 =	simm.s32 $0x2300;
	s22 =	simm.s32 $0x1500;
	[dreg:$0x7] =	wrdreg s11  }
0x1f: {  	v46 =	vor.u32 $0x2D, v0;
	v47 =	vor.u32 $0x2E, v0;
	v48 =	vor.u32 $0x2F, v0;
	s8 =	sadd.s32 $0x1800, s8;
	[dreg:$0x9] =	wrdreg s10;
	s11 =	sadd.s32 $0x1400, s12  }
0x20: {  	v49 =	vor.u32 $0x30, v0;
	v50 =	vor.u32 $0x31, v0;
	v51 =	vor.u32 $0x400, v0;
	s12 =	sadd.s32 s0, s3;
	s5 =	sadd.s32 $0xBE00, s5;
	[dreg:$0x8] =	wrdreg s8  }
0x21: {  	v52 =	vor.u32 $0x401, v0;
	v53 =	vor.u32 $0x402, v0;
	v54 =	vor.u32 $0x403, v0;
	s6 =	ssub.s32 s6, s13;
	s0 =	sadd.s32 s0, s1;
	[dreg:$0xa] =	wrdreg s11  }
0x22: {  	vm1 =	vlt.u32 v2, v1;
	vm0 =	vlt.u32 v3, v1;
	v1 =	vor.u32 $0x1, v0;
	s10 =	simm.s32 $0x1080;
	s13 =	simm.s32 $0x1000;
	[dreg:$0xb] =	wrdreg s5  }
0x23: {  	v55 =	vor.u32 $0x404, v0;
	v56 =	vor.u32 $0x405, v0;
	[tilespmem:$0x1FFD0] =	vst v1;
	v1 =	vor.u32 $0x2, v0;
	s14 =	sshrl.u32 s12, $0x3;
	s5 =	smax.u32 s6, $0x1;
	s6 =	sshrl.u32 s0, $0x3  }
0x24: {  	v57 =	vor.u32 $0x406, v0;
	v58 =	vor.u32 $0x407, v0;
	s8 =	simm.s32 $0x3;
	s11 =	simm.s32 $0x800;
	s12 =	simm.s32 $0x1;
	[tilespmem:$0x1FFE0] =	vst v1;
	v1 =	vor.u32 $0x3, v0  }
0x25: {  	v59 =	vor.u32 $0x408, v0;
	v60 =	vor.u32 $0x409, v0;
	v61 =	vor.u32 $0x40A, v0;
	s0 =	simm.s32 $0x10;
	[dreg:$0xc] =	wrdreg s14;
	s14 =	simm.s32 $0x2;
	[tilespmem:$0x1FFF0] =	vst v1  }
.LBB2_1:
0x26: {  	s2 =	rddreg [dreg:$0x5]  }
0x27: {  	s3 =	rddreg [dreg:$0x6]  }
0x28: {  	[spmem:s6], [sflag:s3] =	dma.local [hbm:s2], $0x320  }
0x29: {  	_ =	strace $0x8000004B  }
0x2a: {  	s2 =	rddreg [dreg:$0x7]  }
0x2b: {  	s3 =	rddreg [dreg:$0xc]  }
0x2c: {  	[spmem:s3], [sflag:s7] =	dma.local [hbm:s2], $0x320  }
0x2d: {  	_ =	swait.ge [sflag:s8], $0x320  }
0x2e: {  	s2 =	rddreg [dreg:$0x8];
	[sflag:s8] =	ssyncset.done $0x0  }
0x2f: {  	s3 =	rddreg [dreg:$0xd];
	[sflag:s8] =	ssyncadd.s32 $0xFFFFFCE0  }
0x30: {  	[tilespmem:s4], [sflag:$0x3] =	stream.strided.gather [hbm4b:s2+s9], $0x800, s3, s9, $0x200038;
	[tilespmem:$0x5A80] =	vst v63  }
0x31: {  	_ =	swait.ge [sflag:s8], $0x800  }
0x32: {  	[sflag:s8] =	ssyncset.done $0x0  }
0x33: {  	s3 =	rddreg [dreg:$0x9];
	[sflag:s8] =	ssyncadd.s32 $0xFFFFF800  }
0x34: {  	[tilespmem:s10], [sflag:$0x3] =	stream.linear.gather [hbm4b:s3+s4], $0x680, $0x200038;
	[tilespmem:$0x5A80] =	vst v63  }
0x35: {  	_ =	swait.ge [sflag:s8], $0x680  }
0x36: {  	s2 =	rddreg [dreg:$0x4];
	[sflag:s8] =	ssyncset.done $0x0  }
0x37: {  	s3 =	rddreg [dreg:$0xe];
	[sflag:s8] =	ssyncadd.s32 $0xFFFFF980  }
0x38: {  	[tilespmem:s3], [sflag:$0x3] =	stream.linear.gather [hbm4b:s2+s4], $0x680, $0x200038;
	[tilespmem:$0x5A80] =	vst v63  }
0x39: {  	_ =	swait.ge [sflag:s8], $0x680  }
0x3a: {  	[sflag:s8] =	ssyncset.done $0x0  }
0x3b: {  	[sflag:s8] =	ssyncadd.s32 $0xFFFFF980  }
0x3c: {  	[bflag:$0x0] =	sbarrier.arrive $0xFFFF  }
0x3d: {  	_ =	strace $0x9000004B  }
0x3e: {  	_ =	strace $0x8000004C  }
0x3f: {  	s3 =	rddreg [dreg:$0x2]  }
0x40: {  	[tilespmem:s11], [sflag:$0x1] =	stream.indirect.gather [spmem:s3], $0x1, s4, s11, $0x2000b8;
	[tilespmem:$0x5A80] =	vst v63  }
0x41: {  	_ =	swait.ge [sflag:s12], $0x800  }
0x42: {  	[sflag:s12] =	ssyncset.done $0x0  }
0x43: {  	[sflag:s12] =	ssyncadd.s32 $0xFFFFF800  }
0x44: {  	_ =	strace $0x9000004C  }
0x45: {  	_ =	strace $0x8000004D  }
0x46: {  	v1 =	vld [tilespmem:$0x1FFD0];
	_ =	sdelay $0x7  }
0x47: {  	v63 =	vld.idx.msk [tilespmem:v1+s11+$0x0], $0xffff  }
0x48: {  	v1 =	vld [tilespmem:$0x1FFE0];
	_ =	sdelay $0x1  }
0x49: {  	v2 =	vld [tilespmem:$0x1FFF0];
	_ =	sdelay $0x1  }
0x4a: {  	v62 =	vld.idx.msk [tilespmem:v0+s11+$0x0], $0xffff;
	_ =	sdelay $0x3  }
0x4b: {  	v1 =	vld.idx.msk [tilespmem:v1+s11+$0x0], $0xffff  }
0x4c: {  	v62 =	vadd.f32 $0.0e+00, v62  }
0x4d: {  	v2 =	vld.idx.msk [tilespmem:v2+s11+$0x0], $0xffff  }
0x4e: {  	v62 =	vadd.f32 v63, v62  }
0x4f: {  	v63 =	vld.idx.msk [tilespmem:v5+s11+$0x0], $0xffff  }
0x50: {  	v1 =	vadd.f32 v1, v62  }
0x51: {  	v62 =	vld.idx.msk [tilespmem:v6+s11+$0x0], $0xffff  }
0x52: {  	v1 =	vadd.f32 v2, v1  }
0x53: {  	v2 =	vld.idx.msk [tilespmem:v7+s11+$0x0], $0xffff  }
0x54: {  	v1 =	vadd.f32 v63, v1  }
0x55: {  	v63 =	vld.idx.msk [tilespmem:v8+s11+$0x0], $0xffff  }
0x56: {  	v1 =	vadd.f32 v62, v1  }
0x57: {  	v62 =	vld.idx.msk [tilespmem:v9+s11+$0x0], $0xffff  }
0x58: {  	v1 =	vadd.f32 v2, v1  }
0x59: {  	v2 =	vld.idx.msk [tilespmem:v10+s11+$0x0], $0xffff  }
0x5a: {  	v1 =	vadd.f32 v63, v1  }
0x5b: {  	v63 =	vld.idx.msk [tilespmem:v11+s11+$0x0], $0xffff  }
0x5c: {  	v1 =	vadd.f32 v62, v1  }
0x5d: {  	v62 =	vld.idx.msk [tilespmem:v12+s11+$0x0], $0xffff  }
0x5e: {  	v1 =	vadd.f32 v2, v1  }
0x5f: {  	v2 =	vld.idx.msk [tilespmem:v13+s11+$0x0], $0xffff  }
0x60: {  	v1 =	vadd.f32 v63, v1  }
0x61: {  	v63 =	vld.idx.msk [tilespmem:v14+s11+$0x0], $0xffff  }
0x62: {  	v1 =	vadd.f32 v62, v1  }
0x63: {  	v62 =	vld.idx.msk [tilespmem:v15+s11+$0x0], $0xffff  }
0x64: {  	v1 =	vadd.f32 v2, v1  }
0x65: {  	v2 =	vld.idx.msk [tilespmem:v16+s11+$0x0], $0xffff  }
0x66: {  	v1 =	vadd.f32 v63, v1  }
0x67: {  	v63 =	vld.idx.msk [tilespmem:v17+s11+$0x0], $0xffff  }
0x68: {  	v1 =	vadd.f32 v62, v1  }
0x69: {  	v62 =	vld.idx.msk [tilespmem:v18+s11+$0x0], $0xffff  }
0x6a: {  	v1 =	vadd.f32 v2, v1  }
0x6b: {  	v2 =	vld.idx.msk [tilespmem:v19+s11+$0x0], $0xffff  }
0x6c: {  	v1 =	vadd.f32 v63, v1  }
0x6d: {  	v63 =	vld.idx.msk [tilespmem:v20+s11+$0x0], $0xffff  }
0x6e: {  	v1 =	vadd.f32 v62, v1  }
0x6f: {  	v62 =	vld.idx.msk [tilespmem:v21+s11+$0x0], $0xffff  }
0x70: {  	v1 =	vadd.f32 v2, v1  }
0x71: {  	v2 =	vld.idx.msk [tilespmem:v22+s11+$0x0], $0xffff  }
0x72: {  	v1 =	vadd.f32 v63, v1  }
0x73: {  	v63 =	vld.idx.msk [tilespmem:v23+s11+$0x0], $0xffff  }
0x74: {  	v1 =	vadd.f32 v62, v1  }
0x75: {  	v62 =	vld.idx.msk [tilespmem:v24+s11+$0x0], $0xffff  }
0x76: {  	v1 =	vadd.f32 v2, v1  }
0x77: {  	v2 =	vld.idx.msk [tilespmem:v25+s11+$0x0], $0xffff  }
0x78: {  	v1 =	vadd.f32 v63, v1  }
0x79: {  	v63 =	vld.idx.msk [tilespmem:v26+s11+$0x0], $0xffff  }
0x7a: {  	v1 =	vadd.f32 v62, v1  }
0x7b: {  	v62 =	vld.idx.msk [tilespmem:v27+s11+$0x0], $0xffff  }
0x7c: {  	v1 =	vadd.f32 v2, v1  }
0x7d: {  	v2 =	vld.idx.msk [tilespmem:v28+s11+$0x0], $0xffff  }
0x7e: {  	v1 =	vadd.f32 v63, v1  }
0x7f: {  	v63 =	vld.idx.msk [tilespmem:v29+s11+$0x0], $0xffff  }
0x80: {  	v1 =	vadd.f32 v62, v1  }
0x81: {  	v62 =	vld.idx.msk [tilespmem:v30+s11+$0x0], $0xffff  }
0x82: {  	v1 =	vadd.f32 v2, v1  }
0x83: {  	v2 =	vld.idx.msk [tilespmem:v31+s11+$0x0], $0xffff  }
0x84: {  	v1 =	vadd.f32 v63, v1  }
0x85: {  	v63 =	vld.idx.msk [tilespmem:v32+s11+$0x0], $0xffff  }
0x86: {  	v1 =	vadd.f32 v62, v1  }
0x87: {  	v62 =	vld.idx.msk [tilespmem:v33+s11+$0x0], $0xffff  }
0x88: {  	v1 =	vadd.f32 v2, v1  }
0x89: {  	v2 =	vld.idx.msk [tilespmem:v34+s11+$0x0], $0xffff  }
0x8a: {  	v1 =	vadd.f32 v63, v1  }
0x8b: {  	v63 =	vld.idx.msk [tilespmem:v35+s11+$0x0], $0xffff  }
0x8c: {  	v1 =	vadd.f32 v62, v1  }
0x8d: {  	v62 =	vld.idx.msk [tilespmem:v36+s11+$0x0], $0xffff  }
0x8e: {  	v1 =	vadd.f32 v2, v1  }
0x8f: {  	v2 =	vld.idx.msk [tilespmem:v37+s11+$0x0], $0xffff  }
0x90: {  	v1 =	vadd.f32 v63, v1  }
0x91: {  	v63 =	vld.idx.msk [tilespmem:v38+s11+$0x0], $0xffff  }
0x92: {  	v1 =	vadd.f32 v62, v1  }
0x93: {  	v62 =	vld.idx.msk [tilespmem:v39+s11+$0x0], $0xffff  }
0x94: {  	v1 =	vadd.f32 v2, v1  }
0x95: {  	v2 =	vld.idx.msk [tilespmem:v40+s11+$0x0], $0xffff  }
0x96: {  	v1 =	vadd.f32 v63, v1  }
0x97: {  	v63 =	vld.idx.msk [tilespmem:v41+s11+$0x0], $0xffff  }
0x98: {  	v1 =	vadd.f32 v62, v1  }
0x99: {  	v62 =	vld.idx.msk [tilespmem:v42+s11+$0x0], $0xffff  }
0x9a: {  	v1 =	vadd.f32 v2, v1  }
0x9b: {  	v2 =	vld.idx.msk [tilespmem:v43+s11+$0x0], $0xffff  }
0x9c: {  	v1 =	vadd.f32 v63, v1  }
0x9d: {  	v63 =	vld.idx.msk [tilespmem:v44+s11+$0x0], $0xffff  }
0x9e: {  	v1 =	vadd.f32 v62, v1  }
0x9f: {  	v62 =	vld.idx.msk [tilespmem:v45+s11+$0x0], $0xffff  }
0xa0: {  	v1 =	vadd.f32 v2, v1  }
0xa1: {  	v2 =	vld.idx.msk [tilespmem:v46+s11+$0x0], $0xffff  }
0xa2: {  	v1 =	vadd.f32 v63, v1  }
0xa3: {  	v63 =	vld.idx.msk [tilespmem:v47+s11+$0x0], $0xffff  }
0xa4: {  	v1 =	vadd.f32 v62, v1  }
0xa5: {  	v62 =	vld.idx.msk [tilespmem:v48+s11+$0x0], $0xffff  }
0xa6: {  	v1 =	vadd.f32 v2, v1  }
0xa7: {  	v2 =	vld.idx.msk [tilespmem:v49+s11+$0x0], $0xffff  }
0xa8: {  	v1 =	vadd.f32 v63, v1  }
0xa9: {  	v63 =	vld.idx.msk [tilespmem:v50+s11+$0x0], $0xffff  }
0xaa: {  	v1 =	vadd.f32 v62, v1;
	_ =	sdelay $0x1  }
0xab: {  	v1 =	vadd.f32 v2, v1;
	_ =	sdelay $0x1  }
0xac: {  	v1 =	vadd.f32 v63, v1;
	_ =	sdelay $0x1  }
0xad: {  	v1 =	vmul.f32 $1.999999960e-02, v1;
	_ =	sdelay $0x1  }
0xae: {  	v1 =	vmul.f32 $1.442695020e+00, v1;
	_ =	sdelay $0x1  }
0xaf: {  	(erf) = vpow2.f32 v1;
	_ =	sdelay $0x8  }
0xb0: {  	v1 =	vpop (erf)  }
0xb1: {  	v1 =	vnsel vm1, $0x0, v1  }
0xb2: {  	[tilespmem:$0x1000] =	vst v1  }
0xb3: {  	v1 =	vld.idx.msk [tilespmem:v51+s11+$0x0], $0xffff;
	_ =	sdelay $0x1  }
0xb4: {  	v2 =	vld.idx.msk [tilespmem:v52+s11+$0x0], $0xffff;
	_ =	sdelay $0x1  }
0xb5: {  	v62 =	vld.idx.msk [tilespmem:v53+s11+$0x0], $0xffff  }
0xb6: {  	v1 =	vadd.f32 $0.0e+00, v1  }
0xb7: {  	v63 =	vld.idx.msk [tilespmem:v54+s11+$0x0], $0xffff  }
0xb8: {  	v1 =	vadd.f32 v2, v1  }
0xb9: {  	v2 =	vld.idx.msk [tilespmem:v55+s11+$0x0], $0xffff  }
0xba: {  	v1 =	vadd.f32 v62, v1  }
0xbb: {  	v62 =	vld.idx.msk [tilespmem:v56+s11+$0x0], $0xffff  }
0xbc: {  	v1 =	vadd.f32 v63, v1  }
0xbd: {  	v63 =	vld.idx.msk [tilespmem:v57+s11+$0x0], $0xffff  }
0xbe: {  	v1 =	vadd.f32 v2, v1  }
0xbf: {  	v2 =	vld.idx.msk [tilespmem:v58+s11+$0x0], $0xffff  }
0xc0: {  	v1 =	vadd.f32 v62, v1  }
0xc1: {  	v62 =	vld.idx.msk [tilespmem:v59+s11+$0x0], $0xffff  }
0xc2: {  	v1 =	vadd.f32 v63, v1;
	v63 =	vor.u32 $0x40B, v0  }
0xc3: {  	v3 =	vld.idx.msk [tilespmem:v60+s11+$0x0], $0xffff  }
0xc4: {  	v1 =	vadd.f32 v2, v1;
	v2 =	vor.u32 $0x40C, v0  }
0xc5: {  	v4 =	vld.idx.msk [tilespmem:v61+s11+$0x0], $0xffff  }
0xc6: {  	v1 =	vadd.f32 v62, v1;
	v62 =	vor.u32 $0x40D, v0  }
0xc7: {  	v63 =	vld.idx.msk [tilespmem:v63+s11+$0x0], $0xffff  }
0xc8: {  	v1 =	vadd.f32 v3, v1;
	v3 =	vor.u32 $0x40E, v0  }
0xc9: {  	v2 =	vld.idx.msk [tilespmem:v2+s11+$0x0], $0xffff  }
0xca: {  	v1 =	vadd.f32 v4, v1;
	v4 =	vor.u32 $0x40F, v0  }
0xcb: {  	v62 =	vld.idx.msk [tilespmem:v62+s11+$0x0], $0xffff  }
0xcc: {  	v1 =	vadd.f32 v63, v1;
	v63 =	vor.u32 $0x410, v0  }
0xcd: {  	v3 =	vld.idx.msk [tilespmem:v3+s11+$0x0], $0xffff  }
0xce: {  	v1 =	vadd.f32 v2, v1;
	v2 =	vor.u32 $0x411, v0  }
0xcf: {  	v4 =	vld.idx.msk [tilespmem:v4+s11+$0x0], $0xffff  }
0xd0: {  	v1 =	vadd.f32 v62, v1;
	v62 =	vor.u32 $0x412, v0  }
0xd1: {  	v63 =	vld.idx.msk [tilespmem:v63+s11+$0x0], $0xffff  }
0xd2: {  	v1 =	vadd.f32 v3, v1;
	v3 =	vor.u32 $0x413, v0  }
0xd3: {  	v2 =	vld.idx.msk [tilespmem:v2+s11+$0x0], $0xffff  }
0xd4: {  	v1 =	vadd.f32 v4, v1;
	v4 =	vor.u32 $0x414, v0  }
0xd5: {  	v62 =	vld.idx.msk [tilespmem:v62+s11+$0x0], $0xffff  }
0xd6: {  	v1 =	vadd.f32 v63, v1;
	v63 =	vor.u32 $0x415, v0  }
0xd7: {  	v3 =	vld.idx.msk [tilespmem:v3+s11+$0x0], $0xffff  }
0xd8: {  	v1 =	vadd.f32 v2, v1;
	v2 =	vor.u32 $0x416, v0  }
0xd9: {  	v4 =	vld.idx.msk [tilespmem:v4+s11+$0x0], $0xffff  }
0xda: {  	v1 =	vadd.f32 v62, v1;
	v62 =	vor.u32 $0x417, v0  }
0xdb: {  	v63 =	vld.idx.msk [tilespmem:v63+s11+$0x0], $0xffff  }
0xdc: {  	v1 =	vadd.f32 v3, v1;
	v3 =	vor.u32 $0x418, v0  }
0xdd: {  	v2 =	vld.idx.msk [tilespmem:v2+s11+$0x0], $0xffff  }
0xde: {  	v1 =	vadd.f32 v4, v1;
	v4 =	vor.u32 $0x419, v0  }
0xdf: {  	v62 =	vld.idx.msk [tilespmem:v62+s11+$0x0], $0xffff  }
0xe0: {  	v1 =	vadd.f32 v63, v1;
	v63 =	vor.u32 $0x41A, v0  }
0xe1: {  	v3 =	vld.idx.msk [tilespmem:v3+s11+$0x0], $0xffff  }
0xe2: {  	v1 =	vadd.f32 v2, v1;
	v2 =	vor.u32 $0x41B, v0  }
0xe3: {  	v4 =	vld.idx.msk [tilespmem:v4+s11+$0x0], $0xffff  }
0xe4: {  	v1 =	vadd.f32 v62, v1;
	v62 =	vor.u32 $0x41C, v0  }
0xe5: {  	v63 =	vld.idx.msk [tilespmem:v63+s11+$0x0], $0xffff  }
0xe6: {  	v1 =	vadd.f32 v3, v1;
	v3 =	vor.u32 $0x41D, v0  }
0xe7: {  	v2 =	vld.idx.msk [tilespmem:v2+s11+$0x0], $0xffff  }
0xe8: {  	v1 =	vadd.f32 v4, v1;
	v4 =	vor.u32 $0x41E, v0  }
0xe9: {  	v62 =	vld.idx.msk [tilespmem:v62+s11+$0x0], $0xffff  }
0xea: {  	v1 =	vadd.f32 v63, v1;
	v63 =	vor.u32 $0x41F, v0  }
0xeb: {  	v3 =	vld.idx.msk [tilespmem:v3+s11+$0x0], $0xffff  }
0xec: {  	v1 =	vadd.f32 v2, v1;
	v2 =	vor.u32 $0x420, v0  }
0xed: {  	v4 =	vld.idx.msk [tilespmem:v4+s11+$0x0], $0xffff  }
0xee: {  	v1 =	vadd.f32 v62, v1;
	v62 =	vor.u32 $0x421, v0  }
0xef: {  	v63 =	vld.idx.msk [tilespmem:v63+s11+$0x0], $0xffff  }
0xf0: {  	v1 =	vadd.f32 v3, v1;
	v3 =	vor.u32 $0x422, v0  }
0xf1: {  	v2 =	vld.idx.msk [tilespmem:v2+s11+$0x0], $0xffff  }
0xf2: {  	v1 =	vadd.f32 v4, v1;
	v4 =	vor.u32 $0x423, v0  }
0xf3: {  	v62 =	vld.idx.msk [tilespmem:v62+s11+$0x0], $0xffff  }
0xf4: {  	v1 =	vadd.f32 v63, v1;
	v63 =	vor.u32 $0x424, v0  }
0xf5: {  	v3 =	vld.idx.msk [tilespmem:v3+s11+$0x0], $0xffff  }
0xf6: {  	v1 =	vadd.f32 v2, v1;
	v2 =	vor.u32 $0x425, v0  }
0xf7: {  	v4 =	vld.idx.msk [tilespmem:v4+s11+$0x0], $0xffff  }
0xf8: {  	v1 =	vadd.f32 v62, v1;
	v62 =	vor.u32 $0x426, v0  }
0xf9: {  	v63 =	vld.idx.msk [tilespmem:v63+s11+$0x0], $0xffff  }
0xfa: {  	v1 =	vadd.f32 v3, v1;
	v3 =	vor.u32 $0x427, v0  }
0xfb: {  	v2 =	vld.idx.msk [tilespmem:v2+s11+$0x0], $0xffff  }
0xfc: {  	v1 =	vadd.f32 v4, v1;
	v4 =	vor.u32 $0x428, v0  }
0xfd: {  	v62 =	vld.idx.msk [tilespmem:v62+s11+$0x0], $0xffff  }
0xfe: {  	v1 =	vadd.f32 v63, v1;
	v63 =	vor.u32 $0x429, v0  }
0xff: {  	v3 =	vld.idx.msk [tilespmem:v3+s11+$0x0], $0xffff  }
0x100: {  	v1 =	vadd.f32 v2, v1;
	v2 =	vor.u32 $0x42A, v0  }
0x101: {  	v4 =	vld.idx.msk [tilespmem:v4+s11+$0x0], $0xffff  }
0x102: {  	v1 =	vadd.f32 v62, v1;
	v62 =	vor.u32 $0x42B, v0  }
0x103: {  	v63 =	vld.idx.msk [tilespmem:v63+s11+$0x0], $0xffff  }
0x104: {  	v1 =	vadd.f32 v3, v1;
	v3 =	vor.u32 $0x42C, v0  }
0x105: {  	v2 =	vld.idx.msk [tilespmem:v2+s11+$0x0], $0xffff  }
0x106: {  	v1 =	vadd.f32 v4, v1;
	v4 =	vor.u32 $0x42D, v0  }
0x107: {  	v62 =	vld.idx.msk [tilespmem:v62+s11+$0x0], $0xffff  }
0x108: {  	v1 =	vadd.f32 v63, v1;
	v63 =	vor.u32 $0x42E, v0  }
0x109: {  	v3 =	vld.idx.msk [tilespmem:v3+s11+$0x0], $0xffff  }
0x10a: {  	v1 =	vadd.f32 v2, v1;
	v2 =	vor.u32 $0x42F, v0  }
0x10b: {  	v4 =	vld.idx.msk [tilespmem:v4+s11+$0x0], $0xffff  }
0x10c: {  	v1 =	vadd.f32 v62, v1;
	v62 =	vor.u32 $0x430, v0  }
0x10d: {  	v63 =	vld.idx.msk [tilespmem:v63+s11+$0x0], $0xffff  }
0x10e: {  	v1 =	vadd.f32 v3, v1;
	v3 =	vor.u32 $0x431, v0  }
0x10f: {  	v2 =	vld.idx.msk [tilespmem:v2+s11+$0x0], $0xffff  }
0x110: {  	v1 =	vadd.f32 v4, v1  }
0x111: {  	v4 =	vld.idx.msk [tilespmem:v62+s11+$0x0], $0xffff  }
0x112: {  	v1 =	vadd.f32 v63, v1  }
0x113: {  	v3 =	vld.idx.msk [tilespmem:v3+s11+$0x0], $0xffff  }
0x114: {  	v1 =	vadd.f32 v2, v1;
	_ =	sdelay $0x1  }
0x115: {  	v1 =	vadd.f32 v4, v1;
	_ =	sdelay $0x1  }
0x116: {  	v1 =	vadd.f32 v3, v1;
	_ =	sdelay $0x1  }
0x117: {  	v1 =	vmul.f32 $1.999999960e-02, v1;
	_ =	sdelay $0x1  }
0x118: {  	v1 =	vmul.f32 $1.442695020e+00, v1;
	_ =	sdelay $0x1  }
0x119: {  	(erf) = vpow2.f32 v1;
	_ =	sdelay $0x8  }
0x11a: {  	v1 =	vpop (erf)  }
0x11b: {  	v1 =	vnsel vm0, $0x0, v1  }
0x11c: {  	[tilespmem:$0x1010] =	vst v1;
	v1 =	vimm.f32 $0.0e+00  }
0x11d: {  	s3 =	rddreg [dreg:$0xa];
	[tilespmem:$0x1020] =	vst v1  }
0x11e: {  	[hbm4b:s3+s4] =	stream.linear.scatter [tilespmem:s13], [sflag:$0x3], $0x20, $0x200038;
	[tilespmem:$0x5A80] =	vst v63  }
0x11f: {  	_ =	swait.ge [sflag:s8], $0x20  }
0x120: {  	[sflag:s8] =	ssyncset.done $0x0  }
0x121: {  	[sflag:s8] =	ssyncadd.s32 $0xFFFFFFE0  }
0x122: {  	_ =	strace $0x9000004D  }
0x123: {  	_ =	strace $0x8000004E  }
0x124: {  	v1 =	vld [tilespmem:$0x1880];
	_ =	sdelay $0x5  }
0x125: {  	v2 =	vld [tilespmem:$0x1890];
	_ =	sdelay $0x1  }
0x126: {  	v1 =	vld.idx.msk [tilespmem:v1+s13+$0x0], $0xffff;
	_ =	sdelay $0x3  }
0x127: {  	v3 =	vld [tilespmem:$0x18A0]  }
0x128: {  	[tilespmem:$0x2080] =	vst v1  }
0x129: {  	v1 =	vld.idx.msk [tilespmem:v2+s13+$0x0], $0xffff;
	_ =	sdelay $0x3  }
0x12a: {  	v2 =	vld [tilespmem:$0x18B0]  }
0x12b: {  	[tilespmem:$0x2090] =	vst v1  }
0x12c: {  	v1 =	vld.idx.msk [tilespmem:v3+s13+$0x0], $0xffff;
	_ =	sdelay $0x3  }
0x12d: {  	v3 =	vld [tilespmem:$0x18C0]  }
0x12e: {  	[tilespmem:$0x20A0] =	vst v1  }
0x12f: {  	v1 =	vld.idx.msk [tilespmem:v2+s13+$0x0], $0xffff;
	_ =	sdelay $0x3  }
0x130: {  	v2 =	vld [tilespmem:$0x18D0]  }
0x131: {  	[tilespmem:$0x20B0] =	vst v1  }
0x132: {  	v1 =	vld.idx.msk [tilespmem:v3+s13+$0x0], $0xffff;
	_ =	sdelay $0x3  }
0x133: {  	v3 =	vld [tilespmem:$0x18E0]  }
0x134: {  	[tilespmem:$0x20C0] =	vst v1  }
0x135: {  	v1 =	vld.idx.msk [tilespmem:v2+s13+$0x0], $0xffff;
	_ =	sdelay $0x3  }
0x136: {  	v2 =	vld [tilespmem:$0x18F0]  }
0x137: {  	[tilespmem:$0x20D0] =	vst v1  }
0x138: {  	v1 =	vld.idx.msk [tilespmem:v3+s13+$0x0], $0xffff;
	_ =	sdelay $0x3  }
0x139: {  	v3 =	vld [tilespmem:$0x1900]  }
0x13a: {  	[tilespmem:$0x20E0] =	vst v1  }
0x13b: {  	v1 =	vld.idx.msk [tilespmem:v2+s13+$0x0], $0xffff;
	_ =	sdelay $0x3  }
0x13c: {  	v2 =	vld [tilespmem:$0x1910]  }
0x13d: {  	[tilespmem:$0x20F0] =	vst v1  }
0x13e: {  	v1 =	vld.idx.msk [tilespmem:v3+s13+$0x0], $0xffff;
	_ =	sdelay $0x3  }
0x13f: {  	v3 =	vld [tilespmem:$0x1920]  }
0x140: {  	[tilespmem:$0x2100] =	vst v1  }
0x141: {  	v1 =	vld.idx.msk [tilespmem:v2+s13+$0x0], $0xffff;
	_ =	sdelay $0x3  }
0x142: {  	v2 =	vld [tilespmem:$0x1930]  }
0x143: {  	[tilespmem:$0x2110] =	vst v1  }
0x144: {  	v1 =	vld.idx.msk [tilespmem:v3+s13+$0x0], $0xffff;
	_ =	sdelay $0x3  }
0x145: {  	v3 =	vld [tilespmem:$0x1940]  }
0x146: {  	[tilespmem:$0x2120] =	vst v1  }
0x147: {  	v1 =	vld.idx.msk [tilespmem:v2+s13+$0x0], $0xffff;
	_ =	sdelay $0x3  }
0x148: {  	v2 =	vld [tilespmem:$0x1950]  }
0x149: {  	[tilespmem:$0x2130] =	vst v1  }
0x14a: {  	v1 =	vld.idx.msk [tilespmem:v3+s13+$0x0], $0xffff;
	_ =	sdelay $0x3  }
0x14b: {  	v3 =	vld [tilespmem:$0x1960]  }
0x14c: {  	[tilespmem:$0x2140] =	vst v1  }
0x14d: {  	v1 =	vld.idx.msk [tilespmem:v2+s13+$0x0], $0xffff;
	_ =	sdelay $0x3  }
0x14e: {  	v2 =	vld [tilespmem:$0x1970]  }
0x14f: {  	[tilespmem:$0x2150] =	vst v1  }
0x150: {  	v1 =	vld.idx.msk [tilespmem:v3+s13+$0x0], $0xffff;
	_ =	sdelay $0x3  }
0x151: {  	v3 =	vld [tilespmem:$0x1980]  }
0x152: {  	[tilespmem:$0x2160] =	vst v1  }
0x153: {  	v1 =	vld.idx.msk [tilespmem:v2+s13+$0x0], $0xffff;
	_ =	sdelay $0x3  }
0x154: {  	v2 =	vld [tilespmem:$0x1990]  }
0x155: {  	[tilespmem:$0x2170] =	vst v1  }
0x156: {  	v1 =	vld.idx.msk [tilespmem:v3+s13+$0x0], $0xffff;
	_ =	sdelay $0x3  }
0x157: {  	v3 =	vld [tilespmem:$0x19A0]  }
0x158: {  	[tilespmem:$0x2180] =	vst v1  }
0x159: {  	v1 =	vld.idx.msk [tilespmem:v2+s13+$0x0], $0xffff;
	_ =	sdelay $0x3  }
0x15a: {  	v2 =	vld [tilespmem:$0x19B0]  }
0x15b: {  	[tilespmem:$0x2190] =	vst v1  }
0x15c: {  	v1 =	vld.idx.msk [tilespmem:v3+s13+$0x0], $0xffff;
	_ =	sdelay $0x3  }
0x15d: {  	v3 =	vld [tilespmem:$0x19C0]  }
0x15e: {  	[tilespmem:$0x21A0] =	vst v1  }
0x15f: {  	v1 =	vld.idx.msk [tilespmem:v2+s13+$0x0], $0xffff;
	_ =	sdelay $0x3  }
0x160: {  	v2 =	vld [tilespmem:$0x19D0]  }
0x161: {  	[tilespmem:$0x21B0] =	vst v1  }
0x162: {  	v1 =	vld.idx.msk [tilespmem:v3+s13+$0x0], $0xffff;
	_ =	sdelay $0x3  }
0x163: {  	v3 =	vld [tilespmem:$0x19E0]  }
0x164: {  	[tilespmem:$0x21C0] =	vst v1  }
0x165: {  	v1 =	vld.idx.msk [tilespmem:v2+s13+$0x0], $0xffff;
	_ =	sdelay $0x3  }
0x166: {  	v2 =	vld [tilespmem:$0x19F0]  }
0x167: {  	[tilespmem:$0x21D0] =	vst v1  }
0x168: {  	v1 =	vld.idx.msk [tilespmem:v3+s13+$0x0], $0xffff;
	_ =	sdelay $0x3  }
0x169: {  	v3 =	vld [tilespmem:$0x1A00]  }
0x16a: {  	[tilespmem:$0x21E0] =	vst v1  }
0x16b: {  	v1 =	vld.idx.msk [tilespmem:v2+s13+$0x0], $0xffff;
	_ =	sdelay $0x3  }
0x16c: {  	v2 =	vld [tilespmem:$0x1A10]  }
0x16d: {  	[tilespmem:$0x21F0] =	vst v1  }
0x16e: {  	v1 =	vld.idx.msk [tilespmem:v3+s13+$0x0], $0xffff;
	_ =	sdelay $0x3  }
0x16f: {  	v3 =	vld [tilespmem:$0x1A20]  }
0x170: {  	[tilespmem:$0x2200] =	vst v1  }
0x171: {  	v1 =	vld.idx.msk [tilespmem:v2+s13+$0x0], $0xffff;
	_ =	sdelay $0x3  }
0x172: {  	v2 =	vld [tilespmem:$0x1A30]  }
0x173: {  	[tilespmem:$0x2210] =	vst v1  }
0x174: {  	v1 =	vld.idx.msk [tilespmem:v3+s13+$0x0], $0xffff;
	_ =	sdelay $0x3  }
0x175: {  	v3 =	vld [tilespmem:$0x1A40]  }
0x176: {  	[tilespmem:$0x2220] =	vst v1  }
0x177: {  	v1 =	vld.idx.msk [tilespmem:v2+s13+$0x0], $0xffff;
	_ =	sdelay $0x3  }
0x178: {  	v2 =	vld [tilespmem:$0x1A50]  }
0x179: {  	[tilespmem:$0x2230] =	vst v1  }
0x17a: {  	v1 =	vld.idx.msk [tilespmem:v3+s13+$0x0], $0xffff;
	_ =	sdelay $0x3  }
0x17b: {  	v3 =	vld [tilespmem:$0x1A60]  }
0x17c: {  	[tilespmem:$0x2240] =	vst v1  }
0x17d: {  	v1 =	vld.idx.msk [tilespmem:v2+s13+$0x0], $0xffff;
	_ =	sdelay $0x3  }
0x17e: {  	v2 =	vld [tilespmem:$0x1A70]  }
0x17f: {  	[tilespmem:$0x2250] =	vst v1  }
0x180: {  	v1 =	vld.idx.msk [tilespmem:v3+s13+$0x0], $0xffff;
	_ =	sdelay $0x3  }
0x181: {  	v3 =	vld [tilespmem:$0x1A80]  }
0x182: {  	[tilespmem:$0x2260] =	vst v1  }
0x183: {  	v1 =	vld.idx.msk [tilespmem:v2+s13+$0x0], $0xffff;
	_ =	sdelay $0x3  }
0x184: {  	v2 =	vld [tilespmem:$0x1A90]  }
0x185: {  	[tilespmem:$0x2270] =	vst v1  }
0x186: {  	v1 =	vld.idx.msk [tilespmem:v3+s13+$0x0], $0xffff;
	_ =	sdelay $0x3  }
0x187: {  	v3 =	vld [tilespmem:$0x1AA0]  }
0x188: {  	[tilespmem:$0x2280] =	vst v1  }
0x189: {  	v1 =	vld.idx.msk [tilespmem:v2+s13+$0x0], $0xffff;
	_ =	sdelay $0x3  }
0x18a: {  	v2 =	vld [tilespmem:$0x1AB0]  }
0x18b: {  	[tilespmem:$0x2290] =	vst v1  }
0x18c: {  	v1 =	vld.idx.msk [tilespmem:v3+s13+$0x0], $0xffff;
	_ =	sdelay $0x3  }
0x18d: {  	v3 =	vld [tilespmem:$0x1AC0]  }
0x18e: {  	[tilespmem:$0x22A0] =	vst v1  }
0x18f: {  	v1 =	vld.idx.msk [tilespmem:v2+s13+$0x0], $0xffff;
	_ =	sdelay $0x3  }
0x190: {  	v2 =	vld [tilespmem:$0x1AD0]  }
0x191: {  	[tilespmem:$0x22B0] =	vst v1  }
0x192: {  	v1 =	vld.idx.msk [tilespmem:v3+s13+$0x0], $0xffff;
	_ =	sdelay $0x3  }
0x193: {  	v3 =	vld [tilespmem:$0x1AE0]  }
0x194: {  	[tilespmem:$0x22C0] =	vst v1  }
0x195: {  	v1 =	vld.idx.msk [tilespmem:v2+s13+$0x0], $0xffff;
	_ =	sdelay $0x3  }
0x196: {  	v2 =	vld [tilespmem:$0x1AF0]  }
0x197: {  	[tilespmem:$0x22D0] =	vst v1  }
0x198: {  	v1 =	vld.idx.msk [tilespmem:v3+s13+$0x0], $0xffff;
	_ =	sdelay $0x3  }
0x199: {  	v3 =	vld [tilespmem:$0x1B00]  }
0x19a: {  	[tilespmem:$0x22E0] =	vst v1  }
0x19b: {  	v1 =	vld.idx.msk [tilespmem:v2+s13+$0x0], $0xffff;
	_ =	sdelay $0x3  }
0x19c: {  	v2 =	vld [tilespmem:$0x1B10]  }
0x19d: {  	[tilespmem:$0x22F0] =	vst v1  }
0x19e: {  	v1 =	vld.idx.msk [tilespmem:v3+s13+$0x0], $0xffff;
	_ =	sdelay $0x3  }
0x19f: {  	v3 =	vld [tilespmem:$0x1B20]  }
0x1a0: {  	[tilespmem:$0x2300] =	vst v1  }
0x1a1: {  	v1 =	vld.idx.msk [tilespmem:v2+s13+$0x0], $0xffff;
	_ =	sdelay $0x3  }
0x1a2: {  	v2 =	vld [tilespmem:$0x1B30]  }
0x1a3: {  	[tilespmem:$0x2310] =	vst v1  }
0x1a4: {  	v1 =	vld.idx.msk [tilespmem:v3+s13+$0x0], $0xffff;
	_ =	sdelay $0x3  }
0x1a5: {  	v3 =	vld [tilespmem:$0x1B40]  }
0x1a6: {  	[tilespmem:$0x2320] =	vst v1  }
0x1a7: {  	v1 =	vld.idx.msk [tilespmem:v2+s13+$0x0], $0xffff;
	_ =	sdelay $0x3  }
0x1a8: {  	v2 =	vld [tilespmem:$0x1B50]  }
0x1a9: {  	[tilespmem:$0x2330] =	vst v1  }
0x1aa: {  	v1 =	vld.idx.msk [tilespmem:v3+s13+$0x0], $0xffff;
	_ =	sdelay $0x3  }
0x1ab: {  	v3 =	vld [tilespmem:$0x1B60]  }
0x1ac: {  	[tilespmem:$0x2340] =	vst v1  }
0x1ad: {  	v1 =	vld.idx.msk [tilespmem:v2+s13+$0x0], $0xffff;
	_ =	sdelay $0x3  }
0x1ae: {  	v2 =	vld [tilespmem:$0x1B70]  }
0x1af: {  	[tilespmem:$0x2350] =	vst v1  }
0x1b0: {  	v1 =	vld.idx.msk [tilespmem:v3+s13+$0x0], $0xffff;
	_ =	sdelay $0x3  }
0x1b1: {  	v3 =	vld [tilespmem:$0x1B80]  }
0x1b2: {  	[tilespmem:$0x2360] =	vst v1  }
0x1b3: {  	v1 =	vld.idx.msk [tilespmem:v2+s13+$0x0], $0xffff;
	_ =	sdelay $0x3  }
0x1b4: {  	v2 =	vld [tilespmem:$0x1B90]  }
0x1b5: {  	[tilespmem:$0x2370] =	vst v1  }
0x1b6: {  	v1 =	vld.idx.msk [tilespmem:v3+s13+$0x0], $0xffff;
	_ =	sdelay $0x3  }
0x1b7: {  	v3 =	vld [tilespmem:$0x1BA0]  }
0x1b8: {  	[tilespmem:$0x2380] =	vst v1  }
0x1b9: {  	v1 =	vld.idx.msk [tilespmem:v2+s13+$0x0], $0xffff;
	_ =	sdelay $0x3  }
0x1ba: {  	v2 =	vld [tilespmem:$0x1BB0]  }
0x1bb: {  	[tilespmem:$0x2390] =	vst v1  }
0x1bc: {  	v1 =	vld.idx.msk [tilespmem:v3+s13+$0x0], $0xffff;
	_ =	sdelay $0x3  }
0x1bd: {  	v3 =	vld [tilespmem:$0x1BC0]  }
0x1be: {  	[tilespmem:$0x23A0] =	vst v1  }
0x1bf: {  	v1 =	vld.idx.msk [tilespmem:v2+s13+$0x0], $0xffff;
	_ =	sdelay $0x3  }
0x1c0: {  	v2 =	vld [tilespmem:$0x1BD0]  }
0x1c1: {  	[tilespmem:$0x23B0] =	vst v1  }
0x1c2: {  	v1 =	vld.idx.msk [tilespmem:v3+s13+$0x0], $0xffff;
	_ =	sdelay $0x3  }
0x1c3: {  	v3 =	vld [tilespmem:$0x1BE0]  }
0x1c4: {  	[tilespmem:$0x23C0] =	vst v1  }
0x1c5: {  	v1 =	vld.idx.msk [tilespmem:v2+s13+$0x0], $0xffff;
	_ =	sdelay $0x3  }
0x1c6: {  	v2 =	vld [tilespmem:$0x1BF0]  }
0x1c7: {  	[tilespmem:$0x23D0] =	vst v1  }
0x1c8: {  	v1 =	vld.idx.msk [tilespmem:v3+s13+$0x0], $0xffff;
	_ =	sdelay $0x3  }
0x1c9: {  	v3 =	vld [tilespmem:$0x1C00]  }
0x1ca: {  	[tilespmem:$0x23E0] =	vst v1  }
0x1cb: {  	v1 =	vld.idx.msk [tilespmem:v2+s13+$0x0], $0xffff;
	_ =	sdelay $0x3  }
0x1cc: {  	v2 =	vld [tilespmem:$0x1C10]  }
0x1cd: {  	[tilespmem:$0x23F0] =	vst v1  }
0x1ce: {  	v1 =	vld.idx.msk [tilespmem:v3+s13+$0x0], $0xffff;
	_ =	sdelay $0x3  }
0x1cf: {  	v3 =	vld [tilespmem:$0x1C20]  }
0x1d0: {  	[tilespmem:$0x2400] =	vst v1  }
0x1d1: {  	v1 =	vld.idx.msk [tilespmem:v2+s13+$0x0], $0xffff;
	_ =	sdelay $0x3  }
0x1d2: {  	v2 =	vld [tilespmem:$0x1C30]  }
0x1d3: {  	[tilespmem:$0x2410] =	vst v1  }
0x1d4: {  	v1 =	vld.idx.msk [tilespmem:v3+s13+$0x0], $0xffff;
	_ =	sdelay $0x3  }
0x1d5: {  	v3 =	vld [tilespmem:$0x1C40]  }
0x1d6: {  	[tilespmem:$0x2420] =	vst v1  }
0x1d7: {  	v1 =	vld.idx.msk [tilespmem:v2+s13+$0x0], $0xffff;
	_ =	sdelay $0x3  }
0x1d8: {  	v2 =	vld [tilespmem:$0x1C50]  }
0x1d9: {  	[tilespmem:$0x2430] =	vst v1  }
0x1da: {  	v1 =	vld.idx.msk [tilespmem:v3+s13+$0x0], $0xffff;
	_ =	sdelay $0x3  }
0x1db: {  	v3 =	vld [tilespmem:$0x1C60]  }
0x1dc: {  	[tilespmem:$0x2440] =	vst v1  }
0x1dd: {  	v1 =	vld.idx.msk [tilespmem:v2+s13+$0x0], $0xffff;
	_ =	sdelay $0x3  }
0x1de: {  	v2 =	vld [tilespmem:$0x1C70]  }
0x1df: {  	[tilespmem:$0x2450] =	vst v1  }
0x1e0: {  	v1 =	vld.idx.msk [tilespmem:v3+s13+$0x0], $0xffff;
	_ =	sdelay $0x3  }
0x1e1: {  	v3 =	vld [tilespmem:$0x1C80]  }
0x1e2: {  	[tilespmem:$0x2460] =	vst v1  }
0x1e3: {  	v1 =	vld.idx.msk [tilespmem:v2+s13+$0x0], $0xffff;
	_ =	sdelay $0x3  }
0x1e4: {  	v2 =	vld [tilespmem:$0x1C90]  }
0x1e5: {  	[tilespmem:$0x2470] =	vst v1  }
0x1e6: {  	v1 =	vld.idx.msk [tilespmem:v3+s13+$0x0], $0xffff;
	_ =	sdelay $0x3  }
0x1e7: {  	v3 =	vld [tilespmem:$0x1CA0]  }
0x1e8: {  	[tilespmem:$0x2480] =	vst v1  }
0x1e9: {  	v1 =	vld.idx.msk [tilespmem:v2+s13+$0x0], $0xffff;
	_ =	sdelay $0x3  }
0x1ea: {  	v2 =	vld [tilespmem:$0x1CB0]  }
0x1eb: {  	[tilespmem:$0x2490] =	vst v1  }
0x1ec: {  	v1 =	vld.idx.msk [tilespmem:v3+s13+$0x0], $0xffff;
	_ =	sdelay $0x3  }
0x1ed: {  	v3 =	vld [tilespmem:$0x1CC0]  }
0x1ee: {  	[tilespmem:$0x24A0] =	vst v1  }
0x1ef: {  	v1 =	vld.idx.msk [tilespmem:v2+s13+$0x0], $0xffff;
	_ =	sdelay $0x3  }
0x1f0: {  	v2 =	vld [tilespmem:$0x1CD0]  }
0x1f1: {  	[tilespmem:$0x24B0] =	vst v1  }
0x1f2: {  	v1 =	vld.idx.msk [tilespmem:v3+s13+$0x0], $0xffff;
	_ =	sdelay $0x3  }
0x1f3: {  	v3 =	vld [tilespmem:$0x1CE0]  }
0x1f4: {  	[tilespmem:$0x24C0] =	vst v1  }
0x1f5: {  	v1 =	vld.idx.msk [tilespmem:v2+s13+$0x0], $0xffff;
	_ =	sdelay $0x3  }
0x1f6: {  	v2 =	vld [tilespmem:$0x1CF0]  }
0x1f7: {  	[tilespmem:$0x24D0] =	vst v1  }
0x1f8: {  	v1 =	vld.idx.msk [tilespmem:v3+s13+$0x0], $0xffff;
	_ =	sdelay $0x3  }
0x1f9: {  	v3 =	vld [tilespmem:$0x1D00]  }
0x1fa: {  	[tilespmem:$0x24E0] =	vst v1  }
0x1fb: {  	v1 =	vld.idx.msk [tilespmem:v2+s13+$0x0], $0xffff;
	_ =	sdelay $0x3  }
0x1fc: {  	v2 =	vld [tilespmem:$0x1D10]  }
0x1fd: {  	[tilespmem:$0x24F0] =	vst v1  }
0x1fe: {  	v1 =	vld.idx.msk [tilespmem:v3+s13+$0x0], $0xffff;
	_ =	sdelay $0x3  }
0x1ff: {  	v3 =	vld [tilespmem:$0x1D20]  }
0x200: {  	[tilespmem:$0x2500] =	vst v1  }
0x201: {  	v1 =	vld.idx.msk [tilespmem:v2+s13+$0x0], $0xffff;
	_ =	sdelay $0x3  }
0x202: {  	v2 =	vld [tilespmem:$0x1D30]  }
0x203: {  	[tilespmem:$0x2510] =	vst v1  }
0x204: {  	v1 =	vld.idx.msk [tilespmem:v3+s13+$0x0], $0xffff;
	_ =	sdelay $0x3  }
0x205: {  	v3 =	vld [tilespmem:$0x1D40]  }
0x206: {  	[tilespmem:$0x2520] =	vst v1  }
0x207: {  	v1 =	vld.idx.msk [tilespmem:v2+s13+$0x0], $0xffff;
	_ =	sdelay $0x3  }
0x208: {  	v2 =	vld [tilespmem:$0x1D50]  }
0x209: {  	[tilespmem:$0x2530] =	vst v1  }
0x20a: {  	v1 =	vld.idx.msk [tilespmem:v3+s13+$0x0], $0xffff;
	_ =	sdelay $0x3  }
0x20b: {  	v3 =	vld [tilespmem:$0x1D60]  }
0x20c: {  	[tilespmem:$0x2540] =	vst v1  }
0x20d: {  	v1 =	vld.idx.msk [tilespmem:v2+s13+$0x0], $0xffff;
	_ =	sdelay $0x3  }
0x20e: {  	v2 =	vld [tilespmem:$0x1D70]  }
0x20f: {  	[tilespmem:$0x2550] =	vst v1  }
0x210: {  	v1 =	vld.idx.msk [tilespmem:v3+s13+$0x0], $0xffff;
	_ =	sdelay $0x3  }
0x211: {  	v3 =	vld [tilespmem:$0x1D80]  }
0x212: {  	[tilespmem:$0x2560] =	vst v1  }
0x213: {  	v1 =	vld.idx.msk [tilespmem:v2+s13+$0x0], $0xffff;
	_ =	sdelay $0x3  }
0x214: {  	v2 =	vld [tilespmem:$0x1D90]  }
0x215: {  	[tilespmem:$0x2570] =	vst v1  }
0x216: {  	v1 =	vld.idx.msk [tilespmem:v3+s13+$0x0], $0xffff;
	_ =	sdelay $0x3  }
0x217: {  	v3 =	vld [tilespmem:$0x1DA0]  }
0x218: {  	[tilespmem:$0x2580] =	vst v1  }
0x219: {  	v1 =	vld.idx.msk [tilespmem:v2+s13+$0x0], $0xffff;
	_ =	sdelay $0x3  }
0x21a: {  	v2 =	vld [tilespmem:$0x1DB0]  }
0x21b: {  	[tilespmem:$0x2590] =	vst v1  }
0x21c: {  	v1 =	vld.idx.msk [tilespmem:v3+s13+$0x0], $0xffff;
	_ =	sdelay $0x3  }
0x21d: {  	v3 =	vld [tilespmem:$0x1DC0]  }
0x21e: {  	[tilespmem:$0x25A0] =	vst v1  }
0x21f: {  	v1 =	vld.idx.msk [tilespmem:v2+s13+$0x0], $0xffff;
	_ =	sdelay $0x3  }
0x220: {  	v2 =	vld [tilespmem:$0x1DD0]  }
0x221: {  	[tilespmem:$0x25B0] =	vst v1  }
0x222: {  	v1 =	vld.idx.msk [tilespmem:v3+s13+$0x0], $0xffff;
	_ =	sdelay $0x3  }
0x223: {  	v3 =	vld [tilespmem:$0x1DE0]  }
0x224: {  	[tilespmem:$0x25C0] =	vst v1  }
0x225: {  	v1 =	vld.idx.msk [tilespmem:v2+s13+$0x0], $0xffff;
	_ =	sdelay $0x3  }
0x226: {  	v2 =	vld [tilespmem:$0x1DF0]  }
0x227: {  	[tilespmem:$0x25D0] =	vst v1  }
0x228: {  	v1 =	vld.idx.msk [tilespmem:v3+s13+$0x0], $0xffff;
	_ =	sdelay $0x3  }
0x229: {  	v3 =	vld [tilespmem:$0x1E00]  }
0x22a: {  	[tilespmem:$0x25E0] =	vst v1  }
0x22b: {  	v1 =	vld.idx.msk [tilespmem:v2+s13+$0x0], $0xffff;
	_ =	sdelay $0x3  }
0x22c: {  	v2 =	vld [tilespmem:$0x1E10]  }
0x22d: {  	[tilespmem:$0x25F0] =	vst v1  }
0x22e: {  	v1 =	vld.idx.msk [tilespmem:v3+s13+$0x0], $0xffff;
	_ =	sdelay $0x3  }
0x22f: {  	v3 =	vld [tilespmem:$0x1E20]  }
0x230: {  	[tilespmem:$0x2600] =	vst v1  }
0x231: {  	v1 =	vld.idx.msk [tilespmem:v2+s13+$0x0], $0xffff;
	_ =	sdelay $0x3  }
0x232: {  	v2 =	vld [tilespmem:$0x1E30]  }
0x233: {  	[tilespmem:$0x2610] =	vst v1  }
0x234: {  	v1 =	vld.idx.msk [tilespmem:v3+s13+$0x0], $0xffff;
	_ =	sdelay $0x3  }
0x235: {  	v3 =	vld [tilespmem:$0x1E40]  }
0x236: {  	[tilespmem:$0x2620] =	vst v1  }
0x237: {  	v1 =	vld.idx.msk [tilespmem:v2+s13+$0x0], $0xffff;
	_ =	sdelay $0x3  }
0x238: {  	v2 =	vld [tilespmem:$0x1E50]  }
0x239: {  	[tilespmem:$0x2630] =	vst v1  }
0x23a: {  	v1 =	vld.idx.msk [tilespmem:v3+s13+$0x0], $0xffff;
	_ =	sdelay $0x3  }
0x23b: {  	v3 =	vld [tilespmem:$0x1E60]  }
0x23c: {  	[tilespmem:$0x2640] =	vst v1  }
0x23d: {  	v1 =	vld.idx.msk [tilespmem:v2+s13+$0x0], $0xffff;
	_ =	sdelay $0x3  }
0x23e: {  	v2 =	vld [tilespmem:$0x1E70]  }
0x23f: {  	[tilespmem:$0x2650] =	vst v1  }
0x240: {  	v1 =	vld.idx.msk [tilespmem:v3+s13+$0x0], $0xffff;
	_ =	sdelay $0x3  }
0x241: {  	v3 =	vld [tilespmem:$0x1E80]  }
0x242: {  	[tilespmem:$0x2660] =	vst v1  }
0x243: {  	v1 =	vld.idx.msk [tilespmem:v2+s13+$0x0], $0xffff;
	_ =	sdelay $0x3  }
0x244: {  	v2 =	vld [tilespmem:$0x1E90]  }
0x245: {  	[tilespmem:$0x2670] =	vst v1  }
0x246: {  	v1 =	vld.idx.msk [tilespmem:v3+s13+$0x0], $0xffff;
	_ =	sdelay $0x3  }
0x247: {  	v3 =	vld [tilespmem:$0x1EA0]  }
0x248: {  	[tilespmem:$0x2680] =	vst v1  }
0x249: {  	v1 =	vld.idx.msk [tilespmem:v2+s13+$0x0], $0xffff;
	_ =	sdelay $0x3  }
0x24a: {  	v2 =	vld [tilespmem:$0x1EB0]  }
0x24b: {  	[tilespmem:$0x2690] =	vst v1  }
0x24c: {  	v1 =	vld.idx.msk [tilespmem:v3+s13+$0x0], $0xffff;
	_ =	sdelay $0x3  }
0x24d: {  	v3 =	vld [tilespmem:$0x1EC0]  }
0x24e: {  	[tilespmem:$0x26A0] =	vst v1  }
0x24f: {  	v1 =	vld.idx.msk [tilespmem:v2+s13+$0x0], $0xffff;
	_ =	sdelay $0x3  }
0x250: {  	v2 =	vld [tilespmem:$0x1ED0]  }
0x251: {  	[tilespmem:$0x26B0] =	vst v1  }
0x252: {  	v1 =	vld.idx.msk [tilespmem:v3+s13+$0x0], $0xffff;
	_ =	sdelay $0x3  }
0x253: {  	v3 =	vld [tilespmem:$0x1EE0]  }
0x254: {  	[tilespmem:$0x26C0] =	vst v1  }
0x255: {  	v1 =	vld.idx.msk [tilespmem:v2+s13+$0x0], $0xffff;
	_ =	sdelay $0x3  }
0x256: {  	v2 =	vld [tilespmem:$0x1EF0]  }
0x257: {  	[tilespmem:$0x26D0] =	vst v1  }
0x258: {  	v1 =	vld.idx.msk [tilespmem:v3+s13+$0x0], $0xffff;
	_ =	sdelay $0x4  }
0x259: {  	[tilespmem:$0x26E0] =	vst v1  }
0x25a: {  	v1 =	vld.idx.msk [tilespmem:v2+s13+$0x0], $0xffff;
	_ =	sdelay $0x4  }
0x25b: {  	[tilespmem:$0x26F0] =	vst v1  }
0x25c: {  	_ =	strace $0x9000004E  }
0x25d: {  	_ =	strace $0x8000004F  }
0x25e: {  	_ =	swait.ge [sflag:s14], $0x320  }
0x25f: {  	[sflag:s14] =	ssyncset.done $0x0  }
0x260: {  	[sflag:s14] =	ssyncadd.s32 $0xFFFFFCE0  }
0x261: {  	[bflag:$0x0] =	sbarrier.arrive $0xFFFF  }
0x262: {  	_ =	strace $0x9000004F  }
0x263: {  	_ =	strace $0x80000050  }
0x264: {  	s3 =	rddreg [dreg:$0xf]  }
0x265: {  	[spmem:s1] =	stream.indirect.scatter.add.f32 [tilespmem:s3], [sflag:$0x3], $0x1, s10, s9, $0x2000b8;
	[tilespmem:$0x5A80] =	vst v63  }
0x266: {  	_ =	swait.ge [sflag:s8], $0x80  }
0x267: {  	s2 =	rddreg [dreg:$0x10];
	[sflag:s8] =	ssyncset.done $0x0  }
0x268: {  	s3 =	rddreg [dreg:$0x11];
	[sflag:s8] =	ssyncadd.s32 $0xFFFFFF80  }
0x269: {  	[spmem:s1] =	stream.indirect.scatter.add.f32 [tilespmem:s3], [sflag:$0x3], $0x1, s2, s9, $0x2000b8;
	[tilespmem:$0x5A80] =	vst v63  }
0x26a: {  	_ =	swait.ge [sflag:s8], $0x80  }
0x26b: {  	s2 =	rddreg [dreg:$0x12];
	[sflag:s8] =	ssyncset.done $0x0  }
0x26c: {  	s3 =	rddreg [dreg:$0x13];
	[sflag:s8] =	ssyncadd.s32 $0xFFFFFF80  }
0x26d: {  	[spmem:s1] =	stream.indirect.scatter.add.f32 [tilespmem:s3], [sflag:$0x3], $0x1, s2, s9, $0x2000b8;
	[tilespmem:$0x5A80] =	vst v63  }
0x26e: {  	_ =	swait.ge [sflag:s8], $0x80  }
0x26f: {  	s2 =	rddreg [dreg:$0x14];
	[sflag:s8] =	ssyncset.done $0x0  }
0x270: {  	s3 =	rddreg [dreg:$0x15];
	[sflag:s8] =	ssyncadd.s32 $0xFFFFFF80  }
0x271: {  	[spmem:s1] =	stream.indirect.scatter.add.f32 [tilespmem:s3], [sflag:$0x3], $0x1, s2, s9, $0x2000b8;
	[tilespmem:$0x5A80] =	vst v63  }
0x272: {  	_ =	swait.ge [sflag:s8], $0x80  }
0x273: {  	s2 =	rddreg [dreg:$0x16];
	[sflag:s8] =	ssyncset.done $0x0  }
0x274: {  	s3 =	rddreg [dreg:$0x17];
	[sflag:s8] =	ssyncadd.s32 $0xFFFFFF80  }
0x275: {  	[spmem:s1] =	stream.indirect.scatter.add.f32 [tilespmem:s3], [sflag:$0x3], $0x1, s2, s9, $0x2000b8;
	[tilespmem:$0x5A80] =	vst v63  }
0x276: {  	_ =	swait.ge [sflag:s8], $0x80  }
0x277: {  	[sflag:s8] =	ssyncset.done $0x0  }
0x278: {  	s3 =	rddreg [dreg:$0x18];
	[sflag:s8] =	ssyncadd.s32 $0xFFFFFF80  }
0x279: {  	[spmem:s1] =	stream.indirect.scatter.add.f32 [tilespmem:s15], [sflag:$0x3], $0x1, s3, s9, $0x2000b8;
	[tilespmem:$0x5A80] =	vst v63  }
0x27a: {  	_ =	swait.ge [sflag:s8], $0x80  }
0x27b: {  	[sflag:s8] =	ssyncset.done $0x0  }
0x27c: {  	[sflag:s8] =	ssyncadd.s32 $0xFFFFFF80  }
0x27d: {  	[spmem:s1] =	stream.indirect.scatter.add.f32 [tilespmem:s17], [sflag:$0x3], $0x1, s16, s9, $0x2000b8;
	[tilespmem:$0x5A80] =	vst v63  }
0x27e: {  	_ =	swait.ge [sflag:s8], $0x80  }
0x27f: {  	[sflag:s8] =	ssyncset.done $0x0  }
0x280: {  	[sflag:s8] =	ssyncadd.s32 $0xFFFFFF80  }
0x281: {  	[spmem:s1] =	stream.indirect.scatter.add.f32 [tilespmem:s19], [sflag:$0x3], $0x1, s18, s9, $0x2000b8;
	[tilespmem:$0x5A80] =	vst v63  }
0x282: {  	_ =	swait.ge [sflag:s8], $0x80  }
0x283: {  	[sflag:s8] =	ssyncset.done $0x0  }
0x284: {  	[sflag:s8] =	ssyncadd.s32 $0xFFFFFF80  }
0x285: {  	[spmem:s1] =	stream.indirect.scatter.add.f32 [tilespmem:s21], [sflag:$0x3], $0x1, s20, s9, $0x2000b8;
	[tilespmem:$0x5A80] =	vst v63  }
0x286: {  	_ =	swait.ge [sflag:s8], $0x80  }
0x287: {  	[sflag:s8] =	ssyncset.done $0x0  }
0x288: {  	[sflag:s8] =	ssyncadd.s32 $0xFFFFFF80  }
0x289: {  	[spmem:s1] =	stream.indirect.scatter.add.f32 [tilespmem:s23], [sflag:$0x3], $0x1, s22, s9, $0x2000b8;
	[tilespmem:$0x5A80] =	vst v63  }
0x28a: {  	_ =	swait.ge [sflag:s8], $0x80  }
0x28b: {  	[sflag:s8] =	ssyncset.done $0x0  }
0x28c: {  	[sflag:s8] =	ssyncadd.s32 $0xFFFFFF80  }
0x28d: {  	[spmem:s1] =	stream.indirect.scatter.add.f32 [tilespmem:s25], [sflag:$0x3], $0x1, s24, s9, $0x2000b8;
	[tilespmem:$0x5A80] =	vst v63  }
0x28e: {  	_ =	swait.ge [sflag:s8], $0x80  }
0x28f: {  	[sflag:s8] =	ssyncset.done $0x0  }
0x290: {  	[sflag:s8] =	ssyncadd.s32 $0xFFFFFF80  }
0x291: {  	[spmem:s1] =	stream.indirect.scatter.add.f32 [tilespmem:s28], [sflag:$0x3], $0x1, s26, s9, $0x2000b8;
	[tilespmem:$0x5A80] =	vst v63  }
0x292: {  	_ =	swait.ge [sflag:s8], $0x80  }
0x293: {  	[sflag:s8] =	ssyncset.done $0x0  }
0x294: {  	[sflag:s8] =	ssyncadd.s32 $0xFFFFFF80  }
0x295: {  	[spmem:s1] =	stream.indirect.scatter.add.f32 [tilespmem:s30], [sflag:$0x3], $0x1, s29, s9, $0x2000b8;
	[tilespmem:$0x5A80] =	vst v63  }
0x296: {  	_ =	swait.ge [sflag:s8], $0x80  }
0x297: {  	[sflag:s8] =	ssyncset.done $0x0  }
0x298: {  	[sflag:s8] =	ssyncadd.s32 $0xFFFFFF80  }
0x299: {  	[bflag:$0x0] =	sbarrier.arrive $0xFFFF  }
0x29a: {  	_ =	strace $0x90000050  }
0x29b: {  	_ =	strace $0x80000051  }
0x29c: {  	p0 =	sne.s32 s5, $0x1;
	s3 =	rddreg [dreg:$0xb]  }
0x29d: {  	[hbm:s3@s31], [sflag:s7] =	dma.strided [spmem:s6@s0], $0x320, s12, $0x10   }
.Ltmp0:
0x29e: {  	_ = 	snop;
	(pc) =	sbr.rel @p0 .LBB2_1-.Ltmp0, $4  }
0x29f: {  	_ =	swait.ge [sflag:s8], $0x320  }
0x2a0: {  	[sflag:s8] =	ssyncset.done $0x0  }
0x2a1: {  	[sflag:s8] =	ssyncadd.s32 $0xFFFFFCE0  }
0x2a2: {  	s5 =	sadd.s32 $0xFFFFFFFF, s5;
	_ =	strace $0x90000051  }
0x2a3: {  	_ =	sfence.sel $0x180000  }
0x2a4: {  	[bflag:$0x0] =	sbarrier.arrive $0xFFFF  }
0x2a5: {  	_ =	strace $0x9000004A  }
0x2a6: {  	s0 =	stileid.u32;
	[bflag:$0x2] =	sbarrier.arrive $0xFFFF  }
0x2a7: {  	p0 =	sne.s32 s0, $0x0;
	s0 =	rddreg [dreg:$0x3]  }
0x2a8: {  	s0 =	sadd.s32 @!p0 $0x100000, s0  }
0x2a9: {  	[sflag:s0] =	ssyncadd.tile.s32 @!p0 $0x1;
	_ =	shalt  }
.Lfunc_end2:
_tile_overlayer_lowered:
.L_overlay_start_2:
0x2aa: {  	(tag) =	ssettag $0x2  }
0x2ab: {  	s0 =	rddreg [dreg:$0x0];
	s2 =	stileid.u32  }
0x2ac: {  	s1 =	rddreg [dreg:$0x1];
	p0 =	sne.s32 s2, $0x0  }
0x2ad: {  	s3 =	rddreg [dreg:$0x2];
	[bflag:$0x3] =	sbarrier.arrive $0xFFFF;
	s2 =	simm.s32 @!p0 $0x1C03  }
0x2ae: {  	[timem:s3], [sflag:s2] =	dma.local @!p0 [hbm:s0], s1  }
0x2af: {  	s0 =	simm.s32 @!p0 $0x3  }
0x2b0: {  	_ =	swait.ge @!p0 [sflag:s0], s1  }
0x2b1: {  	s1 =	ssub.s32 @!p0 $0x0, s1;
	[sflag:s0] =	ssyncset.done @!p0 $0x0  }
0x2b2: {  	[sflag:s0] =	ssyncadd.s32 @!p0 s1  }
0x2b3: {  	[bflag:$0x3] =	sbarrier.arrive $0xFFFF  }
0x2b4: {  	_ =	shalt  }

</sc_bundles>
